<compile_context>
chip_gen: v7x
topology: tpu7x:2x2x1
jax: 0.10.2.dev20260603
libtpu: 0.0.44.dev20260713+nightly
codegen_flags: <defaults>
</compile_context>

<pallas_src>
import jax
import jax.numpy as jnp
from jax import lax
from jax.experimental import pallas as pl
from jax.experimental.pallas import tpu as pltpu
from jax.experimental.pallas import tpu_sc as plsc

NUM_TERMS = 16
NUM_COLS = 16384
DEPTH = 128
NUM_WORKERS = 32
COLS_PER_W = NUM_COLS // NUM_WORKERS
CHUNK = 128
NUM_CHUNKS = COLS_PER_W // CHUNK
LANES = 16
VECS_PER_ROW = DEPTH // LANES


def _body(x_hbm, pe_hbm, out_hbm,
          idx_v, acc0, acc1, acc2, acc3,
          gsem0, gsem1, gsem2, gsem3, wsem0):
    cid = lax.axis_index("c")
    sid = lax.axis_index("s")
    wid = sid * 2 + cid
    col0 = wid * COLS_PER_W
    inv = jnp.float32(1.0 / NUM_TERMS)
    zvec = jnp.zeros((LANES,), jnp.float32)

    accs = (acc0, acc1, acc2, acc3)
    gsems = (gsem0, gsem1, gsem2, gsem3)
    wsems = (wsem0,)

    def zero_acc(acc):
        def zbody(r, carry):
            for j in range(VECS_PER_ROW):
                acc[r, pl.ds(j * LANES, LANES)] = zvec
            return carry
        lax.fori_loop(0, CHUNK, zbody, 0)

    def fire(k):
        return [
            pltpu.async_copy(
                pe_hbm.at[idx_v.at[i, pl.ds(k * CHUNK, CHUNK)]],
                accs[k], gsems[k], add=True)
            for i in range(NUM_TERMS)
        ]

    idx0_cp = pltpu.async_copy(x_hbm.at[:, pl.ds(col0, CHUNK)],
                               idx_v.at[:, pl.ds(0, CHUNK)], wsem0)
    zero_acc(acc0)
    idx0_cp.wait()
    pending = {0: fire(0)}
    idxr_cp = pltpu.async_copy(
        x_hbm.at[:, pl.ds(col0 + CHUNK, COLS_PER_W - CHUNK)],
        idx_v.at[:, pl.ds(CHUNK, COLS_PER_W - CHUNK)], wsem0)
    zero_acc(acc1)
    idxr_cp.wait()
    pending[1] = fire(1)
    for k in range(2, NUM_CHUNKS):
        zero_acc(accs[k])
        pending[k] = fire(k)

    wb = []
    for k in range(NUM_CHUNKS):
        acc = accs[k]
        for cd in pending.pop(k):
            cd.wait()

        def row_body(r2, carry):
            for r in (2 * r2, 2 * r2 + 1):
                for j in range(VECS_PER_ROW):
                    sl = pl.ds(j * LANES, LANES)
                    acc[r, sl] = acc[r, sl] * inv
            return carry

        lax.fori_loop(0, CHUNK // 2, row_body, 0)
        wb.append(pltpu.async_copy(
            acc, out_hbm.at[pl.ds(col0 + k * CHUNK, CHUNK)], wsems[0]))
    for cd in wb:
        cd.wait()


@jax.jit
def kernel(x, position_encoding):
    mesh = plsc.VectorSubcoreMesh(core_axis_name="c", subcore_axis_name="s")
    f = pl.kernel(
        _body,
        mesh=mesh,
        out_type=jax.ShapeDtypeStruct((NUM_COLS, DEPTH), jnp.float32),
        scratch_types=(
            [pltpu.VMEM((NUM_TERMS, COLS_PER_W), jnp.int32)]
            + [pltpu.VMEM((CHUNK, DEPTH), jnp.float32)] * 4
            + [pltpu.SemaphoreType.DMA] * 5
        ),
    )
    return f(x, position_encoding)

# --- scband reference (transcript-rebuilt; emitter-appended) ---
"""Pipeline reference for scband-tree-nodes-encoding-33938831573271 (READ-ONLY COPY).

The authoritative reference and input builder live on the scoring server;
editing this copy changes nothing except your own understanding.
"""

import jax, jax.numpy as jnp
import numpy as np

MAX_NODES = 100000
DEPTH = 128  # even, so no +1 adjustment in __init__


def _build_position_encoding():
    position = np.arange(MAX_NODES, dtype=np.float32)[:, None]
    div_term = np.exp(np.arange(0, DEPTH, 2, dtype=np.float32) * (-3.5 / DEPTH))
    pe = np.zeros((MAX_NODES, DEPTH), dtype=np.float32)
    pe[:, 0::2] = np.sin(position * div_term)
    pe[:, 1::2] = np.cos(position * div_term)
    return jnp.asarray(pe)


def setup_inputs(seed: int = 0) -> dict:
    key = jax.random.key(seed)
    x = jax.random.randint(key, (16, 16384), 0, MAX_NODES)
    position_encoding = _build_position_encoding()
    return {"x": x, "position_encoding": position_encoding}


def reference(x, position_encoding):
    # te = position_encoding[x].sum(dim=-3) / x.shape[0]
    # pe[x] has shape (*x.shape, DEPTH) = (16, 16384, 128); dim=-3 is axis 0.
    gathered = jnp.take(position_encoding, x, axis=0)
    te = gathered.sum(axis=-3) / x.shape[0]
    # tree_size is None -> no masking; dropout p=0 -> identity
    return te

if __name__ == "__main__":
    import jax
    _d = setup_inputs()
    print(jax.jit(kernel)(*tuple(_d.values())))

</pallas_src>

<mosaic_0001>
#map = affine_map<(d0, d1) -> (0, 0)>
module attributes {stable_mosaic.version = 14 : i64} {
  func.func @_body(%arg0: i32, %arg1: i32, %arg2: memref<16x16384xi32, #tpu.memory_space<hbm>>, %arg3: memref<100000x128xf32, #tpu.memory_space<hbm>>, %arg4: memref<16384x128xf32, #tpu.memory_space<hbm>>, %arg5: memref<16x512xi32, #tpu.memory_space<vmem>>, %arg6: memref<128x128xf32, #tpu.memory_space<vmem>>, %arg7: memref<128x128xf32, #tpu.memory_space<vmem>>, %arg8: memref<128x128xf32, #tpu.memory_space<vmem>>, %arg9: memref<128x128xf32, #tpu.memory_space<vmem>>, %arg10: memref<!tpu.dma_semaphore, #tpu.memory_space<semaphore_mem>>, %arg11: memref<!tpu.dma_semaphore, #tpu.memory_space<semaphore_mem>>, %arg12: memref<!tpu.dma_semaphore, #tpu.memory_space<semaphore_mem>>, %arg13: memref<!tpu.dma_semaphore, #tpu.memory_space<semaphore_mem>>, %arg14: memref<!tpu.dma_semaphore, #tpu.memory_space<semaphore_mem>>) attributes {dimension_semantics = [#tpu.dimension_semantics<core_parallel>, #tpu.dimension_semantics<subcore_parallel>], iteration_bounds = array<i64: 2, 16>, scalar_prefetch = 0 : i64, scratch_operands = 10 : i64, tpu.core_type = #tpu.core_type<sc_vector_subcore>, window_params = [{transform_indices = #map}, {transform_indices = #map}, {transform_indices = #map}]} {
    %mul3A = arith.constant 2 : i32
    %mul3A_0 = arith.muli %arg1, %mul3A : i32
    %add3A = arith.addi %mul3A_0, %arg0 : i32
    %mul3A_1 = arith.constant 512 : i32
    %mul3A_2 = arith.muli %add3A, %mul3A_1 : i32
    %broadcast_in_dim3A = arith.constant 0.000000e+00 : f32
    %broadcast_in_dim3A_3 = vector.broadcast %broadcast_in_dim3A : f32 to vector<16xf32>
    %dma_start3A = arith.constant 0 : i32
    %dma_start3A_4 = arith.constant 0 : i32
    %dma_start3A_5 = tpu.memref_slice %arg5[%dma_start3A, %dma_start3A_4] : memref<16x512xi32, #tpu.memory_space<vmem>> -> memref<16x128xi32, #tpu.memory_space<vmem>>
    %dma_start3A_6 = arith.constant 0 : i32
    %dma_start3A_7 = tpu.memref_slice %arg2[%dma_start3A_6, %mul3A_2] : memref<16x16384xi32, #tpu.memory_space<hbm>> -> memref<16x128xi32, #tpu.memory_space<hbm>>
    %dma_start3A_8 = arith.constant 0 : i32
    %dma_start3A_9 = arith.constant 0 : i32
    %dma_start3A_10 = tpu.memref_slice %arg5[%dma_start3A_8, %dma_start3A_9] : memref<16x512xi32, #tpu.memory_space<vmem>> -> memref<16x128xi32, #tpu.memory_space<vmem>>
    %dma_start3A_11 = arith.constant 0 : i32
    %dma_start3A_12 = tpu.memref_slice %arg2[%dma_start3A_11, %mul3A_2] : memref<16x16384xi32, #tpu.memory_space<hbm>> -> memref<16x128xi32, #tpu.memory_space<hbm>>
    tpu.enqueue_dma source(%dma_start3A_12 : memref<16x128xi32, #tpu.memory_space<hbm>>) target(%dma_start3A_10 : memref<16x128xi32, #tpu.memory_space<vmem>>) target_semaphore(%arg14 : memref<!tpu.dma_semaphore, #tpu.memory_space<semaphore_mem>>)
    %scan3A = arith.constant 0 : i32
    %scan3A_13 = arith.constant 0 : i32
    %scan3A_14 = arith.constant 128 : i32
    %scan3A_15 = arith.addi %scan3A_13, %scan3A_14 : i32
    %scan3A_16 = arith.constant 1 : i32
    scf.for %scan3A_1031 = %scan3A_13 to %scan3A_15 step %scan3A_16  : i32 {
      %swap3A = arith.index_cast %scan3A_1031 : i32 to index
      %swap3A_1032 = arith.constant 0 : index
      %swap3A_1033 = tpu.vector_load %arg6[%swap3A, %swap3A_1032] {strides = array<i32>} : memref<128x128xf32, #tpu.memory_space<vmem>>, vector<1x16xf32>,
      %swap3A_1034 = vector.shape_cast %swap3A_1033 : vector<1x16xf32> to vector<16xf32>
      %swap3A_1035 = vector.shape_cast %broadcast_in_dim3A_3 : vector<16xf32> to vector<1x16xf32>
      tpu.vector_store %arg6[%swap3A, %swap3A_1032], %swap3A_1035 {strides = array<i32>} : memref<128x128xf32, #tpu.memory_space<vmem>>, vector<1x16xf32>,
      %swap3A_1036 = arith.index_cast %scan3A_1031 : i32 to index
      %swap3A_1037 = arith.constant 16 : index
      %swap3A_1038 = tpu.vector_load %arg6[%swap3A_1036, %swap3A_1037] {strides = array<i32>} : memref<128x128xf32, #tpu.memory_space<vmem>>, vector<1x16xf32>,
      %swap3A_1039 = vector.shape_cast %swap3A_1038 : vector<1x16xf32> to vector<16xf32>
      %swap3A_1040 = vector.shape_cast %broadcast_in_dim3A_3 : vector<16xf32> to vector<1x16xf32>
      tpu.vector_store %arg6[%swap3A_1036, %swap3A_1037], %swap3A_1040 {strides = array<i32>} : memref<128x128xf32, #tpu.memory_space<vmem>>, vector<1x16xf32>,
      %swap3A_1041 = arith.index_cast %scan3A_1031 : i32 to index
      %swap3A_1042 = arith.constant 32 : index
      %swap3A_1043 = tpu.vector_load %arg6[%swap3A_1041, %swap3A_1042] {strides = array<i32>} : memref<128x128xf32, #tpu.memory_space<vmem>>, vector<1x16xf32>,
      %swap3A_1044 = vector.shape_cast %swap3A_1043 : vector<1x16xf32> to vector<16xf32>
      %swap3A_1045 = vector.shape_cast %broadcast_in_dim3A_3 : vector<16xf32> to vector<1x16xf32>
      tpu.vector_store %arg6[%swap3A_1041, %swap3A_1042], %swap3A_1045 {strides = array<i32>} : memref<128x128xf32, #tpu.memory_space<vmem>>, vector<1x16xf32>,
      %swap3A_1046 = arith.index_cast %scan3A_1031 : i32 to index
      %swap3A_1047 = arith.constant 48 : index
      %swap3A_1048 = tpu.vector_load %arg6[%swap3A_1046, %swap3A_1047] {strides = array<i32>} : memref<128x128xf32, #tpu.memory_space<vmem>>, vector<1x16xf32>,
      %swap3A_1049 = vector.shape_cast %swap3A_1048 : vector<1x16xf32> to vector<16xf32>
      %swap3A_1050 = vector.shape_cast %broadcast_in_dim3A_3 : vector<16xf32> to vector<1x16xf32>
      tpu.vector_store %arg6[%swap3A_1046, %swap3A_1047], %swap3A_1050 {strides = array<i32>} : memref<128x128xf32, #tpu.memory_space<vmem>>, vector<1x16xf32>,
      %swap3A_1051 = arith.index_cast %scan3A_1031 : i32 to index
      %swap3A_1052 = arith.constant 64 : index
      %swap3A_1053 = tpu.vector_load %arg6[%swap3A_1051, %swap3A_1052] {strides = array<i32>} : memref<128x128xf32, #tpu.memory_space<vmem>>, vector<1x16xf32>,
      %swap3A_1054 = vector.shape_cast %swap3A_1053 : vector<1x16xf32> to vector<16xf32>
      %swap3A_1055 = vector.shape_cast %broadcast_in_dim3A_3 : vector<16xf32> to vector<1x16xf32>
      tpu.vector_store %arg6[%swap3A_1051, %swap3A_1052], %swap3A_1055 {strides = array<i32>} : memref<128x128xf32, #tpu.memory_space<vmem>>, vector<1x16xf32>,
      %swap3A_1056 = arith.index_cast %scan3A_1031 : i32 to index
      %swap3A_1057 = arith.constant 80 : index
      %swap3A_1058 = tpu.vector_load %arg6[%swap3A_1056, %swap3A_1057] {strides = array<i32>} : memref<128x128xf32, #tpu.memory_space<vmem>>, vector<1x16xf32>,
      %swap3A_1059 = vector.shape_cast %swap3A_1058 : vector<1x16xf32> to vector<16xf32>
      %swap3A_1060 = vector.shape_cast %broadcast_in_dim3A_3 : vector<16xf32> to vector<1x16xf32>
      tpu.vector_store %arg6[%swap3A_1056, %swap3A_1057], %swap3A_1060 {strides = array<i32>} : memref<128x128xf32, #tpu.memory_space<vmem>>, vector<1x16xf32>,
      %swap3A_1061 = arith.index_cast %scan3A_1031 : i32 to index
      %swap3A_1062 = arith.constant 96 : index
      %swap3A_1063 = tpu.vector_load %arg6[%swap3A_1061, %swap3A_1062] {strides = array<i32>} : memref<128x128xf32, #tpu.memory_space<vmem>>, vector<1x16xf32>,
      %swap3A_1064 = vector.shape_cast %swap3A_1063 : vector<1x16xf32> to vector<16xf32>
      %swap3A_1065 = vector.shape_cast %broadcast_in_dim3A_3 : vector<16xf32> to vector<1x16xf32>
      tpu.vector_store %arg6[%swap3A_1061, %swap3A_1062], %swap3A_1065 {strides = array<i32>} : memref<128x128xf32, #tpu.memory_space<vmem>>, vector<1x16xf32>,
      %swap3A_1066 = arith.index_cast %scan3A_1031 : i32 to index
      %swap3A_1067 = arith.constant 112 : index
      %swap3A_1068 = tpu.vector_load %arg6[%swap3A_1066, %swap3A_1067] {strides = array<i32>} : memref<128x128xf32, #tpu.memory_space<vmem>>, vector<1x16xf32>,
      %swap3A_1069 = vector.shape_cast %swap3A_1068 : vector<1x16xf32> to vector<16xf32>
      %swap3A_1070 = vector.shape_cast %broadcast_in_dim3A_3 : vector<16xf32> to vector<1x16xf32>
      tpu.vector_store %arg6[%swap3A_1066, %swap3A_1067], %swap3A_1070 {strides = array<i32>} : memref<128x128xf32, #tpu.memory_space<vmem>>, vector<1x16xf32>,
    }
    %scan3A_17 = arith.constant 128 : i32
    %dma_wait3A = arith.constant 0 : i32
    %dma_wait3A_18 = arith.constant 0 : i32
    %dma_wait3A_19 = tpu.memref_slice %arg5[%dma_wait3A, %dma_wait3A_18] : memref<16x512xi32, #tpu.memory_space<vmem>> -> memref<16x128xi32, #tpu.memory_space<vmem>>
    %dma_wait3A_20 = arith.constant 0 : i32
    %dma_wait3A_21 = tpu.memref_slice %arg2[%dma_wait3A_20, %mul3A_2] : memref<16x16384xi32, #tpu.memory_space<hbm>> -> memref<16x128xi32, #tpu.memory_space<hbm>>
    %dma_wait3A_22 = arith.constant 0 : i32
    %dma_wait3A_23 = arith.constant 0 : i32
    %dma_wait3A_24 = tpu.memref_slice %arg5[%dma_wait3A_22, %dma_wait3A_23] : memref<16x512xi32, #tpu.memory_space<vmem>> -> memref<16x128xi32, #tpu.memory_space<vmem>>
    %dma_wait3A_25 = arith.constant 0 : i32
    %dma_wait3A_26 = tpu.memref_slice %arg2[%dma_wait3A_25, %mul3A_2] : memref<16x16384xi32, #tpu.memory_space<hbm>> -> memref<16x128xi32, #tpu.memory_space<hbm>>
    tpu.wait_dma2 semaphore(%arg14 : memref<!tpu.dma_semaphore, #tpu.memory_space<semaphore_mem>>) src(%dma_wait3A_26 : memref<16x128xi32, #tpu.memory_space<hbm>>) dst(%dma_wait3A_24 : memref<16x128xi32, #tpu.memory_space<vmem>>)
    %dma_start3A_27 = arith.constant 0 : i32
    %dma_start3A_28 = arith.constant 0 : i32
    %dma_start3A_29 = tpu.memref_slice %arg5[%dma_start3A_27, %dma_start3A_28] : memref<16x512xi32, #tpu.memory_space<vmem>> -> memref<1x128xi32, #tpu.memory_space<vmem>>
    %dma_start3A_30 = tpu.memref_squeeze %dma_start3A_29 : memref<1x128xi32, #tpu.memory_space<vmem>> -> memref<128xi32, #tpu.memory_space<vmem>>
    %dma_start3A_31 = arith.constant 0 : i32
    %dma_start3A_32 = arith.constant 0 : i32
    %dma_start3A_33 = tpu.memref_slice %arg3[%dma_start3A_31, %dma_start3A_32] : memref<100000x128xf32, #tpu.memory_space<hbm>> -> memref<100000x128xf32, #tpu.memory_space<hbm>>
    tpu.enqueue_indirect_dma source(%dma_start3A_33 : memref<100000x128xf32, #tpu.memory_space<hbm>>) target(%arg6 : memref<128x128xf32, #tpu.memory_space<vmem>>) offsets(%dma_start3A_30 : memref<128xi32, #tpu.memory_space<vmem>>) semaphore(%arg10 : memref<!tpu.dma_semaphore, #tpu.memory_space<semaphore_mem>>) {add = true}
    %dma_start3A_34 = arith.constant 1 : i32
    %dma_start3A_35 = arith.constant 0 : i32
    %dma_start3A_36 = tpu.memref_slice %arg5[%dma_start3A_34, %dma_start3A_35] : memref<16x512xi32, #tpu.memory_space<vmem>> -> memref<1x128xi32, #tpu.memory_space<vmem>>
    %dma_start3A_37 = tpu.memref_squeeze %dma_start3A_36 : memref<1x128xi32, #tpu.memory_space<vmem>> -> memref<128xi32, #tpu.memory_space<vmem>>
    %dma_start3A_38 = arith.constant 0 : i32
    %dma_start3A_39 = arith.constant 0 : i32
    %dma_start3A_40 = tpu.memref_slice %arg3[%dma_start3A_38, %dma_start3A_39] : memref<100000x128xf32, #tpu.memory_space<hbm>> -> memref<100000x128xf32, #tpu.memory_space<hbm>>
    tpu.enqueue_indirect_dma source(%dma_start3A_40 : memref<100000x128xf32, #tpu.memory_space<hbm>>) target(%arg6 : memref<128x128xf32, #tpu.memory_space<vmem>>) offsets(%dma_start3A_37 : memref<128xi32, #tpu.memory_space<vmem>>) semaphore(%arg10 : memref<!tpu.dma_semaphore, #tpu.memory_space<semaphore_mem>>) {add = true}
    %dma_start3A_41 = arith.constant 2 : i32
    %dma_start3A_42 = arith.constant 0 : i32
    %dma_start3A_43 = tpu.memref_slice %arg5[%dma_start3A_41, %dma_start3A_42] : memref<16x512xi32, #tpu.memory_space<vmem>> -> memref<1x128xi32, #tpu.memory_space<vmem>>
    %dma_start3A_44 = tpu.memref_squeeze %dma_start3A_43 : memref<1x128xi32, #tpu.memory_space<vmem>> -> memref<128xi32, #tpu.memory_space<vmem>>
    %dma_start3A_45 = arith.constant 0 : i32
    %dma_start3A_46 = arith.constant 0 : i32
    %dma_start3A_47 = tpu.memref_slice %arg3[%dma_start3A_45, %dma_start3A_46] : memref<100000x128xf32, #tpu.memory_space<hbm>> -> memref<100000x128xf32, #tpu.memory_space<hbm>>
    tpu.enqueue_indirect_dma source(%dma_start3A_47 : memref<100000x128xf32, #tpu.memory_space<hbm>>) target(%arg6 : memref<128x128xf32, #tpu.memory_space<vmem>>) offsets(%dma_start3A_44 : memref<128xi32, #tpu.memory_space<vmem>>) semaphore(%arg10 : memref<!tpu.dma_semaphore, #tpu.memory_space<semaphore_mem>>) {add = true}
    %dma_start3A_48 = arith.constant 3 : i32
    %dma_start3A_49 = arith.constant 0 : i32
    %dma_start3A_50 = tpu.memref_slice %arg5[%dma_start3A_48, %dma_start3A_49] : memref<16x512xi32, #tpu.memory_space<vmem>> -> memref<1x128xi32, #tpu.memory_space<vmem>>
    %dma_start3A_51 = tpu.memref_squeeze %dma_start3A_50 : memref<1x128xi32, #tpu.memory_space<vmem>> -> memref<128xi32, #tpu.memory_space<vmem>>
    %dma_start3A_52 = arith.constant 0 : i32
    %dma_start3A_53 = arith.constant 0 : i32
    %dma_start3A_54 = tpu.memref_slice %arg3[%dma_start3A_52, %dma_start3A_53] : memref<100000x128xf32, #tpu.memory_space<hbm>> -> memref<100000x128xf32, #tpu.memory_space<hbm>>
    tpu.enqueue_indirect_dma source(%dma_start3A_54 : memref<100000x128xf32, #tpu.memory_space<hbm>>) target(%arg6 : memref<128x128xf32, #tpu.memory_space<vmem>>) offsets(%dma_start3A_51 : memref<128xi32, #tpu.memory_space<vmem>>) semaphore(%arg10 : memref<!tpu.dma_semaphore, #tpu.memory_space<semaphore_mem>>) {add = true}
    %dma_start3A_55 = arith.constant 4 : i32
    %dma_start3A_56 = arith.constant 0 : i32
    %dma_start3A_57 = tpu.memref_slice %arg5[%dma_start3A_55, %dma_start3A_56] : memref<16x512xi32, #tpu.memory_space<vmem>> -> memref<1x128xi32, #tpu.memory_space<vmem>>
    %dma_start3A_58 = tpu.memref_squeeze %dma_start3A_57 : memref<1x128xi32, #tpu.memory_space<vmem>> -> memref<128xi32, #tpu.memory_space<vmem>>
    %dma_start3A_59 = arith.constant 0 : i32
    %dma_start3A_60 = arith.constant 0 : i32
    %dma_start3A_61 = tpu.memref_slice %arg3[%dma_start3A_59, %dma_start3A_60] : memref<100000x128xf32, #tpu.memory_space<hbm>> -> memref<100000x128xf32, #tpu.memory_space<hbm>>
    tpu.enqueue_indirect_dma source(%dma_start3A_61 : memref<100000x128xf32, #tpu.memory_space<hbm>>) target(%arg6 : memref<128x128xf32, #tpu.memory_space<vmem>>) offsets(%dma_start3A_58 : memref<128xi32, #tpu.memory_space<vmem>>) semaphore(%arg10 : memref<!tpu.dma_semaphore, #tpu.memory_space<semaphore_mem>>) {add = true}
    %dma_start3A_62 = arith.constant 5 : i32
    %dma_start3A_63 = arith.constant 0 : i32
    %dma_start3A_64 = tpu.memref_slice %arg5[%dma_start3A_62, %dma_start3A_63] : memref<16x512xi32, #tpu.memory_space<vmem>> -> memref<1x128xi32, #tpu.memory_space<vmem>>
    %dma_start3A_65 = tpu.memref_squeeze %dma_start3A_64 : memref<1x128xi32, #tpu.memory_space<vmem>> -> memref<128xi32, #tpu.memory_space<vmem>>
    %dma_start3A_66 = arith.constant 0 : i32
    %dma_start3A_67 = arith.constant 0 : i32
    %dma_start3A_68 = tpu.memref_slice %arg3[%dma_start3A_66, %dma_start3A_67] : memref<100000x128xf32, #tpu.memory_space<hbm>> -> memref<100000x128xf32, #tpu.memory_space<hbm>>
    tpu.enqueue_indirect_dma source(%dma_start3A_68 : memref<100000x128xf32, #tpu.memory_space<hbm>>) target(%arg6 : memref<128x128xf32, #tpu.memory_space<vmem>>) offsets(%dma_start3A_65 : memref<128xi32, #tpu.memory_space<vmem>>) semaphore(%arg10 : memref<!tpu.dma_semaphore, #tpu.memory_space<semaphore_mem>>) {add = true}
    %dma_start3A_69 = arith.constant 6 : i32
    %dma_start3A_70 = arith.constant 0 : i32
    %dma_start3A_71 = tpu.memref_slice %arg5[%dma_start3A_69, %dma_start3A_70] : memref<16x512xi32, #tpu.memory_space<vmem>> -> memref<1x128xi32, #tpu.memory_space<vmem>>
    %dma_start3A_72 = tpu.memref_squeeze %dma_start3A_71 : memref<1x128xi32, #tpu.memory_space<vmem>> -> memref<128xi32, #tpu.memory_space<vmem>>
    %dma_start3A_73 = arith.constant 0 : i32
    %dma_start3A_74 = arith.constant 0 : i32
    %dma_start3A_75 = tpu.memref_slice %arg3[%dma_start3A_73, %dma_start3A_74] : memref<100000x128xf32, #tpu.memory_space<hbm>> -> memref<100000x128xf32, #tpu.memory_space<hbm>>
    tpu.enqueue_indirect_dma source(%dma_start3A_75 : memref<100000x128xf32, #tpu.memory_space<hbm>>) target(%arg6 : memref<128x128xf32, #tpu.memory_space<vmem>>) offsets(%dma_start3A_72 : memref<128xi32, #tpu.memory_space<vmem>>) semaphore(%arg10 : memref<!tpu.dma_semaphore, #tpu.memory_space<semaphore_mem>>) {add = true}
    %dma_start3A_76 = arith.constant 7 : i32
    %dma_start3A_77 = arith.constant 0 : i32
    %dma_start3A_78 = tpu.memref_slice %arg5[%dma_start3A_76, %dma_start3A_77] : memref<16x512xi32, #tpu.memory_space<vmem>> -> memref<1x128xi32, #tpu.memory_space<vmem>>
    %dma_start3A_79 = tpu.memref_squeeze %dma_start3A_78 : memref<1x128xi32, #tpu.memory_space<vmem>> -> memref<128xi32, #tpu.memory_space<vmem>>
    %dma_start3A_80 = arith.constant 0 : i32
    %dma_start3A_81 = arith.constant 0 : i32
    %dma_start3A_82 = tpu.memref_slice %arg3[%dma_start3A_80, %dma_start3A_81] : memref<100000x128xf32, #tpu.memory_space<hbm>> -> memref<100000x128xf32, #tpu.memory_space<hbm>>
    tpu.enqueue_indirect_dma source(%dma_start3A_82 : memref<100000x128xf32, #tpu.memory_space<hbm>>) target(%arg6 : memref<128x128xf32, #tpu.memory_space<vmem>>) offsets(%dma_start3A_79 : memref<128xi32, #tpu.memory_space<vmem>>) semaphore(%arg10 : memref<!tpu.dma_semaphore, #tpu.memory_space<semaphore_mem>>) {add = true}
    %dma_start3A_83 = arith.constant 8 : i32
    %dma_start3A_84 = arith.constant 0 : i32
    %dma_start3A_85 = tpu.memref_slice %arg5[%dma_start3A_83, %dma_start3A_84] : memref<16x512xi32, #tpu.memory_space<vmem>> -> memref<1x128xi32, #tpu.memory_space<vmem>>
    %dma_start3A_86 = tpu.memref_squeeze %dma_start3A_85 : memref<1x128xi32, #tpu.memory_space<vmem>> -> memref<128xi32, #tpu.memory_space<vmem>>
    %dma_start3A_87 = arith.constant 0 : i32
    %dma_start3A_88 = arith.constant 0 : i32
    %dma_start3A_89 = tpu.memref_slice %arg3[%dma_start3A_87, %dma_start3A_88] : memref<100000x128xf32, #tpu.memory_space<hbm>> -> memref<100000x128xf32, #tpu.memory_space<hbm>>
    tpu.enqueue_indirect_dma source(%dma_start3A_89 : memref<100000x128xf32, #tpu.memory_space<hbm>>) target(%arg6 : memref<128x128xf32, #tpu.memory_space<vmem>>) offsets(%dma_start3A_86 : memref<128xi32, #tpu.memory_space<vmem>>) semaphore(%arg10 : memref<!tpu.dma_semaphore, #tpu.memory_space<semaphore_mem>>) {add = true}
    %dma_start3A_90 = arith.constant 9 : i32
    %dma_start3A_91 = arith.constant 0 : i32
    %dma_start3A_92 = tpu.memref_slice %arg5[%dma_start3A_90, %dma_start3A_91] : memref<16x512xi32, #tpu.memory_space<vmem>> -> memref<1x128xi32, #tpu.memory_space<vmem>>
    %dma_start3A_93 = tpu.memref_squeeze %dma_start3A_92 : memref<1x128xi32, #tpu.memory_space<vmem>> -> memref<128xi32, #tpu.memory_space<vmem>>
    %dma_start3A_94 = arith.constant 0 : i32
    %dma_start3A_95 = arith.constant 0 : i32
    %dma_start3A_96 = tpu.memref_slice %arg3[%dma_start3A_94, %dma_start3A_95] : memref<100000x128xf32, #tpu.memory_space<hbm>> -> memref<100000x128xf32, #tpu.memory_space<hbm>>
    tpu.enqueue_indirect_dma source(%dma_start3A_96 : memref<100000x128xf32, #tpu.memory_space<hbm>>) target(%arg6 : memref<128x128xf32, #tpu.memory_space<vmem>>) offsets(%dma_start3A_93 : memref<128xi32, #tpu.memory_space<vmem>>) semaphore(%arg10 : memref<!tpu.dma_semaphore, #tpu.memory_space<semaphore_mem>>) {add = true}
    %dma_start3A_97 = arith.constant 10 : i32
    %dma_start3A_98 = arith.constant 0 : i32
    %dma_start3A_99 = tpu.memref_slice %arg5[%dma_start3A_97, %dma_start3A_98] : memref<16x512xi32, #tpu.memory_space<vmem>> -> memref<1x128xi32, #tpu.memory_space<vmem>>
    %dma_start3A_100 = tpu.memref_squeeze %dma_start3A_99 : memref<1x128xi32, #tpu.memory_space<vmem>> -> memref<128xi32, #tpu.memory_space<vmem>>
    %dma_start3A_101 = arith.constant 0 : i32
    %dma_start3A_102 = arith.constant 0 : i32
    %dma_start3A_103 = tpu.memref_slice %arg3[%dma_start3A_101, %dma_start3A_102] : memref<100000x128xf32, #tpu.memory_space<hbm>> -> memref<100000x128xf32, #tpu.memory_space<hbm>>
    tpu.enqueue_indirect_dma source(%dma_start3A_103 : memref<100000x128xf32, #tpu.memory_space<hbm>>) target(%arg6 : memref<128x128xf32, #tpu.memory_space<vmem>>) offsets(%dma_start3A_100 : memref<128xi32, #tpu.memory_space<vmem>>) semaphore(%arg10 : memref<!tpu.dma_semaphore, #tpu.memory_space<semaphore_mem>>) {add = true}
    %dma_start3A_104 = arith.constant 11 : i32
    %dma_start3A_105 = arith.constant 0 : i32
    %dma_start3A_106 = tpu.memref_slice %arg5[%dma_start3A_104, %dma_start3A_105] : memref<16x512xi32, #tpu.memory_space<vmem>> -> memref<1x128xi32, #tpu.memory_space<vmem>>
    %dma_start3A_107 = tpu.memref_squeeze %dma_start3A_106 : memref<1x128xi32, #tpu.memory_space<vmem>> -> memref<128xi32, #tpu.memory_space<vmem>>
    %dma_start3A_108 = arith.constant 0 : i32
    %dma_start3A_109 = arith.constant 0 : i32
    %dma_start3A_110 = tpu.memref_slice %arg3[%dma_start3A_108, %dma_start3A_109] : memref<100000x128xf32, #tpu.memory_space<hbm>> -> memref<100000x128xf32, #tpu.memory_space<hbm>>
    tpu.enqueue_indirect_dma source(%dma_start3A_110 : memref<100000x128xf32, #tpu.memory_space<hbm>>) target(%arg6 : memref<128x128xf32, #tpu.memory_space<vmem>>) offsets(%dma_start3A_107 : memref<128xi32, #tpu.memory_space<vmem>>) semaphore(%arg10 : memref<!tpu.dma_semaphore, #tpu.memory_space<semaphore_mem>>) {add = true}
    %dma_start3A_111 = arith.constant 12 : i32
    %dma_start3A_112 = arith.constant 0 : i32
    %dma_start3A_113 = tpu.memref_slice %arg5[%dma_start3A_111, %dma_start3A_112] : memref<16x512xi32, #tpu.memory_space<vmem>> -> memref<1x128xi32, #tpu.memory_space<vmem>>
    %dma_start3A_114 = tpu.memref_squeeze %dma_start3A_113 : memref<1x128xi32, #tpu.memory_space<vmem>> -> memref<128xi32, #tpu.memory_space<vmem>>
    %dma_start3A_115 = arith.constant 0 : i32
    %dma_start3A_116 = arith.constant 0 : i32
    %dma_start3A_117 = tpu.memref_slice %arg3[%dma_start3A_115, %dma_start3A_116] : memref<100000x128xf32, #tpu.memory_space<hbm>> -> memref<100000x128xf32, #tpu.memory_space<hbm>>
    tpu.enqueue_indirect_dma source(%dma_start3A_117 : memref<100000x128xf32, #tpu.memory_space<hbm>>) target(%arg6 : memref<128x128xf32, #tpu.memory_space<vmem>>) offsets(%dma_start3A_114 : memref<128xi32, #tpu.memory_space<vmem>>) semaphore(%arg10 : memref<!tpu.dma_semaphore, #tpu.memory_space<semaphore_mem>>) {add = true}
    %dma_start3A_118 = arith.constant 13 : i32
    %dma_start3A_119 = arith.constant 0 : i32
    %dma_start3A_120 = tpu.memref_slice %arg5[%dma_start3A_118, %dma_start3A_119] : memref<16x512xi32, #tpu.memory_space<vmem>> -> memref<1x128xi32, #tpu.memory_space<vmem>>
    %dma_start3A_121 = tpu.memref_squeeze %dma_start3A_120 : memref<1x128xi32, #tpu.memory_space<vmem>> -> memref<128xi32, #tpu.memory_space<vmem>>
    %dma_start3A_122 = arith.constant 0 : i32
    %dma_start3A_123 = arith.constant 0 : i32
    %dma_start3A_124 = tpu.memref_slice %arg3[%dma_start3A_122, %dma_start3A_123] : memref<100000x128xf32, #tpu.memory_space<hbm>> -> memref<100000x128xf32, #tpu.memory_space<hbm>>
    tpu.enqueue_indirect_dma source(%dma_start3A_124 : memref<100000x128xf32, #tpu.memory_space<hbm>>) target(%arg6 : memref<128x128xf32, #tpu.memory_space<vmem>>) offsets(%dma_start3A_121 : memref<128xi32, #tpu.memory_space<vmem>>) semaphore(%arg10 : memref<!tpu.dma_semaphore, #tpu.memory_space<semaphore_mem>>) {add = true}
    %dma_start3A_125 = arith.constant 14 : i32
    %dma_start3A_126 = arith.constant 0 : i32
    %dma_start3A_127 = tpu.memref_slice %arg5[%dma_start3A_125, %dma_start3A_126] : memref<16x512xi32, #tpu.memory_space<vmem>> -> memref<1x128xi32, #tpu.memory_space<vmem>>
    %dma_start3A_128 = tpu.memref_squeeze %dma_start3A_127 : memref<1x128xi32, #tpu.memory_space<vmem>> -> memref<128xi32, #tpu.memory_space<vmem>>
    %dma_start3A_129 = arith.constant 0 : i32
    %dma_start3A_130 = arith.constant 0 : i32
    %dma_start3A_131 = tpu.memref_slice %arg3[%dma_start3A_129, %dma_start3A_130] : memref<100000x128xf32, #tpu.memory_space<hbm>> -> memref<100000x128xf32, #tpu.memory_space<hbm>>
    tpu.enqueue_indirect_dma source(%dma_start3A_131 : memref<100000x128xf32, #tpu.memory_space<hbm>>) target(%arg6 : memref<128x128xf32, #tpu.memory_space<vmem>>) offsets(%dma_start3A_128 : memref<128xi32, #tpu.memory_space<vmem>>) semaphore(%arg10 : memref<!tpu.dma_semaphore, #tpu.memory_space<semaphore_mem>>) {add = true}
    %dma_start3A_132 = arith.constant 15 : i32
    %dma_start3A_133 = arith.constant 0 : i32
    %dma_start3A_134 = tpu.memref_slice %arg5[%dma_start3A_132, %dma_start3A_133] : memref<16x512xi32, #tpu.memory_space<vmem>> -> memref<1x128xi32, #tpu.memory_space<vmem>>
    %dma_start3A_135 = tpu.memref_squeeze %dma_start3A_134 : memref<1x128xi32, #tpu.memory_space<vmem>> -> memref<128xi32, #tpu.memory_space<vmem>>
    %dma_start3A_136 = arith.constant 0 : i32
    %dma_start3A_137 = arith.constant 0 : i32
    %dma_start3A_138 = tpu.memref_slice %arg3[%dma_start3A_136, %dma_start3A_137] : memref<100000x128xf32, #tpu.memory_space<hbm>> -> memref<100000x128xf32, #tpu.memory_space<hbm>>
    tpu.enqueue_indirect_dma source(%dma_start3A_138 : memref<100000x128xf32, #tpu.memory_space<hbm>>) target(%arg6 : memref<128x128xf32, #tpu.memory_space<vmem>>) offsets(%dma_start3A_135 : memref<128xi32, #tpu.memory_space<vmem>>) semaphore(%arg10 : memref<!tpu.dma_semaphore, #tpu.memory_space<semaphore_mem>>) {add = true}
    %add3A_139 = arith.constant 128 : i32
    %add3A_140 = arith.addi %mul3A_2, %add3A_139 : i32
    %dma_start3A_141 = arith.constant 0 : i32
    %dma_start3A_142 = arith.constant 128 : i32
    %dma_start3A_143 = tpu.memref_slice %arg5[%dma_start3A_141, %dma_start3A_142] : memref<16x512xi32, #tpu.memory_space<vmem>> -> memref<16x384xi32, #tpu.memory_space<vmem>>
    %dma_start3A_144 = arith.constant 0 : i32
    %dma_start3A_145 = tpu.memref_slice %arg2[%dma_start3A_144, %add3A_140] : memref<16x16384xi32, #tpu.memory_space<hbm>> -> memref<16x384xi32, #tpu.memory_space<hbm>>
    %dma_start3A_146 = arith.constant 0 : i32
    %dma_start3A_147 = arith.constant 128 : i32
    %dma_start3A_148 = tpu.memref_slice %arg5[%dma_start3A_146, %dma_start3A_147] : memref<16x512xi32, #tpu.memory_space<vmem>> -> memref<16x384xi32, #tpu.memory_space<vmem>>
    %dma_start3A_149 = arith.constant 0 : i32
    %dma_start3A_150 = tpu.memref_slice %arg2[%dma_start3A_149, %add3A_140] : memref<16x16384xi32, #tpu.memory_space<hbm>> -> memref<16x384xi32, #tpu.memory_space<hbm>>
    tpu.enqueue_dma source(%dma_start3A_150 : memref<16x384xi32, #tpu.memory_space<hbm>>) target(%dma_start3A_148 : memref<16x384xi32, #tpu.memory_space<vmem>>) target_semaphore(%arg14 : memref<!tpu.dma_semaphore, #tpu.memory_space<semaphore_mem>>)
    %scan3A_151 = arith.constant 0 : i32
    %scan3A_152 = arith.constant 0 : i32
    %scan3A_153 = arith.constant 128 : i32
    %scan3A_154 = arith.addi %scan3A_152, %scan3A_153 : i32
    %scan3A_155 = arith.constant 1 : i32
    scf.for %scan3A_1031 = %scan3A_152 to %scan3A_154 step %scan3A_155  : i32 {
      %swap3A = arith.index_cast %scan3A_1031 : i32 to index
      %swap3A_1032 = arith.constant 0 : index
      %swap3A_1033 = tpu.vector_load %arg7[%swap3A, %swap3A_1032] {strides = array<i32>} : memref<128x128xf32, #tpu.memory_space<vmem>>, vector<1x16xf32>,
      %swap3A_1034 = vector.shape_cast %swap3A_1033 : vector<1x16xf32> to vector<16xf32>
      %swap3A_1035 = vector.shape_cast %broadcast_in_dim3A_3 : vector<16xf32> to vector<1x16xf32>
      tpu.vector_store %arg7[%swap3A, %swap3A_1032], %swap3A_1035 {strides = array<i32>} : memref<128x128xf32, #tpu.memory_space<vmem>>, vector<1x16xf32>,
      %swap3A_1036 = arith.index_cast %scan3A_1031 : i32 to index
      %swap3A_1037 = arith.constant 16 : index
      %swap3A_1038 = tpu.vector_load %arg7[%swap3A_1036, %swap3A_1037] {strides = array<i32>} : memref<128x128xf32, #tpu.memory_space<vmem>>, vector<1x16xf32>,
      %swap3A_1039 = vector.shape_cast %swap3A_1038 : vector<1x16xf32> to vector<16xf32>
      %swap3A_1040 = vector.shape_cast %broadcast_in_dim3A_3 : vector<16xf32> to vector<1x16xf32>
      tpu.vector_store %arg7[%swap3A_1036, %swap3A_1037], %swap3A_1040 {strides = array<i32>} : memref<128x128xf32, #tpu.memory_space<vmem>>, vector<1x16xf32>,
      %swap3A_1041 = arith.index_cast %scan3A_1031 : i32 to index
      %swap3A_1042 = arith.constant 32 : index
      %swap3A_1043 = tpu.vector_load %arg7[%swap3A_1041, %swap3A_1042] {strides = array<i32>} : memref<128x128xf32, #tpu.memory_space<vmem>>, vector<1x16xf32>,
      %swap3A_1044 = vector.shape_cast %swap3A_1043 : vector<1x16xf32> to vector<16xf32>
      %swap3A_1045 = vector.shape_cast %broadcast_in_dim3A_3 : vector<16xf32> to vector<1x16xf32>
      tpu.vector_store %arg7[%swap3A_1041, %swap3A_1042], %swap3A_1045 {strides = array<i32>} : memref<128x128xf32, #tpu.memory_space<vmem>>, vector<1x16xf32>,
      %swap3A_1046 = arith.index_cast %scan3A_1031 : i32 to index
      %swap3A_1047 = arith.constant 48 : index
      %swap3A_1048 = tpu.vector_load %arg7[%swap3A_1046, %swap3A_1047] {strides = array<i32>} : memref<128x128xf32, #tpu.memory_space<vmem>>, vector<1x16xf32>,
      %swap3A_1049 = vector.shape_cast %swap3A_1048 : vector<1x16xf32> to vector<16xf32>
      %swap3A_1050 = vector.shape_cast %broadcast_in_dim3A_3 : vector<16xf32> to vector<1x16xf32>
      tpu.vector_store %arg7[%swap3A_1046, %swap3A_1047], %swap3A_1050 {strides = array<i32>} : memref<128x128xf32, #tpu.memory_space<vmem>>, vector<1x16xf32>,
      %swap3A_1051 = arith.index_cast %scan3A_1031 : i32 to index
      %swap3A_1052 = arith.constant 64 : index
      %swap3A_1053 = tpu.vector_load %arg7[%swap3A_1051, %swap3A_1052] {strides = array<i32>} : memref<128x128xf32, #tpu.memory_space<vmem>>, vector<1x16xf32>,
      %swap3A_1054 = vector.shape_cast %swap3A_1053 : vector<1x16xf32> to vector<16xf32>
      %swap3A_1055 = vector.shape_cast %broadcast_in_dim3A_3 : vector<16xf32> to vector<1x16xf32>
      tpu.vector_store %arg7[%swap3A_1051, %swap3A_1052], %swap3A_1055 {strides = array<i32>} : memref<128x128xf32, #tpu.memory_space<vmem>>, vector<1x16xf32>,
      %swap3A_1056 = arith.index_cast %scan3A_1031 : i32 to index
      %swap3A_1057 = arith.constant 80 : index
      %swap3A_1058 = tpu.vector_load %arg7[%swap3A_1056, %swap3A_1057] {strides = array<i32>} : memref<128x128xf32, #tpu.memory_space<vmem>>, vector<1x16xf32>,
      %swap3A_1059 = vector.shape_cast %swap3A_1058 : vector<1x16xf32> to vector<16xf32>
      %swap3A_1060 = vector.shape_cast %broadcast_in_dim3A_3 : vector<16xf32> to vector<1x16xf32>
      tpu.vector_store %arg7[%swap3A_1056, %swap3A_1057], %swap3A_1060 {strides = array<i32>} : memref<128x128xf32, #tpu.memory_space<vmem>>, vector<1x16xf32>,
      %swap3A_1061 = arith.index_cast %scan3A_1031 : i32 to index
      %swap3A_1062 = arith.constant 96 : index
      %swap3A_1063 = tpu.vector_load %arg7[%swap3A_1061, %swap3A_1062] {strides = array<i32>} : memref<128x128xf32, #tpu.memory_space<vmem>>, vector<1x16xf32>,
      %swap3A_1064 = vector.shape_cast %swap3A_1063 : vector<1x16xf32> to vector<16xf32>
      %swap3A_1065 = vector.shape_cast %broadcast_in_dim3A_3 : vector<16xf32> to vector<1x16xf32>
      tpu.vector_store %arg7[%swap3A_1061, %swap3A_1062], %swap3A_1065 {strides = array<i32>} : memref<128x128xf32, #tpu.memory_space<vmem>>, vector<1x16xf32>,
      %swap3A_1066 = arith.index_cast %scan3A_1031 : i32 to index
      %swap3A_1067 = arith.constant 112 : index
      %swap3A_1068 = tpu.vector_load %arg7[%swap3A_1066, %swap3A_1067] {strides = array<i32>} : memref<128x128xf32, #tpu.memory_space<vmem>>, vector<1x16xf32>,
      %swap3A_1069 = vector.shape_cast %swap3A_1068 : vector<1x16xf32> to vector<16xf32>
      %swap3A_1070 = vector.shape_cast %broadcast_in_dim3A_3 : vector<16xf32> to vector<1x16xf32>
      tpu.vector_store %arg7[%swap3A_1066, %swap3A_1067], %swap3A_1070 {strides = array<i32>} : memref<128x128xf32, #tpu.memory_space<vmem>>, vector<1x16xf32>,
    }
    %scan3A_156 = arith.constant 128 : i32
    %dma_wait3A_157 = arith.constant 0 : i32
    %dma_wait3A_158 = arith.constant 128 : i32
    %dma_wait3A_159 = tpu.memref_slice %arg5[%dma_wait3A_157, %dma_wait3A_158] : memref<16x512xi32, #tpu.memory_space<vmem>> -> memref<16x384xi32, #tpu.memory_space<vmem>>
    %dma_wait3A_160 = arith.constant 0 : i32
    %dma_wait3A_161 = tpu.memref_slice %arg2[%dma_wait3A_160, %add3A_140] : memref<16x16384xi32, #tpu.memory_space<hbm>> -> memref<16x384xi32, #tpu.memory_space<hbm>>
    %dma_wait3A_162 = arith.constant 0 : i32
    %dma_wait3A_163 = arith.constant 128 : i32
    %dma_wait3A_164 = tpu.memref_slice %arg5[%dma_wait3A_162, %dma_wait3A_163] : memref<16x512xi32, #tpu.memory_space<vmem>> -> memref<16x384xi32, #tpu.memory_space<vmem>>
    %dma_wait3A_165 = arith.constant 0 : i32
    %dma_wait3A_166 = tpu.memref_slice %arg2[%dma_wait3A_165, %add3A_140] : memref<16x16384xi32, #tpu.memory_space<hbm>> -> memref<16x384xi32, #tpu.memory_space<hbm>>
    tpu.wait_dma2 semaphore(%arg14 : memref<!tpu.dma_semaphore, #tpu.memory_space<semaphore_mem>>) src(%dma_wait3A_166 : memref<16x384xi32, #tpu.memory_space<hbm>>) dst(%dma_wait3A_164 : memref<16x384xi32, #tpu.memory_space<vmem>>)
    %dma_start3A_167 = arith.constant 0 : i32
    %dma_start3A_168 = arith.constant 128 : i32
    %dma_start3A_169 = tpu.memref_slice %arg5[%dma_start3A_167, %dma_start3A_168] : memref<16x512xi32, #tpu.memory_space<vmem>> -> memref<1x128xi32, #tpu.memory_space<vmem>>
    %dma_start3A_170 = tpu.memref_squeeze %dma_start3A_169 : memref<1x128xi32, #tpu.memory_space<vmem>> -> memref<128xi32, #tpu.memory_space<vmem>>
    %dma_start3A_171 = arith.constant 0 : i32
    %dma_start3A_172 = arith.constant 0 : i32
    %dma_start3A_173 = tpu.memref_slice %arg3[%dma_start3A_171, %dma_start3A_172] : memref<100000x128xf32, #tpu.memory_space<hbm>> -> memref<100000x128xf32, #tpu.memory_space<hbm>>
    tpu.enqueue_indirect_dma source(%dma_start3A_173 : memref<100000x128xf32, #tpu.memory_space<hbm>>) target(%arg7 : memref<128x128xf32, #tpu.memory_space<vmem>>) offsets(%dma_start3A_170 : memref<128xi32, #tpu.memory_space<vmem>>) semaphore(%arg11 : memref<!tpu.dma_semaphore, #tpu.memory_space<semaphore_mem>>) {add = true}
    %dma_start3A_174 = arith.constant 1 : i32
    %dma_start3A_175 = arith.constant 128 : i32
    %dma_start3A_176 = tpu.memref_slice %arg5[%dma_start3A_174, %dma_start3A_175] : memref<16x512xi32, #tpu.memory_space<vmem>> -> memref<1x128xi32, #tpu.memory_space<vmem>>
    %dma_start3A_177 = tpu.memref_squeeze %dma_start3A_176 : memref<1x128xi32, #tpu.memory_space<vmem>> -> memref<128xi32, #tpu.memory_space<vmem>>
    %dma_start3A_178 = arith.constant 0 : i32
    %dma_start3A_179 = arith.constant 0 : i32
    %dma_start3A_180 = tpu.memref_slice %arg3[%dma_start3A_178, %dma_start3A_179] : memref<100000x128xf32, #tpu.memory_space<hbm>> -> memref<100000x128xf32, #tpu.memory_space<hbm>>
    tpu.enqueue_indirect_dma source(%dma_start3A_180 : memref<100000x128xf32, #tpu.memory_space<hbm>>) target(%arg7 : memref<128x128xf32, #tpu.memory_space<vmem>>) offsets(%dma_start3A_177 : memref<128xi32, #tpu.memory_space<vmem>>) semaphore(%arg11 : memref<!tpu.dma_semaphore, #tpu.memory_space<semaphore_mem>>) {add = true}
    %dma_start3A_181 = arith.constant 2 : i32
    %dma_start3A_182 = arith.constant 128 : i32
    %dma_start3A_183 = tpu.memref_slice %arg5[%dma_start3A_181, %dma_start3A_182] : memref<16x512xi32, #tpu.memory_space<vmem>> -> memref<1x128xi32, #tpu.memory_space<vmem>>
    %dma_start3A_184 = tpu.memref_squeeze %dma_start3A_183 : memref<1x128xi32, #tpu.memory_space<vmem>> -> memref<128xi32, #tpu.memory_space<vmem>>
    %dma_start3A_185 = arith.constant 0 : i32
    %dma_start3A_186 = arith.constant 0 : i32
    %dma_start3A_187 = tpu.memref_slice %arg3[%dma_start3A_185, %dma_start3A_186] : memref<100000x128xf32, #tpu.memory_space<hbm>> -> memref<100000x128xf32, #tpu.memory_space<hbm>>
    tpu.enqueue_indirect_dma source(%dma_start3A_187 : memref<100000x128xf32, #tpu.memory_space<hbm>>) target(%arg7 : memref<128x128xf32, #tpu.memory_space<vmem>>) offsets(%dma_start3A_184 : memref<128xi32, #tpu.memory_space<vmem>>) semaphore(%arg11 : memref<!tpu.dma_semaphore, #tpu.memory_space<semaphore_mem>>) {add = true}
    %dma_start3A_188 = arith.constant 3 : i32
    %dma_start3A_189 = arith.constant 128 : i32
    %dma_start3A_190 = tpu.memref_slice %arg5[%dma_start3A_188, %dma_start3A_189] : memref<16x512xi32, #tpu.memory_space<vmem>> -> memref<1x128xi32, #tpu.memory_space<vmem>>
    %dma_start3A_191 = tpu.memref_squeeze %dma_start3A_190 : memref<1x128xi32, #tpu.memory_space<vmem>> -> memref<128xi32, #tpu.memory_space<vmem>>
    %dma_start3A_192 = arith.constant 0 : i32
    %dma_start3A_193 = arith.constant 0 : i32
    %dma_start3A_194 = tpu.memref_slice %arg3[%dma_start3A_192, %dma_start3A_193] : memref<100000x128xf32, #tpu.memory_space<hbm>> -> memref<100000x128xf32, #tpu.memory_space<hbm>>
    tpu.enqueue_indirect_dma source(%dma_start3A_194 : memref<100000x128xf32, #tpu.memory_space<hbm>>) target(%arg7 : memref<128x128xf32, #tpu.memory_space<vmem>>) offsets(%dma_start3A_191 : memref<128xi32, #tpu.memory_space<vmem>>) semaphore(%arg11 : memref<!tpu.dma_semaphore, #tpu.memory_space<semaphore_mem>>) {add = true}
    %dma_start3A_195 = arith.constant 4 : i32
    %dma_start3A_196 = arith.constant 128 : i32
    %dma_start3A_197 = tpu.memref_slice %arg5[%dma_start3A_195, %dma_start3A_196] : memref<16x512xi32, #tpu.memory_space<vmem>> -> memref<1x128xi32, #tpu.memory_space<vmem>>
    %dma_start3A_198 = tpu.memref_squeeze %dma_start3A_197 : memref<1x128xi32, #tpu.memory_space<vmem>> -> memref<128xi32, #tpu.memory_space<vmem>>
    %dma_start3A_199 = arith.constant 0 : i32
    %dma_start3A_200 = arith.constant 0 : i32
    %dma_start3A_201 = tpu.memref_slice %arg3[%dma_start3A_199, %dma_start3A_200] : memref<100000x128xf32, #tpu.memory_space<hbm>> -> memref<100000x128xf32, #tpu.memory_space<hbm>>
    tpu.enqueue_indirect_dma source(%dma_start3A_201 : memref<100000x128xf32, #tpu.memory_space<hbm>>) target(%arg7 : memref<128x128xf32, #tpu.memory_space<vmem>>) offsets(%dma_start3A_198 : memref<128xi32, #tpu.memory_space<vmem>>) semaphore(%arg11 : memref<!tpu.dma_semaphore, #tpu.memory_space<semaphore_mem>>) {add = true}
    %dma_start3A_202 = arith.constant 5 : i32
    %dma_start3A_203 = arith.constant 128 : i32
    %dma_start3A_204 = tpu.memref_slice %arg5[%dma_start3A_202, %dma_start3A_203] : memref<16x512xi32, #tpu.memory_space<vmem>> -> memref<1x128xi32, #tpu.memory_space<vmem>>
    %dma_start3A_205 = tpu.memref_squeeze %dma_start3A_204 : memref<1x128xi32, #tpu.memory_space<vmem>> -> memref<128xi32, #tpu.memory_space<vmem>>
    %dma_start3A_206 = arith.constant 0 : i32
    %dma_start3A_207 = arith.constant 0 : i32
    %dma_start3A_208 = tpu.memref_slice %arg3[%dma_start3A_206, %dma_start3A_207] : memref<100000x128xf32, #tpu.memory_space<hbm>> -> memref<100000x128xf32, #tpu.memory_space<hbm>>
    tpu.enqueue_indirect_dma source(%dma_start3A_208 : memref<100000x128xf32, #tpu.memory_space<hbm>>) target(%arg7 : memref<128x128xf32, #tpu.memory_space<vmem>>) offsets(%dma_start3A_205 : memref<128xi32, #tpu.memory_space<vmem>>) semaphore(%arg11 : memref<!tpu.dma_semaphore, #tpu.memory_space<semaphore_mem>>) {add = true}
    %dma_start3A_209 = arith.constant 6 : i32
    %dma_start3A_210 = arith.constant 128 : i32
    %dma_start3A_211 = tpu.memref_slice %arg5[%dma_start3A_209, %dma_start3A_210] : memref<16x512xi32, #tpu.memory_space<vmem>> -> memref<1x128xi32, #tpu.memory_space<vmem>>
    %dma_start3A_212 = tpu.memref_squeeze %dma_start3A_211 : memref<1x128xi32, #tpu.memory_space<vmem>> -> memref<128xi32, #tpu.memory_space<vmem>>
    %dma_start3A_213 = arith.constant 0 : i32
    %dma_start3A_214 = arith.constant 0 : i32
    %dma_start3A_215 = tpu.memref_slice %arg3[%dma_start3A_213, %dma_start3A_214] : memref<100000x128xf32, #tpu.memory_space<hbm>> -> memref<100000x128xf32, #tpu.memory_space<hbm>>
    tpu.enqueue_indirect_dma source(%dma_start3A_215 : memref<100000x128xf32, #tpu.memory_space<hbm>>) target(%arg7 : memref<128x128xf32, #tpu.memory_space<vmem>>) offsets(%dma_start3A_212 : memref<128xi32, #tpu.memory_space<vmem>>) semaphore(%arg11 : memref<!tpu.dma_semaphore, #tpu.memory_space<semaphore_mem>>) {add = true}
    %dma_start3A_216 = arith.constant 7 : i32
    %dma_start3A_217 = arith.constant 128 : i32
    %dma_start3A_218 = tpu.memref_slice %arg5[%dma_start3A_216, %dma_start3A_217] : memref<16x512xi32, #tpu.memory_space<vmem>> -> memref<1x128xi32, #tpu.memory_space<vmem>>
    %dma_start3A_219 = tpu.memref_squeeze %dma_start3A_218 : memref<1x128xi32, #tpu.memory_space<vmem>> -> memref<128xi32, #tpu.memory_space<vmem>>
    %dma_start3A_220 = arith.constant 0 : i32
    %dma_start3A_221 = arith.constant 0 : i32
    %dma_start3A_222 = tpu.memref_slice %arg3[%dma_start3A_220, %dma_start3A_221] : memref<100000x128xf32, #tpu.memory_space<hbm>> -> memref<100000x128xf32, #tpu.memory_space<hbm>>
    tpu.enqueue_indirect_dma source(%dma_start3A_222 : memref<100000x128xf32, #tpu.memory_space<hbm>>) target(%arg7 : memref<128x128xf32, #tpu.memory_space<vmem>>) offsets(%dma_start3A_219 : memref<128xi32, #tpu.memory_space<vmem>>) semaphore(%arg11 : memref<!tpu.dma_semaphore, #tpu.memory_space<semaphore_mem>>) {add = true}
    %dma_start3A_223 = arith.constant 8 : i32
    %dma_start3A_224 = arith.constant 128 : i32
    %dma_start3A_225 = tpu.memref_slice %arg5[%dma_start3A_223, %dma_start3A_224] : memref<16x512xi32, #tpu.memory_space<vmem>> -> memref<1x128xi32, #tpu.memory_space<vmem>>
    %dma_start3A_226 = tpu.memref_squeeze %dma_start3A_225 : memref<1x128xi32, #tpu.memory_space<vmem>> -> memref<128xi32, #tpu.memory_space<vmem>>
    %dma_start3A_227 = arith.constant 0 : i32
    %dma_start3A_228 = arith.constant 0 : i32
    %dma_start3A_229 = tpu.memref_slice %arg3[%dma_start3A_227, %dma_start3A_228] : memref<100000x128xf32, #tpu.memory_space<hbm>> -> memref<100000x128xf32, #tpu.memory_space<hbm>>
    tpu.enqueue_indirect_dma source(%dma_start3A_229 : memref<100000x128xf32, #tpu.memory_space<hbm>>) target(%arg7 : memref<128x128xf32, #tpu.memory_space<vmem>>) offsets(%dma_start3A_226 : memref<128xi32, #tpu.memory_space<vmem>>) semaphore(%arg11 : memref<!tpu.dma_semaphore, #tpu.memory_space<semaphore_mem>>) {add = true}
    %dma_start3A_230 = arith.constant 9 : i32
    %dma_start3A_231 = arith.constant 128 : i32
    %dma_start3A_232 = tpu.memref_slice %arg5[%dma_start3A_230, %dma_start3A_231] : memref<16x512xi32, #tpu.memory_space<vmem>> -> memref<1x128xi32, #tpu.memory_space<vmem>>
    %dma_start3A_233 = tpu.memref_squeeze %dma_start3A_232 : memref<1x128xi32, #tpu.memory_space<vmem>> -> memref<128xi32, #tpu.memory_space<vmem>>
    %dma_start3A_234 = arith.constant 0 : i32
    %dma_start3A_235 = arith.constant 0 : i32
    %dma_start3A_236 = tpu.memref_slice %arg3[%dma_start3A_234, %dma_start3A_235] : memref<100000x128xf32, #tpu.memory_space<hbm>> -> memref<100000x128xf32, #tpu.memory_space<hbm>>
    tpu.enqueue_indirect_dma source(%dma_start3A_236 : memref<100000x128xf32, #tpu.memory_space<hbm>>) target(%arg7 : memref<128x128xf32, #tpu.memory_space<vmem>>) offsets(%dma_start3A_233 : memref<128xi32, #tpu.memory_space<vmem>>) semaphore(%arg11 : memref<!tpu.dma_semaphore, #tpu.memory_space<semaphore_mem>>) {add = true}
    %dma_start3A_237 = arith.constant 10 : i32
    %dma_start3A_238 = arith.constant 128 : i32
    %dma_start3A_239 = tpu.memref_slice %arg5[%dma_start3A_237, %dma_start3A_238] : memref<16x512xi32, #tpu.memory_space<vmem>> -> memref<1x128xi32, #tpu.memory_space<vmem>>
    %dma_start3A_240 = tpu.memref_squeeze %dma_start3A_239 : memref<1x128xi32, #tpu.memory_space<vmem>> -> memref<128xi32, #tpu.memory_space<vmem>>
    %dma_start3A_241 = arith.constant 0 : i32
    %dma_start3A_242 = arith.constant 0 : i32
    %dma_start3A_243 = tpu.memref_slice %arg3[%dma_start3A_241, %dma_start3A_242] : memref<100000x128xf32, #tpu.memory_space<hbm>> -> memref<100000x128xf32, #tpu.memory_space<hbm>>
    tpu.enqueue_indirect_dma source(%dma_start3A_243 : memref<100000x128xf32, #tpu.memory_space<hbm>>) target(%arg7 : memref<128x128xf32, #tpu.memory_space<vmem>>) offsets(%dma_start3A_240 : memref<128xi32, #tpu.memory_space<vmem>>) semaphore(%arg11 : memref<!tpu.dma_semaphore, #tpu.memory_space<semaphore_mem>>) {add = true}
    %dma_start3A_244 = arith.constant 11 : i32
    %dma_start3A_245 = arith.constant 128 : i32
    %dma_start3A_246 = tpu.memref_slice %arg5[%dma_start3A_244, %dma_start3A_245] : memref<16x512xi32, #tpu.memory_space<vmem>> -> memref<1x128xi32, #tpu.memory_space<vmem>>
    %dma_start3A_247 = tpu.memref_squeeze %dma_start3A_246 : memref<1x128xi32, #tpu.memory_space<vmem>> -> memref<128xi32, #tpu.memory_space<vmem>>
    %dma_start3A_248 = arith.constant 0 : i32
    %dma_start3A_249 = arith.constant 0 : i32
    %dma_start3A_250 = tpu.memref_slice %arg3[%dma_start3A_248, %dma_start3A_249] : memref<100000x128xf32, #tpu.memory_space<hbm>> -> memref<100000x128xf32, #tpu.memory_space<hbm>>
    tpu.enqueue_indirect_dma source(%dma_start3A_250 : memref<100000x128xf32, #tpu.memory_space<hbm>>) target(%arg7 : memref<128x128xf32, #tpu.memory_space<vmem>>) offsets(%dma_start3A_247 : memref<128xi32, #tpu.memory_space<vmem>>) semaphore(%arg11 : memref<!tpu.dma_semaphore, #tpu.memory_space<semaphore_mem>>) {add = true}
    %dma_start3A_251 = arith.constant 12 : i32
    %dma_start3A_252 = arith.constant 128 : i32
    %dma_start3A_253 = tpu.memref_slice %arg5[%dma_start3A_251, %dma_start3A_252] : memref<16x512xi32, #tpu.memory_space<vmem>> -> memref<1x128xi32, #tpu.memory_space<vmem>>
    %dma_start3A_254 = tpu.memref_squeeze %dma_start3A_253 : memref<1x128xi32, #tpu.memory_space<vmem>> -> memref<128xi32, #tpu.memory_space<vmem>>
    %dma_start3A_255 = arith.constant 0 : i32
    %dma_start3A_256 = arith.constant 0 : i32
    %dma_start3A_257 = tpu.memref_slice %arg3[%dma_start3A_255, %dma_start3A_256] : memref<100000x128xf32, #tpu.memory_space<hbm>> -> memref<100000x128xf32, #tpu.memory_space<hbm>>
    tpu.enqueue_indirect_dma source(%dma_start3A_257 : memref<100000x128xf32, #tpu.memory_space<hbm>>) target(%arg7 : memref<128x128xf32, #tpu.memory_space<vmem>>) offsets(%dma_start3A_254 : memref<128xi32, #tpu.memory_space<vmem>>) semaphore(%arg11 : memref<!tpu.dma_semaphore, #tpu.memory_space<semaphore_mem>>) {add = true}
    %dma_start3A_258 = arith.constant 13 : i32
    %dma_start3A_259 = arith.constant 128 : i32
    %dma_start3A_260 = tpu.memref_slice %arg5[%dma_start3A_258, %dma_start3A_259] : memref<16x512xi32, #tpu.memory_space<vmem>> -> memref<1x128xi32, #tpu.memory_space<vmem>>
    %dma_start3A_261 = tpu.memref_squeeze %dma_start3A_260 : memref<1x128xi32, #tpu.memory_space<vmem>> -> memref<128xi32, #tpu.memory_space<vmem>>
    %dma_start3A_262 = arith.constant 0 : i32
    %dma_start3A_263 = arith.constant 0 : i32
    %dma_start3A_264 = tpu.memref_slice %arg3[%dma_start3A_262, %dma_start3A_263] : memref<100000x128xf32, #tpu.memory_space<hbm>> -> memref<100000x128xf32, #tpu.memory_space<hbm>>
    tpu.enqueue_indirect_dma source(%dma_start3A_264 : memref<100000x128xf32, #tpu.memory_space<hbm>>) target(%arg7 : memref<128x128xf32, #tpu.memory_space<vmem>>) offsets(%dma_start3A_261 : memref<128xi32, #tpu.memory_space<vmem>>) semaphore(%arg11 : memref<!tpu.dma_semaphore, #tpu.memory_space<semaphore_mem>>) {add = true}
    %dma_start3A_265 = arith.constant 14 : i32
    %dma_start3A_266 = arith.constant 128 : i32
    %dma_start3A_267 = tpu.memref_slice %arg5[%dma_start3A_265, %dma_start3A_266] : memref<16x512xi32, #tpu.memory_space<vmem>> -> memref<1x128xi32, #tpu.memory_space<vmem>>
    %dma_start3A_268 = tpu.memref_squeeze %dma_start3A_267 : memref<1x128xi32, #tpu.memory_space<vmem>> -> memref<128xi32, #tpu.memory_space<vmem>>
    %dma_start3A_269 = arith.constant 0 : i32
    %dma_start3A_270 = arith.constant 0 : i32
    %dma_start3A_271 = tpu.memref_slice %arg3[%dma_start3A_269, %dma_start3A_270] : memref<100000x128xf32, #tpu.memory_space<hbm>> -> memref<100000x128xf32, #tpu.memory_space<hbm>>
    tpu.enqueue_indirect_dma source(%dma_start3A_271 : memref<100000x128xf32, #tpu.memory_space<hbm>>) target(%arg7 : memref<128x128xf32, #tpu.memory_space<vmem>>) offsets(%dma_start3A_268 : memref<128xi32, #tpu.memory_space<vmem>>) semaphore(%arg11 : memref<!tpu.dma_semaphore, #tpu.memory_space<semaphore_mem>>) {add = true}
    %dma_start3A_272 = arith.constant 15 : i32
    %dma_start3A_273 = arith.constant 128 : i32
    %dma_start3A_274 = tpu.memref_slice %arg5[%dma_start3A_272, %dma_start3A_273] : memref<16x512xi32, #tpu.memory_space<vmem>> -> memref<1x128xi32, #tpu.memory_space<vmem>>
    %dma_start3A_275 = tpu.memref_squeeze %dma_start3A_274 : memref<1x128xi32, #tpu.memory_space<vmem>> -> memref<128xi32, #tpu.memory_space<vmem>>
    %dma_start3A_276 = arith.constant 0 : i32
    %dma_start3A_277 = arith.constant 0 : i32
    %dma_start3A_278 = tpu.memref_slice %arg3[%dma_start3A_276, %dma_start3A_277] : memref<100000x128xf32, #tpu.memory_space<hbm>> -> memref<100000x128xf32, #tpu.memory_space<hbm>>
    tpu.enqueue_indirect_dma source(%dma_start3A_278 : memref<100000x128xf32, #tpu.memory_space<hbm>>) target(%arg7 : memref<128x128xf32, #tpu.memory_space<vmem>>) offsets(%dma_start3A_275 : memref<128xi32, #tpu.memory_space<vmem>>) semaphore(%arg11 : memref<!tpu.dma_semaphore, #tpu.memory_space<semaphore_mem>>) {add = true}
    %scan3A_279 = arith.constant 0 : i32
    %scan3A_280 = arith.constant 0 : i32
    %scan3A_281 = arith.constant 128 : i32
    %scan3A_282 = arith.addi %scan3A_280, %scan3A_281 : i32
    %scan3A_283 = arith.constant 1 : i32
    scf.for %scan3A_1031 = %scan3A_280 to %scan3A_282 step %scan3A_283  : i32 {
      %swap3A = arith.index_cast %scan3A_1031 : i32 to index
      %swap3A_1032 = arith.constant 0 : index
      %swap3A_1033 = tpu.vector_load %arg8[%swap3A, %swap3A_1032] {strides = array<i32>} : memref<128x128xf32, #tpu.memory_space<vmem>>, vector<1x16xf32>,
      %swap3A_1034 = vector.shape_cast %swap3A_1033 : vector<1x16xf32> to vector<16xf32>
      %swap3A_1035 = vector.shape_cast %broadcast_in_dim3A_3 : vector<16xf32> to vector<1x16xf32>
      tpu.vector_store %arg8[%swap3A, %swap3A_1032], %swap3A_1035 {strides = array<i32>} : memref<128x128xf32, #tpu.memory_space<vmem>>, vector<1x16xf32>,
      %swap3A_1036 = arith.index_cast %scan3A_1031 : i32 to index
      %swap3A_1037 = arith.constant 16 : index
      %swap3A_1038 = tpu.vector_load %arg8[%swap3A_1036, %swap3A_1037] {strides = array<i32>} : memref<128x128xf32, #tpu.memory_space<vmem>>, vector<1x16xf32>,
      %swap3A_1039 = vector.shape_cast %swap3A_1038 : vector<1x16xf32> to vector<16xf32>
      %swap3A_1040 = vector.shape_cast %broadcast_in_dim3A_3 : vector<16xf32> to vector<1x16xf32>
      tpu.vector_store %arg8[%swap3A_1036, %swap3A_1037], %swap3A_1040 {strides = array<i32>} : memref<128x128xf32, #tpu.memory_space<vmem>>, vector<1x16xf32>,
      %swap3A_1041 = arith.index_cast %scan3A_1031 : i32 to index
      %swap3A_1042 = arith.constant 32 : index
      %swap3A_1043 = tpu.vector_load %arg8[%swap3A_1041, %swap3A_1042] {strides = array<i32>} : memref<128x128xf32, #tpu.memory_space<vmem>>, vector<1x16xf32>,
      %swap3A_1044 = vector.shape_cast %swap3A_1043 : vector<1x16xf32> to vector<16xf32>
      %swap3A_1045 = vector.shape_cast %broadcast_in_dim3A_3 : vector<16xf32> to vector<1x16xf32>
      tpu.vector_store %arg8[%swap3A_1041, %swap3A_1042], %swap3A_1045 {strides = array<i32>} : memref<128x128xf32, #tpu.memory_space<vmem>>, vector<1x16xf32>,
      %swap3A_1046 = arith.index_cast %scan3A_1031 : i32 to index
      %swap3A_1047 = arith.constant 48 : index
      %swap3A_1048 = tpu.vector_load %arg8[%swap3A_1046, %swap3A_1047] {strides = array<i32>} : memref<128x128xf32, #tpu.memory_space<vmem>>, vector<1x16xf32>,
      %swap3A_1049 = vector.shape_cast %swap3A_1048 : vector<1x16xf32> to vector<16xf32>
      %swap3A_1050 = vector.shape_cast %broadcast_in_dim3A_3 : vector<16xf32> to vector<1x16xf32>
      tpu.vector_store %arg8[%swap3A_1046, %swap3A_1047], %swap3A_1050 {strides = array<i32>} : memref<128x128xf32, #tpu.memory_space<vmem>>, vector<1x16xf32>,
      %swap3A_1051 = arith.index_cast %scan3A_1031 : i32 to index
      %swap3A_1052 = arith.constant 64 : index
      %swap3A_1053 = tpu.vector_load %arg8[%swap3A_1051, %swap3A_1052] {strides = array<i32>} : memref<128x128xf32, #tpu.memory_space<vmem>>, vector<1x16xf32>,
      %swap3A_1054 = vector.shape_cast %swap3A_1053 : vector<1x16xf32> to vector<16xf32>
      %swap3A_1055 = vector.shape_cast %broadcast_in_dim3A_3 : vector<16xf32> to vector<1x16xf32>
      tpu.vector_store %arg8[%swap3A_1051, %swap3A_1052], %swap3A_1055 {strides = array<i32>} : memref<128x128xf32, #tpu.memory_space<vmem>>, vector<1x16xf32>,
      %swap3A_1056 = arith.index_cast %scan3A_1031 : i32 to index
      %swap3A_1057 = arith.constant 80 : index
      %swap3A_1058 = tpu.vector_load %arg8[%swap3A_1056, %swap3A_1057] {strides = array<i32>} : memref<128x128xf32, #tpu.memory_space<vmem>>, vector<1x16xf32>,
      %swap3A_1059 = vector.shape_cast %swap3A_1058 : vector<1x16xf32> to vector<16xf32>
      %swap3A_1060 = vector.shape_cast %broadcast_in_dim3A_3 : vector<16xf32> to vector<1x16xf32>
      tpu.vector_store %arg8[%swap3A_1056, %swap3A_1057], %swap3A_1060 {strides = array<i32>} : memref<128x128xf32, #tpu.memory_space<vmem>>, vector<1x16xf32>,
      %swap3A_1061 = arith.index_cast %scan3A_1031 : i32 to index
      %swap3A_1062 = arith.constant 96 : index
      %swap3A_1063 = tpu.vector_load %arg8[%swap3A_1061, %swap3A_1062] {strides = array<i32>} : memref<128x128xf32, #tpu.memory_space<vmem>>, vector<1x16xf32>,
      %swap3A_1064 = vector.shape_cast %swap3A_1063 : vector<1x16xf32> to vector<16xf32>
      %swap3A_1065 = vector.shape_cast %broadcast_in_dim3A_3 : vector<16xf32> to vector<1x16xf32>
      tpu.vector_store %arg8[%swap3A_1061, %swap3A_1062], %swap3A_1065 {strides = array<i32>} : memref<128x128xf32, #tpu.memory_space<vmem>>, vector<1x16xf32>,
      %swap3A_1066 = arith.index_cast %scan3A_1031 : i32 to index
      %swap3A_1067 = arith.constant 112 : index
      %swap3A_1068 = tpu.vector_load %arg8[%swap3A_1066, %swap3A_1067] {strides = array<i32>} : memref<128x128xf32, #tpu.memory_space<vmem>>, vector<1x16xf32>,
      %swap3A_1069 = vector.shape_cast %swap3A_1068 : vector<1x16xf32> to vector<16xf32>
      %swap3A_1070 = vector.shape_cast %broadcast_in_dim3A_3 : vector<16xf32> to vector<1x16xf32>
      tpu.vector_store %arg8[%swap3A_1066, %swap3A_1067], %swap3A_1070 {strides = array<i32>} : memref<128x128xf32, #tpu.memory_space<vmem>>, vector<1x16xf32>,
    }
    %scan3A_284 = arith.constant 128 : i32
    %dma_start3A_285 = arith.constant 0 : i32
    %dma_start3A_286 = arith.constant 256 : i32
    %dma_start3A_287 = tpu.memref_slice %arg5[%dma_start3A_285, %dma_start3A_286] : memref<16x512xi32, #tpu.memory_space<vmem>> -> memref<1x128xi32, #tpu.memory_space<vmem>>
    %dma_start3A_288 = tpu.memref_squeeze %dma_start3A_287 : memref<1x128xi32, #tpu.memory_space<vmem>> -> memref<128xi32, #tpu.memory_space<vmem>>
    %dma_start3A_289 = arith.constant 0 : i32
    %dma_start3A_290 = arith.constant 0 : i32
    %dma_start3A_291 = tpu.memref_slice %arg3[%dma_start3A_289, %dma_start3A_290] : memref<100000x128xf32, #tpu.memory_space<hbm>> -> memref<100000x128xf32, #tpu.memory_space<hbm>>
    tpu.enqueue_indirect_dma source(%dma_start3A_291 : memref<100000x128xf32, #tpu.memory_space<hbm>>) target(%arg8 : memref<128x128xf32, #tpu.memory_space<vmem>>) offsets(%dma_start3A_288 : memref<128xi32, #tpu.memory_space<vmem>>) semaphore(%arg12 : memref<!tpu.dma_semaphore, #tpu.memory_space<semaphore_mem>>) {add = true}
    %dma_start3A_292 = arith.constant 1 : i32
    %dma_start3A_293 = arith.constant 256 : i32
    %dma_start3A_294 = tpu.memref_slice %arg5[%dma_start3A_292, %dma_start3A_293] : memref<16x512xi32, #tpu.memory_space<vmem>> -> memref<1x128xi32, #tpu.memory_space<vmem>>
    %dma_start3A_295 = tpu.memref_squeeze %dma_start3A_294 : memref<1x128xi32, #tpu.memory_space<vmem>> -> memref<128xi32, #tpu.memory_space<vmem>>
    %dma_start3A_296 = arith.constant 0 : i32
    %dma_start3A_297 = arith.constant 0 : i32
    %dma_start3A_298 = tpu.memref_slice %arg3[%dma_start3A_296, %dma_start3A_297] : memref<100000x128xf32, #tpu.memory_space<hbm>> -> memref<100000x128xf32, #tpu.memory_space<hbm>>
    tpu.enqueue_indirect_dma source(%dma_start3A_298 : memref<100000x128xf32, #tpu.memory_space<hbm>>) target(%arg8 : memref<128x128xf32, #tpu.memory_space<vmem>>) offsets(%dma_start3A_295 : memref<128xi32, #tpu.memory_space<vmem>>) semaphore(%arg12 : memref<!tpu.dma_semaphore, #tpu.memory_space<semaphore_mem>>) {add = true}
    %dma_start3A_299 = arith.constant 2 : i32
    %dma_start3A_300 = arith.constant 256 : i32
    %dma_start3A_301 = tpu.memref_slice %arg5[%dma_start3A_299, %dma_start3A_300] : memref<16x512xi32, #tpu.memory_space<vmem>> -> memref<1x128xi32, #tpu.memory_space<vmem>>
    %dma_start3A_302 = tpu.memref_squeeze %dma_start3A_301 : memref<1x128xi32, #tpu.memory_space<vmem>> -> memref<128xi32, #tpu.memory_space<vmem>>
    %dma_start3A_303 = arith.constant 0 : i32
    %dma_start3A_304 = arith.constant 0 : i32
    %dma_start3A_305 = tpu.memref_slice %arg3[%dma_start3A_303, %dma_start3A_304] : memref<100000x128xf32, #tpu.memory_space<hbm>> -> memref<100000x128xf32, #tpu.memory_space<hbm>>
    tpu.enqueue_indirect_dma source(%dma_start3A_305 : memref<100000x128xf32, #tpu.memory_space<hbm>>) target(%arg8 : memref<128x128xf32, #tpu.memory_space<vmem>>) offsets(%dma_start3A_302 : memref<128xi32, #tpu.memory_space<vmem>>) semaphore(%arg12 : memref<!tpu.dma_semaphore, #tpu.memory_space<semaphore_mem>>) {add = true}
    %dma_start3A_306 = arith.constant 3 : i32
    %dma_start3A_307 = arith.constant 256 : i32
    %dma_start3A_308 = tpu.memref_slice %arg5[%dma_start3A_306, %dma_start3A_307] : memref<16x512xi32, #tpu.memory_space<vmem>> -> memref<1x128xi32, #tpu.memory_space<vmem>>
    %dma_start3A_309 = tpu.memref_squeeze %dma_start3A_308 : memref<1x128xi32, #tpu.memory_space<vmem>> -> memref<128xi32, #tpu.memory_space<vmem>>
    %dma_start3A_310 = arith.constant 0 : i32
    %dma_start3A_311 = arith.constant 0 : i32
    %dma_start3A_312 = tpu.memref_slice %arg3[%dma_start3A_310, %dma_start3A_311] : memref<100000x128xf32, #tpu.memory_space<hbm>> -> memref<100000x128xf32, #tpu.memory_space<hbm>>
    tpu.enqueue_indirect_dma source(%dma_start3A_312 : memref<100000x128xf32, #tpu.memory_space<hbm>>) target(%arg8 : memref<128x128xf32, #tpu.memory_space<vmem>>) offsets(%dma_start3A_309 : memref<128xi32, #tpu.memory_space<vmem>>) semaphore(%arg12 : memref<!tpu.dma_semaphore, #tpu.memory_space<semaphore_mem>>) {add = true}
    %dma_start3A_313 = arith.constant 4 : i32
    %dma_start3A_314 = arith.constant 256 : i32
    %dma_start3A_315 = tpu.memref_slice %arg5[%dma_start3A_313, %dma_start3A_314] : memref<16x512xi32, #tpu.memory_space<vmem>> -> memref<1x128xi32, #tpu.memory_space<vmem>>
    %dma_start3A_316 = tpu.memref_squeeze %dma_start3A_315 : memref<1x128xi32, #tpu.memory_space<vmem>> -> memref<128xi32, #tpu.memory_space<vmem>>
    %dma_start3A_317 = arith.constant 0 : i32
    %dma_start3A_318 = arith.constant 0 : i32
    %dma_start3A_319 = tpu.memref_slice %arg3[%dma_start3A_317, %dma_start3A_318] : memref<100000x128xf32, #tpu.memory_space<hbm>> -> memref<100000x128xf32, #tpu.memory_space<hbm>>
    tpu.enqueue_indirect_dma source(%dma_start3A_319 : memref<100000x128xf32, #tpu.memory_space<hbm>>) target(%arg8 : memref<128x128xf32, #tpu.memory_space<vmem>>) offsets(%dma_start3A_316 : memref<128xi32, #tpu.memory_space<vmem>>) semaphore(%arg12 : memref<!tpu.dma_semaphore, #tpu.memory_space<semaphore_mem>>) {add = true}
    %dma_start3A_320 = arith.constant 5 : i32
    %dma_start3A_321 = arith.constant 256 : i32
    %dma_start3A_322 = tpu.memref_slice %arg5[%dma_start3A_320, %dma_start3A_321] : memref<16x512xi32, #tpu.memory_space<vmem>> -> memref<1x128xi32, #tpu.memory_space<vmem>>
    %dma_start3A_323 = tpu.memref_squeeze %dma_start3A_322 : memref<1x128xi32, #tpu.memory_space<vmem>> -> memref<128xi32, #tpu.memory_space<vmem>>
    %dma_start3A_324 = arith.constant 0 : i32
    %dma_start3A_325 = arith.constant 0 : i32
    %dma_start3A_326 = tpu.memref_slice %arg3[%dma_start3A_324, %dma_start3A_325] : memref<100000x128xf32, #tpu.memory_space<hbm>> -> memref<100000x128xf32, #tpu.memory_space<hbm>>
    tpu.enqueue_indirect_dma source(%dma_start3A_326 : memref<100000x128xf32, #tpu.memory_space<hbm>>) target(%arg8 : memref<128x128xf32, #tpu.memory_space<vmem>>) offsets(%dma_start3A_323 : memref<128xi32, #tpu.memory_space<vmem>>) semaphore(%arg12 : memref<!tpu.dma_semaphore, #tpu.memory_space<semaphore_mem>>) {add = true}
    %dma_start3A_327 = arith.constant 6 : i32
    %dma_start3A_328 = arith.constant 256 : i32
    %dma_start3A_329 = tpu.memref_slice %arg5[%dma_start3A_327, %dma_start3A_328] : memref<16x512xi32, #tpu.memory_space<vmem>> -> memref<1x128xi32, #tpu.memory_space<vmem>>
    %dma_start3A_330 = tpu.memref_squeeze %dma_start3A_329 : memref<1x128xi32, #tpu.memory_space<vmem>> -> memref<128xi32, #tpu.memory_space<vmem>>
    %dma_start3A_331 = arith.constant 0 : i32
    %dma_start3A_332 = arith.constant 0 : i32
    %dma_start3A_333 = tpu.memref_slice %arg3[%dma_start3A_331, %dma_start3A_332] : memref<100000x128xf32, #tpu.memory_space<hbm>> -> memref<100000x128xf32, #tpu.memory_space<hbm>>
    tpu.enqueue_indirect_dma source(%dma_start3A_333 : memref<100000x128xf32, #tpu.memory_space<hbm>>) target(%arg8 : memref<128x128xf32, #tpu.memory_space<vmem>>) offsets(%dma_start3A_330 : memref<128xi32, #tpu.memory_space<vmem>>) semaphore(%arg12 : memref<!tpu.dma_semaphore, #tpu.memory_space<semaphore_mem>>) {add = true}
    %dma_start3A_334 = arith.constant 7 : i32
    %dma_start3A_335 = arith.constant 256 : i32
    %dma_start3A_336 = tpu.memref_slice %arg5[%dma_start3A_334, %dma_start3A_335] : memref<16x512xi32, #tpu.memory_space<vmem>> -> memref<1x128xi32, #tpu.memory_space<vmem>>
    %dma_start3A_337 = tpu.memref_squeeze %dma_start3A_336 : memref<1x128xi32, #tpu.memory_space<vmem>> -> memref<128xi32, #tpu.memory_space<vmem>>
    %dma_start3A_338 = arith.constant 0 : i32
    %dma_start3A_339 = arith.constant 0 : i32
    %dma_start3A_340 = tpu.memref_slice %arg3[%dma_start3A_338, %dma_start3A_339] : memref<100000x128xf32, #tpu.memory_space<hbm>> -> memref<100000x128xf32, #tpu.memory_space<hbm>>
    tpu.enqueue_indirect_dma source(%dma_start3A_340 : memref<100000x128xf32, #tpu.memory_space<hbm>>) target(%arg8 : memref<128x128xf32, #tpu.memory_space<vmem>>) offsets(%dma_start3A_337 : memref<128xi32, #tpu.memory_space<vmem>>) semaphore(%arg12 : memref<!tpu.dma_semaphore, #tpu.memory_space<semaphore_mem>>) {add = true}
    %dma_start3A_341 = arith.constant 8 : i32
    %dma_start3A_342 = arith.constant 256 : i32
    %dma_start3A_343 = tpu.memref_slice %arg5[%dma_start3A_341, %dma_start3A_342] : memref<16x512xi32, #tpu.memory_space<vmem>> -> memref<1x128xi32, #tpu.memory_space<vmem>>
    %dma_start3A_344 = tpu.memref_squeeze %dma_start3A_343 : memref<1x128xi32, #tpu.memory_space<vmem>> -> memref<128xi32, #tpu.memory_space<vmem>>
    %dma_start3A_345 = arith.constant 0 : i32
    %dma_start3A_346 = arith.constant 0 : i32
    %dma_start3A_347 = tpu.memref_slice %arg3[%dma_start3A_345, %dma_start3A_346] : memref<100000x128xf32, #tpu.memory_space<hbm>> -> memref<100000x128xf32, #tpu.memory_space<hbm>>
    tpu.enqueue_indirect_dma source(%dma_start3A_347 : memref<100000x128xf32, #tpu.memory_space<hbm>>) target(%arg8 : memref<128x128xf32, #tpu.memory_space<vmem>>) offsets(%dma_start3A_344 : memref<128xi32, #tpu.memory_space<vmem>>) semaphore(%arg12 : memref<!tpu.dma_semaphore, #tpu.memory_space<semaphore_mem>>) {add = true}
    %dma_start3A_348 = arith.constant 9 : i32
    %dma_start3A_349 = arith.constant 256 : i32
    %dma_start3A_350 = tpu.memref_slice %arg5[%dma_start3A_348, %dma_start3A_349] : memref<16x512xi32, #tpu.memory_space<vmem>> -> memref<1x128xi32, #tpu.memory_space<vmem>>
    %dma_start3A_351 = tpu.memref_squeeze %dma_start3A_350 : memref<1x128xi32, #tpu.memory_space<vmem>> -> memref<128xi32, #tpu.memory_space<vmem>>
    %dma_start3A_352 = arith.constant 0 : i32
    %dma_start3A_353 = arith.constant 0 : i32
    %dma_start3A_354 = tpu.memref_slice %arg3[%dma_start3A_352, %dma_start3A_353] : memref<100000x128xf32, #tpu.memory_space<hbm>> -> memref<100000x128xf32, #tpu.memory_space<hbm>>
    tpu.enqueue_indirect_dma source(%dma_start3A_354 : memref<100000x128xf32, #tpu.memory_space<hbm>>) target(%arg8 : memref<128x128xf32, #tpu.memory_space<vmem>>) offsets(%dma_start3A_351 : memref<128xi32, #tpu.memory_space<vmem>>) semaphore(%arg12 : memref<!tpu.dma_semaphore, #tpu.memory_space<semaphore_mem>>) {add = true}
    %dma_start3A_355 = arith.constant 10 : i32
    %dma_start3A_356 = arith.constant 256 : i32
    %dma_start3A_357 = tpu.memref_slice %arg5[%dma_start3A_355, %dma_start3A_356] : memref<16x512xi32, #tpu.memory_space<vmem>> -> memref<1x128xi32, #tpu.memory_space<vmem>>
    %dma_start3A_358 = tpu.memref_squeeze %dma_start3A_357 : memref<1x128xi32, #tpu.memory_space<vmem>> -> memref<128xi32, #tpu.memory_space<vmem>>
    %dma_start3A_359 = arith.constant 0 : i32
    %dma_start3A_360 = arith.constant 0 : i32
    %dma_start3A_361 = tpu.memref_slice %arg3[%dma_start3A_359, %dma_start3A_360] : memref<100000x128xf32, #tpu.memory_space<hbm>> -> memref<100000x128xf32, #tpu.memory_space<hbm>>
    tpu.enqueue_indirect_dma source(%dma_start3A_361 : memref<100000x128xf32, #tpu.memory_space<hbm>>) target(%arg8 : memref<128x128xf32, #tpu.memory_space<vmem>>) offsets(%dma_start3A_358 : memref<128xi32, #tpu.memory_space<vmem>>) semaphore(%arg12 : memref<!tpu.dma_semaphore, #tpu.memory_space<semaphore_mem>>) {add = true}
    %dma_start3A_362 = arith.constant 11 : i32
    %dma_start3A_363 = arith.constant 256 : i32
    %dma_start3A_364 = tpu.memref_slice %arg5[%dma_start3A_362, %dma_start3A_363] : memref<16x512xi32, #tpu.memory_space<vmem>> -> memref<1x128xi32, #tpu.memory_space<vmem>>
    %dma_start3A_365 = tpu.memref_squeeze %dma_start3A_364 : memref<1x128xi32, #tpu.memory_space<vmem>> -> memref<128xi32, #tpu.memory_space<vmem>>
    %dma_start3A_366 = arith.constant 0 : i32
    %dma_start3A_367 = arith.constant 0 : i32
    %dma_start3A_368 = tpu.memref_slice %arg3[%dma_start3A_366, %dma_start3A_367] : memref<100000x128xf32, #tpu.memory_space<hbm>> -> memref<100000x128xf32, #tpu.memory_space<hbm>>
    tpu.enqueue_indirect_dma source(%dma_start3A_368 : memref<100000x128xf32, #tpu.memory_space<hbm>>) target(%arg8 : memref<128x128xf32, #tpu.memory_space<vmem>>) offsets(%dma_start3A_365 : memref<128xi32, #tpu.memory_space<vmem>>) semaphore(%arg12 : memref<!tpu.dma_semaphore, #tpu.memory_space<semaphore_mem>>) {add = true}
    %dma_start3A_369 = arith.constant 12 : i32
    %dma_start3A_370 = arith.constant 256 : i32
    %dma_start3A_371 = tpu.memref_slice %arg5[%dma_start3A_369, %dma_start3A_370] : memref<16x512xi32, #tpu.memory_space<vmem>> -> memref<1x128xi32, #tpu.memory_space<vmem>>
    %dma_start3A_372 = tpu.memref_squeeze %dma_start3A_371 : memref<1x128xi32, #tpu.memory_space<vmem>> -> memref<128xi32, #tpu.memory_space<vmem>>
    %dma_start3A_373 = arith.constant 0 : i32
    %dma_start3A_374 = arith.constant 0 : i32
    %dma_start3A_375 = tpu.memref_slice %arg3[%dma_start3A_373, %dma_start3A_374] : memref<100000x128xf32, #tpu.memory_space<hbm>> -> memref<100000x128xf32, #tpu.memory_space<hbm>>
    tpu.enqueue_indirect_dma source(%dma_start3A_375 : memref<100000x128xf32, #tpu.memory_space<hbm>>) target(%arg8 : memref<128x128xf32, #tpu.memory_space<vmem>>) offsets(%dma_start3A_372 : memref<128xi32, #tpu.memory_space<vmem>>) semaphore(%arg12 : memref<!tpu.dma_semaphore, #tpu.memory_space<semaphore_mem>>) {add = true}
    %dma_start3A_376 = arith.constant 13 : i32
    %dma_start3A_377 = arith.constant 256 : i32
    %dma_start3A_378 = tpu.memref_slice %arg5[%dma_start3A_376, %dma_start3A_377] : memref<16x512xi32, #tpu.memory_space<vmem>> -> memref<1x128xi32, #tpu.memory_space<vmem>>
    %dma_start3A_379 = tpu.memref_squeeze %dma_start3A_378 : memref<1x128xi32, #tpu.memory_space<vmem>> -> memref<128xi32, #tpu.memory_space<vmem>>
    %dma_start3A_380 = arith.constant 0 : i32
    %dma_start3A_381 = arith.constant 0 : i32
    %dma_start3A_382 = tpu.memref_slice %arg3[%dma_start3A_380, %dma_start3A_381] : memref<100000x128xf32, #tpu.memory_space<hbm>> -> memref<100000x128xf32, #tpu.memory_space<hbm>>
    tpu.enqueue_indirect_dma source(%dma_start3A_382 : memref<100000x128xf32, #tpu.memory_space<hbm>>) target(%arg8 : memref<128x128xf32, #tpu.memory_space<vmem>>) offsets(%dma_start3A_379 : memref<128xi32, #tpu.memory_space<vmem>>) semaphore(%arg12 : memref<!tpu.dma_semaphore, #tpu.memory_space<semaphore_mem>>) {add = true}
    %dma_start3A_383 = arith.constant 14 : i32
    %dma_start3A_384 = arith.constant 256 : i32
    %dma_start3A_385 = tpu.memref_slice %arg5[%dma_start3A_383, %dma_start3A_384] : memref<16x512xi32, #tpu.memory_space<vmem>> -> memref<1x128xi32, #tpu.memory_space<vmem>>
    %dma_start3A_386 = tpu.memref_squeeze %dma_start3A_385 : memref<1x128xi32, #tpu.memory_space<vmem>> -> memref<128xi32, #tpu.memory_space<vmem>>
    %dma_start3A_387 = arith.constant 0 : i32
    %dma_start3A_388 = arith.constant 0 : i32
    %dma_start3A_389 = tpu.memref_slice %arg3[%dma_start3A_387, %dma_start3A_388] : memref<100000x128xf32, #tpu.memory_space<hbm>> -> memref<100000x128xf32, #tpu.memory_space<hbm>>
    tpu.enqueue_indirect_dma source(%dma_start3A_389 : memref<100000x128xf32, #tpu.memory_space<hbm>>) target(%arg8 : memref<128x128xf32, #tpu.memory_space<vmem>>) offsets(%dma_start3A_386 : memref<128xi32, #tpu.memory_space<vmem>>) semaphore(%arg12 : memref<!tpu.dma_semaphore, #tpu.memory_space<semaphore_mem>>) {add = true}
    %dma_start3A_390 = arith.constant 15 : i32
    %dma_start3A_391 = arith.constant 256 : i32
    %dma_start3A_392 = tpu.memref_slice %arg5[%dma_start3A_390, %dma_start3A_391] : memref<16x512xi32, #tpu.memory_space<vmem>> -> memref<1x128xi32, #tpu.memory_space<vmem>>
    %dma_start3A_393 = tpu.memref_squeeze %dma_start3A_392 : memref<1x128xi32, #tpu.memory_space<vmem>> -> memref<128xi32, #tpu.memory_space<vmem>>
    %dma_start3A_394 = arith.constant 0 : i32
    %dma_start3A_395 = arith.constant 0 : i32
    %dma_start3A_396 = tpu.memref_slice %arg3[%dma_start3A_394, %dma_start3A_395] : memref<100000x128xf32, #tpu.memory_space<hbm>> -> memref<100000x128xf32, #tpu.memory_space<hbm>>
    tpu.enqueue_indirect_dma source(%dma_start3A_396 : memref<100000x128xf32, #tpu.memory_space<hbm>>) target(%arg8 : memref<128x128xf32, #tpu.memory_space<vmem>>) offsets(%dma_start3A_393 : memref<128xi32, #tpu.memory_space<vmem>>) semaphore(%arg12 : memref<!tpu.dma_semaphore, #tpu.memory_space<semaphore_mem>>) {add = true}
    %scan3A_397 = arith.constant 0 : i32
    %scan3A_398 = arith.constant 0 : i32
    %scan3A_399 = arith.constant 128 : i32
    %scan3A_400 = arith.addi %scan3A_398, %scan3A_399 : i32
    %scan3A_401 = arith.constant 1 : i32
    scf.for %scan3A_1031 = %scan3A_398 to %scan3A_400 step %scan3A_401  : i32 {
      %swap3A = arith.index_cast %scan3A_1031 : i32 to index
      %swap3A_1032 = arith.constant 0 : index
      %swap3A_1033 = tpu.vector_load %arg9[%swap3A, %swap3A_1032] {strides = array<i32>} : memref<128x128xf32, #tpu.memory_space<vmem>>, vector<1x16xf32>,
      %swap3A_1034 = vector.shape_cast %swap3A_1033 : vector<1x16xf32> to vector<16xf32>
      %swap3A_1035 = vector.shape_cast %broadcast_in_dim3A_3 : vector<16xf32> to vector<1x16xf32>
      tpu.vector_store %arg9[%swap3A, %swap3A_1032], %swap3A_1035 {strides = array<i32>} : memref<128x128xf32, #tpu.memory_space<vmem>>, vector<1x16xf32>,
      %swap3A_1036 = arith.index_cast %scan3A_1031 : i32 to index
      %swap3A_1037 = arith.constant 16 : index
      %swap3A_1038 = tpu.vector_load %arg9[%swap3A_1036, %swap3A_1037] {strides = array<i32>} : memref<128x128xf32, #tpu.memory_space<vmem>>, vector<1x16xf32>,
      %swap3A_1039 = vector.shape_cast %swap3A_1038 : vector<1x16xf32> to vector<16xf32>
      %swap3A_1040 = vector.shape_cast %broadcast_in_dim3A_3 : vector<16xf32> to vector<1x16xf32>
      tpu.vector_store %arg9[%swap3A_1036, %swap3A_1037], %swap3A_1040 {strides = array<i32>} : memref<128x128xf32, #tpu.memory_space<vmem>>, vector<1x16xf32>,
      %swap3A_1041 = arith.index_cast %scan3A_1031 : i32 to index
      %swap3A_1042 = arith.constant 32 : index
      %swap3A_1043 = tpu.vector_load %arg9[%swap3A_1041, %swap3A_1042] {strides = array<i32>} : memref<128x128xf32, #tpu.memory_space<vmem>>, vector<1x16xf32>,
      %swap3A_1044 = vector.shape_cast %swap3A_1043 : vector<1x16xf32> to vector<16xf32>
      %swap3A_1045 = vector.shape_cast %broadcast_in_dim3A_3 : vector<16xf32> to vector<1x16xf32>
      tpu.vector_store %arg9[%swap3A_1041, %swap3A_1042], %swap3A_1045 {strides = array<i32>} : memref<128x128xf32, #tpu.memory_space<vmem>>, vector<1x16xf32>,
      %swap3A_1046 = arith.index_cast %scan3A_1031 : i32 to index
      %swap3A_1047 = arith.constant 48 : index
      %swap3A_1048 = tpu.vector_load %arg9[%swap3A_1046, %swap3A_1047] {strides = array<i32>} : memref<128x128xf32, #tpu.memory_space<vmem>>, vector<1x16xf32>,
      %swap3A_1049 = vector.shape_cast %swap3A_1048 : vector<1x16xf32> to vector<16xf32>
      %swap3A_1050 = vector.shape_cast %broadcast_in_dim3A_3 : vector<16xf32> to vector<1x16xf32>
      tpu.vector_store %arg9[%swap3A_1046, %swap3A_1047], %swap3A_1050 {strides = array<i32>} : memref<128x128xf32, #tpu.memory_space<vmem>>, vector<1x16xf32>,
      %swap3A_1051 = arith.index_cast %scan3A_1031 : i32 to index
      %swap3A_1052 = arith.constant 64 : index
      %swap3A_1053 = tpu.vector_load %arg9[%swap3A_1051, %swap3A_1052] {strides = array<i32>} : memref<128x128xf32, #tpu.memory_space<vmem>>, vector<1x16xf32>,
      %swap3A_1054 = vector.shape_cast %swap3A_1053 : vector<1x16xf32> to vector<16xf32>
      %swap3A_1055 = vector.shape_cast %broadcast_in_dim3A_3 : vector<16xf32> to vector<1x16xf32>
      tpu.vector_store %arg9[%swap3A_1051, %swap3A_1052], %swap3A_1055 {strides = array<i32>} : memref<128x128xf32, #tpu.memory_space<vmem>>, vector<1x16xf32>,
      %swap3A_1056 = arith.index_cast %scan3A_1031 : i32 to index
      %swap3A_1057 = arith.constant 80 : index
      %swap3A_1058 = tpu.vector_load %arg9[%swap3A_1056, %swap3A_1057] {strides = array<i32>} : memref<128x128xf32, #tpu.memory_space<vmem>>, vector<1x16xf32>,
      %swap3A_1059 = vector.shape_cast %swap3A_1058 : vector<1x16xf32> to vector<16xf32>
      %swap3A_1060 = vector.shape_cast %broadcast_in_dim3A_3 : vector<16xf32> to vector<1x16xf32>
      tpu.vector_store %arg9[%swap3A_1056, %swap3A_1057], %swap3A_1060 {strides = array<i32>} : memref<128x128xf32, #tpu.memory_space<vmem>>, vector<1x16xf32>,
      %swap3A_1061 = arith.index_cast %scan3A_1031 : i32 to index
      %swap3A_1062 = arith.constant 96 : index
      %swap3A_1063 = tpu.vector_load %arg9[%swap3A_1061, %swap3A_1062] {strides = array<i32>} : memref<128x128xf32, #tpu.memory_space<vmem>>, vector<1x16xf32>,
      %swap3A_1064 = vector.shape_cast %swap3A_1063 : vector<1x16xf32> to vector<16xf32>
      %swap3A_1065 = vector.shape_cast %broadcast_in_dim3A_3 : vector<16xf32> to vector<1x16xf32>
      tpu.vector_store %arg9[%swap3A_1061, %swap3A_1062], %swap3A_1065 {strides = array<i32>} : memref<128x128xf32, #tpu.memory_space<vmem>>, vector<1x16xf32>,
      %swap3A_1066 = arith.index_cast %scan3A_1031 : i32 to index
      %swap3A_1067 = arith.constant 112 : index
      %swap3A_1068 = tpu.vector_load %arg9[%swap3A_1066, %swap3A_1067] {strides = array<i32>} : memref<128x128xf32, #tpu.memory_space<vmem>>, vector<1x16xf32>,
      %swap3A_1069 = vector.shape_cast %swap3A_1068 : vector<1x16xf32> to vector<16xf32>
      %swap3A_1070 = vector.shape_cast %broadcast_in_dim3A_3 : vector<16xf32> to vector<1x16xf32>
      tpu.vector_store %arg9[%swap3A_1066, %swap3A_1067], %swap3A_1070 {strides = array<i32>} : memref<128x128xf32, #tpu.memory_space<vmem>>, vector<1x16xf32>,
    }
    %scan3A_402 = arith.constant 128 : i32
    %dma_start3A_403 = arith.constant 0 : i32
    %dma_start3A_404 = arith.constant 384 : i32
    %dma_start3A_405 = tpu.memref_slice %arg5[%dma_start3A_403, %dma_start3A_404] : memref<16x512xi32, #tpu.memory_space<vmem>> -> memref<1x128xi32, #tpu.memory_space<vmem>>
    %dma_start3A_406 = tpu.memref_squeeze %dma_start3A_405 : memref<1x128xi32, #tpu.memory_space<vmem>> -> memref<128xi32, #tpu.memory_space<vmem>>
    %dma_start3A_407 = arith.constant 0 : i32
    %dma_start3A_408 = arith.constant 0 : i32
    %dma_start3A_409 = tpu.memref_slice %arg3[%dma_start3A_407, %dma_start3A_408] : memref<100000x128xf32, #tpu.memory_space<hbm>> -> memref<100000x128xf32, #tpu.memory_space<hbm>>
    tpu.enqueue_indirect_dma source(%dma_start3A_409 : memref<100000x128xf32, #tpu.memory_space<hbm>>) target(%arg9 : memref<128x128xf32, #tpu.memory_space<vmem>>) offsets(%dma_start3A_406 : memref<128xi32, #tpu.memory_space<vmem>>) semaphore(%arg13 : memref<!tpu.dma_semaphore, #tpu.memory_space<semaphore_mem>>) {add = true}
    %dma_start3A_410 = arith.constant 1 : i32
    %dma_start3A_411 = arith.constant 384 : i32
    %dma_start3A_412 = tpu.memref_slice %arg5[%dma_start3A_410, %dma_start3A_411] : memref<16x512xi32, #tpu.memory_space<vmem>> -> memref<1x128xi32, #tpu.memory_space<vmem>>
    %dma_start3A_413 = tpu.memref_squeeze %dma_start3A_412 : memref<1x128xi32, #tpu.memory_space<vmem>> -> memref<128xi32, #tpu.memory_space<vmem>>
    %dma_start3A_414 = arith.constant 0 : i32
    %dma_start3A_415 = arith.constant 0 : i32
    %dma_start3A_416 = tpu.memref_slice %arg3[%dma_start3A_414, %dma_start3A_415] : memref<100000x128xf32, #tpu.memory_space<hbm>> -> memref<100000x128xf32, #tpu.memory_space<hbm>>
    tpu.enqueue_indirect_dma source(%dma_start3A_416 : memref<100000x128xf32, #tpu.memory_space<hbm>>) target(%arg9 : memref<128x128xf32, #tpu.memory_space<vmem>>) offsets(%dma_start3A_413 : memref<128xi32, #tpu.memory_space<vmem>>) semaphore(%arg13 : memref<!tpu.dma_semaphore, #tpu.memory_space<semaphore_mem>>) {add = true}
    %dma_start3A_417 = arith.constant 2 : i32
    %dma_start3A_418 = arith.constant 384 : i32
    %dma_start3A_419 = tpu.memref_slice %arg5[%dma_start3A_417, %dma_start3A_418] : memref<16x512xi32, #tpu.memory_space<vmem>> -> memref<1x128xi32, #tpu.memory_space<vmem>>
    %dma_start3A_420 = tpu.memref_squeeze %dma_start3A_419 : memref<1x128xi32, #tpu.memory_space<vmem>> -> memref<128xi32, #tpu.memory_space<vmem>>
    %dma_start3A_421 = arith.constant 0 : i32
    %dma_start3A_422 = arith.constant 0 : i32
    %dma_start3A_423 = tpu.memref_slice %arg3[%dma_start3A_421, %dma_start3A_422] : memref<100000x128xf32, #tpu.memory_space<hbm>> -> memref<100000x128xf32, #tpu.memory_space<hbm>>
    tpu.enqueue_indirect_dma source(%dma_start3A_423 : memref<100000x128xf32, #tpu.memory_space<hbm>>) target(%arg9 : memref<128x128xf32, #tpu.memory_space<vmem>>) offsets(%dma_start3A_420 : memref<128xi32, #tpu.memory_space<vmem>>) semaphore(%arg13 : memref<!tpu.dma_semaphore, #tpu.memory_space<semaphore_mem>>) {add = true}
    %dma_start3A_424 = arith.constant 3 : i32
    %dma_start3A_425 = arith.constant 384 : i32
    %dma_start3A_426 = tpu.memref_slice %arg5[%dma_start3A_424, %dma_start3A_425] : memref<16x512xi32, #tpu.memory_space<vmem>> -> memref<1x128xi32, #tpu.memory_space<vmem>>
    %dma_start3A_427 = tpu.memref_squeeze %dma_start3A_426 : memref<1x128xi32, #tpu.memory_space<vmem>> -> memref<128xi32, #tpu.memory_space<vmem>>
    %dma_start3A_428 = arith.constant 0 : i32
    %dma_start3A_429 = arith.constant 0 : i32
    %dma_start3A_430 = tpu.memref_slice %arg3[%dma_start3A_428, %dma_start3A_429] : memref<100000x128xf32, #tpu.memory_space<hbm>> -> memref<100000x128xf32, #tpu.memory_space<hbm>>
    tpu.enqueue_indirect_dma source(%dma_start3A_430 : memref<100000x128xf32, #tpu.memory_space<hbm>>) target(%arg9 : memref<128x128xf32, #tpu.memory_space<vmem>>) offsets(%dma_start3A_427 : memref<128xi32, #tpu.memory_space<vmem>>) semaphore(%arg13 : memref<!tpu.dma_semaphore, #tpu.memory_space<semaphore_mem>>) {add = true}
    %dma_start3A_431 = arith.constant 4 : i32
    %dma_start3A_432 = arith.constant 384 : i32
    %dma_start3A_433 = tpu.memref_slice %arg5[%dma_start3A_431, %dma_start3A_432] : memref<16x512xi32, #tpu.memory_space<vmem>> -> memref<1x128xi32, #tpu.memory_space<vmem>>
    %dma_start3A_434 = tpu.memref_squeeze %dma_start3A_433 : memref<1x128xi32, #tpu.memory_space<vmem>> -> memref<128xi32, #tpu.memory_space<vmem>>
    %dma_start3A_435 = arith.constant 0 : i32
    %dma_start3A_436 = arith.constant 0 : i32
    %dma_start3A_437 = tpu.memref_slice %arg3[%dma_start3A_435, %dma_start3A_436] : memref<100000x128xf32, #tpu.memory_space<hbm>> -> memref<100000x128xf32, #tpu.memory_space<hbm>>
    tpu.enqueue_indirect_dma source(%dma_start3A_437 : memref<100000x128xf32, #tpu.memory_space<hbm>>) target(%arg9 : memref<128x128xf32, #tpu.memory_space<vmem>>) offsets(%dma_start3A_434 : memref<128xi32, #tpu.memory_space<vmem>>) semaphore(%arg13 : memref<!tpu.dma_semaphore, #tpu.memory_space<semaphore_mem>>) {add = true}
    %dma_start3A_438 = arith.constant 5 : i32
    %dma_start3A_439 = arith.constant 384 : i32
    %dma_start3A_440 = tpu.memref_slice %arg5[%dma_start3A_438, %dma_start3A_439] : memref<16x512xi32, #tpu.memory_space<vmem>> -> memref<1x128xi32, #tpu.memory_space<vmem>>
    %dma_start3A_441 = tpu.memref_squeeze %dma_start3A_440 : memref<1x128xi32, #tpu.memory_space<vmem>> -> memref<128xi32, #tpu.memory_space<vmem>>
    %dma_start3A_442 = arith.constant 0 : i32
    %dma_start3A_443 = arith.constant 0 : i32
    %dma_start3A_444 = tpu.memref_slice %arg3[%dma_start3A_442, %dma_start3A_443] : memref<100000x128xf32, #tpu.memory_space<hbm>> -> memref<100000x128xf32, #tpu.memory_space<hbm>>
    tpu.enqueue_indirect_dma source(%dma_start3A_444 : memref<100000x128xf32, #tpu.memory_space<hbm>>) target(%arg9 : memref<128x128xf32, #tpu.memory_space<vmem>>) offsets(%dma_start3A_441 : memref<128xi32, #tpu.memory_space<vmem>>) semaphore(%arg13 : memref<!tpu.dma_semaphore, #tpu.memory_space<semaphore_mem>>) {add = true}
    %dma_start3A_445 = arith.constant 6 : i32
    %dma_start3A_446 = arith.constant 384 : i32
    %dma_start3A_447 = tpu.memref_slice %arg5[%dma_start3A_445, %dma_start3A_446] : memref<16x512xi32, #tpu.memory_space<vmem>> -> memref<1x128xi32, #tpu.memory_space<vmem>>
    %dma_start3A_448 = tpu.memref_squeeze %dma_start3A_447 : memref<1x128xi32, #tpu.memory_space<vmem>> -> memref<128xi32, #tpu.memory_space<vmem>>
    %dma_start3A_449 = arith.constant 0 : i32
    %dma_start3A_450 = arith.constant 0 : i32
    %dma_start3A_451 = tpu.memref_slice %arg3[%dma_start3A_449, %dma_start3A_450] : memref<100000x128xf32, #tpu.memory_space<hbm>> -> memref<100000x128xf32, #tpu.memory_space<hbm>>
    tpu.enqueue_indirect_dma source(%dma_start3A_451 : memref<100000x128xf32, #tpu.memory_space<hbm>>) target(%arg9 : memref<128x128xf32, #tpu.memory_space<vmem>>) offsets(%dma_start3A_448 : memref<128xi32, #tpu.memory_space<vmem>>) semaphore(%arg13 : memref<!tpu.dma_semaphore, #tpu.memory_space<semaphore_mem>>) {add = true}
    %dma_start3A_452 = arith.constant 7 : i32
    %dma_start3A_453 = arith.constant 384 : i32
    %dma_start3A_454 = tpu.memref_slice %arg5[%dma_start3A_452, %dma_start3A_453] : memref<16x512xi32, #tpu.memory_space<vmem>> -> memref<1x128xi32, #tpu.memory_space<vmem>>
    %dma_start3A_455 = tpu.memref_squeeze %dma_start3A_454 : memref<1x128xi32, #tpu.memory_space<vmem>> -> memref<128xi32, #tpu.memory_space<vmem>>
    %dma_start3A_456 = arith.constant 0 : i32
    %dma_start3A_457 = arith.constant 0 : i32
    %dma_start3A_458 = tpu.memref_slice %arg3[%dma_start3A_456, %dma_start3A_457] : memref<100000x128xf32, #tpu.memory_space<hbm>> -> memref<100000x128xf32, #tpu.memory_space<hbm>>
    tpu.enqueue_indirect_dma source(%dma_start3A_458 : memref<100000x128xf32, #tpu.memory_space<hbm>>) target(%arg9 : memref<128x128xf32, #tpu.memory_space<vmem>>) offsets(%dma_start3A_455 : memref<128xi32, #tpu.memory_space<vmem>>) semaphore(%arg13 : memref<!tpu.dma_semaphore, #tpu.memory_space<semaphore_mem>>) {add = true}
    %dma_start3A_459 = arith.constant 8 : i32
    %dma_start3A_460 = arith.constant 384 : i32
    %dma_start3A_461 = tpu.memref_slice %arg5[%dma_start3A_459, %dma_start3A_460] : memref<16x512xi32, #tpu.memory_space<vmem>> -> memref<1x128xi32, #tpu.memory_space<vmem>>
    %dma_start3A_462 = tpu.memref_squeeze %dma_start3A_461 : memref<1x128xi32, #tpu.memory_space<vmem>> -> memref<128xi32, #tpu.memory_space<vmem>>
    %dma_start3A_463 = arith.constant 0 : i32
    %dma_start3A_464 = arith.constant 0 : i32
    %dma_start3A_465 = tpu.memref_slice %arg3[%dma_start3A_463, %dma_start3A_464] : memref<100000x128xf32, #tpu.memory_space<hbm>> -> memref<100000x128xf32, #tpu.memory_space<hbm>>
    tpu.enqueue_indirect_dma source(%dma_start3A_465 : memref<100000x128xf32, #tpu.memory_space<hbm>>) target(%arg9 : memref<128x128xf32, #tpu.memory_space<vmem>>) offsets(%dma_start3A_462 : memref<128xi32, #tpu.memory_space<vmem>>) semaphore(%arg13 : memref<!tpu.dma_semaphore, #tpu.memory_space<semaphore_mem>>) {add = true}
    %dma_start3A_466 = arith.constant 9 : i32
    %dma_start3A_467 = arith.constant 384 : i32
    %dma_start3A_468 = tpu.memref_slice %arg5[%dma_start3A_466, %dma_start3A_467] : memref<16x512xi32, #tpu.memory_space<vmem>> -> memref<1x128xi32, #tpu.memory_space<vmem>>
    %dma_start3A_469 = tpu.memref_squeeze %dma_start3A_468 : memref<1x128xi32, #tpu.memory_space<vmem>> -> memref<128xi32, #tpu.memory_space<vmem>>
    %dma_start3A_470 = arith.constant 0 : i32
    %dma_start3A_471 = arith.constant 0 : i32
    %dma_start3A_472 = tpu.memref_slice %arg3[%dma_start3A_470, %dma_start3A_471] : memref<100000x128xf32, #tpu.memory_space<hbm>> -> memref<100000x128xf32, #tpu.memory_space<hbm>>
    tpu.enqueue_indirect_dma source(%dma_start3A_472 : memref<100000x128xf32, #tpu.memory_space<hbm>>) target(%arg9 : memref<128x128xf32, #tpu.memory_space<vmem>>) offsets(%dma_start3A_469 : memref<128xi32, #tpu.memory_space<vmem>>) semaphore(%arg13 : memref<!tpu.dma_semaphore, #tpu.memory_space<semaphore_mem>>) {add = true}
    %dma_start3A_473 = arith.constant 10 : i32
    %dma_start3A_474 = arith.constant 384 : i32
    %dma_start3A_475 = tpu.memref_slice %arg5[%dma_start3A_473, %dma_start3A_474] : memref<16x512xi32, #tpu.memory_space<vmem>> -> memref<1x128xi32, #tpu.memory_space<vmem>>
    %dma_start3A_476 = tpu.memref_squeeze %dma_start3A_475 : memref<1x128xi32, #tpu.memory_space<vmem>> -> memref<128xi32, #tpu.memory_space<vmem>>
    %dma_start3A_477 = arith.constant 0 : i32
    %dma_start3A_478 = arith.constant 0 : i32
    %dma_start3A_479 = tpu.memref_slice %arg3[%dma_start3A_477, %dma_start3A_478] : memref<100000x128xf32, #tpu.memory_space<hbm>> -> memref<100000x128xf32, #tpu.memory_space<hbm>>
    tpu.enqueue_indirect_dma source(%dma_start3A_479 : memref<100000x128xf32, #tpu.memory_space<hbm>>) target(%arg9 : memref<128x128xf32, #tpu.memory_space<vmem>>) offsets(%dma_start3A_476 : memref<128xi32, #tpu.memory_space<vmem>>) semaphore(%arg13 : memref<!tpu.dma_semaphore, #tpu.memory_space<semaphore_mem>>) {add = true}
    %dma_start3A_480 = arith.constant 11 : i32
    %dma_start3A_481 = arith.constant 384 : i32
    %dma_start3A_482 = tpu.memref_slice %arg5[%dma_start3A_480, %dma_start3A_481] : memref<16x512xi32, #tpu.memory_space<vmem>> -> memref<1x128xi32, #tpu.memory_space<vmem>>
    %dma_start3A_483 = tpu.memref_squeeze %dma_start3A_482 : memref<1x128xi32, #tpu.memory_space<vmem>> -> memref<128xi32, #tpu.memory_space<vmem>>
    %dma_start3A_484 = arith.constant 0 : i32
    %dma_start3A_485 = arith.constant 0 : i32
    %dma_start3A_486 = tpu.memref_slice %arg3[%dma_start3A_484, %dma_start3A_485] : memref<100000x128xf32, #tpu.memory_space<hbm>> -> memref<100000x128xf32, #tpu.memory_space<hbm>>
    tpu.enqueue_indirect_dma source(%dma_start3A_486 : memref<100000x128xf32, #tpu.memory_space<hbm>>) target(%arg9 : memref<128x128xf32, #tpu.memory_space<vmem>>) offsets(%dma_start3A_483 : memref<128xi32, #tpu.memory_space<vmem>>) semaphore(%arg13 : memref<!tpu.dma_semaphore, #tpu.memory_space<semaphore_mem>>) {add = true}
    %dma_start3A_487 = arith.constant 12 : i32
    %dma_start3A_488 = arith.constant 384 : i32
    %dma_start3A_489 = tpu.memref_slice %arg5[%dma_start3A_487, %dma_start3A_488] : memref<16x512xi32, #tpu.memory_space<vmem>> -> memref<1x128xi32, #tpu.memory_space<vmem>>
    %dma_start3A_490 = tpu.memref_squeeze %dma_start3A_489 : memref<1x128xi32, #tpu.memory_space<vmem>> -> memref<128xi32, #tpu.memory_space<vmem>>
    %dma_start3A_491 = arith.constant 0 : i32
    %dma_start3A_492 = arith.constant 0 : i32
    %dma_start3A_493 = tpu.memref_slice %arg3[%dma_start3A_491, %dma_start3A_492] : memref<100000x128xf32, #tpu.memory_space<hbm>> -> memref<100000x128xf32, #tpu.memory_space<hbm>>
    tpu.enqueue_indirect_dma source(%dma_start3A_493 : memref<100000x128xf32, #tpu.memory_space<hbm>>) target(%arg9 : memref<128x128xf32, #tpu.memory_space<vmem>>) offsets(%dma_start3A_490 : memref<128xi32, #tpu.memory_space<vmem>>) semaphore(%arg13 : memref<!tpu.dma_semaphore, #tpu.memory_space<semaphore_mem>>) {add = true}
    %dma_start3A_494 = arith.constant 13 : i32
    %dma_start3A_495 = arith.constant 384 : i32
    %dma_start3A_496 = tpu.memref_slice %arg5[%dma_start3A_494, %dma_start3A_495] : memref<16x512xi32, #tpu.memory_space<vmem>> -> memref<1x128xi32, #tpu.memory_space<vmem>>
    %dma_start3A_497 = tpu.memref_squeeze %dma_start3A_496 : memref<1x128xi32, #tpu.memory_space<vmem>> -> memref<128xi32, #tpu.memory_space<vmem>>
    %dma_start3A_498 = arith.constant 0 : i32
    %dma_start3A_499 = arith.constant 0 : i32
    %dma_start3A_500 = tpu.memref_slice %arg3[%dma_start3A_498, %dma_start3A_499] : memref<100000x128xf32, #tpu.memory_space<hbm>> -> memref<100000x128xf32, #tpu.memory_space<hbm>>
    tpu.enqueue_indirect_dma source(%dma_start3A_500 : memref<100000x128xf32, #tpu.memory_space<hbm>>) target(%arg9 : memref<128x128xf32, #tpu.memory_space<vmem>>) offsets(%dma_start3A_497 : memref<128xi32, #tpu.memory_space<vmem>>) semaphore(%arg13 : memref<!tpu.dma_semaphore, #tpu.memory_space<semaphore_mem>>) {add = true}
    %dma_start3A_501 = arith.constant 14 : i32
    %dma_start3A_502 = arith.constant 384 : i32
    %dma_start3A_503 = tpu.memref_slice %arg5[%dma_start3A_501, %dma_start3A_502] : memref<16x512xi32, #tpu.memory_space<vmem>> -> memref<1x128xi32, #tpu.memory_space<vmem>>
    %dma_start3A_504 = tpu.memref_squeeze %dma_start3A_503 : memref<1x128xi32, #tpu.memory_space<vmem>> -> memref<128xi32, #tpu.memory_space<vmem>>
    %dma_start3A_505 = arith.constant 0 : i32
    %dma_start3A_506 = arith.constant 0 : i32
    %dma_start3A_507 = tpu.memref_slice %arg3[%dma_start3A_505, %dma_start3A_506] : memref<100000x128xf32, #tpu.memory_space<hbm>> -> memref<100000x128xf32, #tpu.memory_space<hbm>>
    tpu.enqueue_indirect_dma source(%dma_start3A_507 : memref<100000x128xf32, #tpu.memory_space<hbm>>) target(%arg9 : memref<128x128xf32, #tpu.memory_space<vmem>>) offsets(%dma_start3A_504 : memref<128xi32, #tpu.memory_space<vmem>>) semaphore(%arg13 : memref<!tpu.dma_semaphore, #tpu.memory_space<semaphore_mem>>) {add = true}
    %dma_start3A_508 = arith.constant 15 : i32
    %dma_start3A_509 = arith.constant 384 : i32
    %dma_start3A_510 = tpu.memref_slice %arg5[%dma_start3A_508, %dma_start3A_509] : memref<16x512xi32, #tpu.memory_space<vmem>> -> memref<1x128xi32, #tpu.memory_space<vmem>>
    %dma_start3A_511 = tpu.memref_squeeze %dma_start3A_510 : memref<1x128xi32, #tpu.memory_space<vmem>> -> memref<128xi32, #tpu.memory_space<vmem>>
    %dma_start3A_512 = arith.constant 0 : i32
    %dma_start3A_513 = arith.constant 0 : i32
    %dma_start3A_514 = tpu.memref_slice %arg3[%dma_start3A_512, %dma_start3A_513] : memref<100000x128xf32, #tpu.memory_space<hbm>> -> memref<100000x128xf32, #tpu.memory_space<hbm>>
    tpu.enqueue_indirect_dma source(%dma_start3A_514 : memref<100000x128xf32, #tpu.memory_space<hbm>>) target(%arg9 : memref<128x128xf32, #tpu.memory_space<vmem>>) offsets(%dma_start3A_511 : memref<128xi32, #tpu.memory_space<vmem>>) semaphore(%arg13 : memref<!tpu.dma_semaphore, #tpu.memory_space<semaphore_mem>>) {add = true}
    %dma_wait3A_515 = arith.constant 0 : i32
    %dma_wait3A_516 = arith.constant 0 : i32
    %dma_wait3A_517 = tpu.memref_slice %arg5[%dma_wait3A_515, %dma_wait3A_516] : memref<16x512xi32, #tpu.memory_space<vmem>> -> memref<1x128xi32, #tpu.memory_space<vmem>>
    %dma_wait3A_518 = tpu.memref_squeeze %dma_wait3A_517 : memref<1x128xi32, #tpu.memory_space<vmem>> -> memref<128xi32, #tpu.memory_space<vmem>>
    %dma_wait3A_519 = arith.constant 0 : i32
    %dma_wait3A_520 = arith.constant 0 : i32
    %dma_wait3A_521 = tpu.memref_slice %arg3[%dma_wait3A_519, %dma_wait3A_520] : memref<100000x128xf32, #tpu.memory_space<hbm>> -> memref<100000x128xf32, #tpu.memory_space<hbm>>
    tpu.wait_indirect_dma semaphore(%arg10 : memref<!tpu.dma_semaphore, #tpu.memory_space<semaphore_mem>>) src(%dma_wait3A_521 : memref<100000x128xf32, #tpu.memory_space<hbm>>) dst(%arg6 : memref<128x128xf32, #tpu.memory_space<vmem>>)
    %dma_wait3A_522 = arith.constant 1 : i32
    %dma_wait3A_523 = arith.constant 0 : i32
    %dma_wait3A_524 = tpu.memref_slice %arg5[%dma_wait3A_522, %dma_wait3A_523] : memref<16x512xi32, #tpu.memory_space<vmem>> -> memref<1x128xi32, #tpu.memory_space<vmem>>
    %dma_wait3A_525 = tpu.memref_squeeze %dma_wait3A_524 : memref<1x128xi32, #tpu.memory_space<vmem>> -> memref<128xi32, #tpu.memory_space<vmem>>
    %dma_wait3A_526 = arith.constant 0 : i32
    %dma_wait3A_527 = arith.constant 0 : i32
    %dma_wait3A_528 = tpu.memref_slice %arg3[%dma_wait3A_526, %dma_wait3A_527] : memref<100000x128xf32, #tpu.memory_space<hbm>> -> memref<100000x128xf32, #tpu.memory_space<hbm>>
    tpu.wait_indirect_dma semaphore(%arg10 : memref<!tpu.dma_semaphore, #tpu.memory_space<semaphore_mem>>) src(%dma_wait3A_528 : memref<100000x128xf32, #tpu.memory_space<hbm>>) dst(%arg6 : memref<128x128xf32, #tpu.memory_space<vmem>>)
    %dma_wait3A_529 = arith.constant 2 : i32
    %dma_wait3A_530 = arith.constant 0 : i32
    %dma_wait3A_531 = tpu.memref_slice %arg5[%dma_wait3A_529, %dma_wait3A_530] : memref<16x512xi32, #tpu.memory_space<vmem>> -> memref<1x128xi32, #tpu.memory_space<vmem>>
    %dma_wait3A_532 = tpu.memref_squeeze %dma_wait3A_531 : memref<1x128xi32, #tpu.memory_space<vmem>> -> memref<128xi32, #tpu.memory_space<vmem>>
    %dma_wait3A_533 = arith.constant 0 : i32
    %dma_wait3A_534 = arith.constant 0 : i32
    %dma_wait3A_535 = tpu.memref_slice %arg3[%dma_wait3A_533, %dma_wait3A_534] : memref<100000x128xf32, #tpu.memory_space<hbm>> -> memref<100000x128xf32, #tpu.memory_space<hbm>>
    tpu.wait_indirect_dma semaphore(%arg10 : memref<!tpu.dma_semaphore, #tpu.memory_space<semaphore_mem>>) src(%dma_wait3A_535 : memref<100000x128xf32, #tpu.memory_space<hbm>>) dst(%arg6 : memref<128x128xf32, #tpu.memory_space<vmem>>)
    %dma_wait3A_536 = arith.constant 3 : i32
    %dma_wait3A_537 = arith.constant 0 : i32
    %dma_wait3A_538 = tpu.memref_slice %arg5[%dma_wait3A_536, %dma_wait3A_537] : memref<16x512xi32, #tpu.memory_space<vmem>> -> memref<1x128xi32, #tpu.memory_space<vmem>>
    %dma_wait3A_539 = tpu.memref_squeeze %dma_wait3A_538 : memref<1x128xi32, #tpu.memory_space<vmem>> -> memref<128xi32, #tpu.memory_space<vmem>>
    %dma_wait3A_540 = arith.constant 0 : i32
    %dma_wait3A_541 = arith.constant 0 : i32
    %dma_wait3A_542 = tpu.memref_slice %arg3[%dma_wait3A_540, %dma_wait3A_541] : memref<100000x128xf32, #tpu.memory_space<hbm>> -> memref<100000x128xf32, #tpu.memory_space<hbm>>
    tpu.wait_indirect_dma semaphore(%arg10 : memref<!tpu.dma_semaphore, #tpu.memory_space<semaphore_mem>>) src(%dma_wait3A_542 : memref<100000x128xf32, #tpu.memory_space<hbm>>) dst(%arg6 : memref<128x128xf32, #tpu.memory_space<vmem>>)
    %dma_wait3A_543 = arith.constant 4 : i32
    %dma_wait3A_544 = arith.constant 0 : i32
    %dma_wait3A_545 = tpu.memref_slice %arg5[%dma_wait3A_543, %dma_wait3A_544] : memref<16x512xi32, #tpu.memory_space<vmem>> -> memref<1x128xi32, #tpu.memory_space<vmem>>
    %dma_wait3A_546 = tpu.memref_squeeze %dma_wait3A_545 : memref<1x128xi32, #tpu.memory_space<vmem>> -> memref<128xi32, #tpu.memory_space<vmem>>
    %dma_wait3A_547 = arith.constant 0 : i32
    %dma_wait3A_548 = arith.constant 0 : i32
    %dma_wait3A_549 = tpu.memref_slice %arg3[%dma_wait3A_547, %dma_wait3A_548] : memref<100000x128xf32, #tpu.memory_space<hbm>> -> memref<100000x128xf32, #tpu.memory_space<hbm>>
    tpu.wait_indirect_dma semaphore(%arg10 : memref<!tpu.dma_semaphore, #tpu.memory_space<semaphore_mem>>) src(%dma_wait3A_549 : memref<100000x128xf32, #tpu.memory_space<hbm>>) dst(%arg6 : memref<128x128xf32, #tpu.memory_space<vmem>>)
    %dma_wait3A_550 = arith.constant 5 : i32
    %dma_wait3A_551 = arith.constant 0 : i32
    %dma_wait3A_552 = tpu.memref_slice %arg5[%dma_wait3A_550, %dma_wait3A_551] : memref<16x512xi32, #tpu.memory_space<vmem>> -> memref<1x128xi32, #tpu.memory_space<vmem>>
    %dma_wait3A_553 = tpu.memref_squeeze %dma_wait3A_552 : memref<1x128xi32, #tpu.memory_space<vmem>> -> memref<128xi32, #tpu.memory_space<vmem>>
    %dma_wait3A_554 = arith.constant 0 : i32
    %dma_wait3A_555 = arith.constant 0 : i32
    %dma_wait3A_556 = tpu.memref_slice %arg3[%dma_wait3A_554, %dma_wait3A_555] : memref<100000x128xf32, #tpu.memory_space<hbm>> -> memref<100000x128xf32, #tpu.memory_space<hbm>>
    tpu.wait_indirect_dma semaphore(%arg10 : memref<!tpu.dma_semaphore, #tpu.memory_space<semaphore_mem>>) src(%dma_wait3A_556 : memref<100000x128xf32, #tpu.memory_space<hbm>>) dst(%arg6 : memref<128x128xf32, #tpu.memory_space<vmem>>)
    %dma_wait3A_557 = arith.constant 6 : i32
    %dma_wait3A_558 = arith.constant 0 : i32
    %dma_wait3A_559 = tpu.memref_slice %arg5[%dma_wait3A_557, %dma_wait3A_558] : memref<16x512xi32, #tpu.memory_space<vmem>> -> memref<1x128xi32, #tpu.memory_space<vmem>>
    %dma_wait3A_560 = tpu.memref_squeeze %dma_wait3A_559 : memref<1x128xi32, #tpu.memory_space<vmem>> -> memref<128xi32, #tpu.memory_space<vmem>>
    %dma_wait3A_561 = arith.constant 0 : i32
    %dma_wait3A_562 = arith.constant 0 : i32
    %dma_wait3A_563 = tpu.memref_slice %arg3[%dma_wait3A_561, %dma_wait3A_562] : memref<100000x128xf32, #tpu.memory_space<hbm>> -> memref<100000x128xf32, #tpu.memory_space<hbm>>
    tpu.wait_indirect_dma semaphore(%arg10 : memref<!tpu.dma_semaphore, #tpu.memory_space<semaphore_mem>>) src(%dma_wait3A_563 : memref<100000x128xf32, #tpu.memory_space<hbm>>) dst(%arg6 : memref<128x128xf32, #tpu.memory_space<vmem>>)
    %dma_wait3A_564 = arith.constant 7 : i32
    %dma_wait3A_565 = arith.constant 0 : i32
    %dma_wait3A_566 = tpu.memref_slice %arg5[%dma_wait3A_564, %dma_wait3A_565] : memref<16x512xi32, #tpu.memory_space<vmem>> -> memref<1x128xi32, #tpu.memory_space<vmem>>
    %dma_wait3A_567 = tpu.memref_squeeze %dma_wait3A_566 : memref<1x128xi32, #tpu.memory_space<vmem>> -> memref<128xi32, #tpu.memory_space<vmem>>
    %dma_wait3A_568 = arith.constant 0 : i32
    %dma_wait3A_569 = arith.constant 0 : i32
    %dma_wait3A_570 = tpu.memref_slice %arg3[%dma_wait3A_568, %dma_wait3A_569] : memref<100000x128xf32, #tpu.memory_space<hbm>> -> memref<100000x128xf32, #tpu.memory_space<hbm>>
    tpu.wait_indirect_dma semaphore(%arg10 : memref<!tpu.dma_semaphore, #tpu.memory_space<semaphore_mem>>) src(%dma_wait3A_570 : memref<100000x128xf32, #tpu.memory_space<hbm>>) dst(%arg6 : memref<128x128xf32, #tpu.memory_space<vmem>>)
    %dma_wait3A_571 = arith.constant 8 : i32
    %dma_wait3A_572 = arith.constant 0 : i32
    %dma_wait3A_573 = tpu.memref_slice %arg5[%dma_wait3A_571, %dma_wait3A_572] : memref<16x512xi32, #tpu.memory_space<vmem>> -> memref<1x128xi32, #tpu.memory_space<vmem>>
    %dma_wait3A_574 = tpu.memref_squeeze %dma_wait3A_573 : memref<1x128xi32, #tpu.memory_space<vmem>> -> memref<128xi32, #tpu.memory_space<vmem>>
    %dma_wait3A_575 = arith.constant 0 : i32
    %dma_wait3A_576 = arith.constant 0 : i32
    %dma_wait3A_577 = tpu.memref_slice %arg3[%dma_wait3A_575, %dma_wait3A_576] : memref<100000x128xf32, #tpu.memory_space<hbm>> -> memref<100000x128xf32, #tpu.memory_space<hbm>>
    tpu.wait_indirect_dma semaphore(%arg10 : memref<!tpu.dma_semaphore, #tpu.memory_space<semaphore_mem>>) src(%dma_wait3A_577 : memref<100000x128xf32, #tpu.memory_space<hbm>>) dst(%arg6 : memref<128x128xf32, #tpu.memory_space<vmem>>)
    %dma_wait3A_578 = arith.constant 9 : i32
    %dma_wait3A_579 = arith.constant 0 : i32
    %dma_wait3A_580 = tpu.memref_slice %arg5[%dma_wait3A_578, %dma_wait3A_579] : memref<16x512xi32, #tpu.memory_space<vmem>> -> memref<1x128xi32, #tpu.memory_space<vmem>>
    %dma_wait3A_581 = tpu.memref_squeeze %dma_wait3A_580 : memref<1x128xi32, #tpu.memory_space<vmem>> -> memref<128xi32, #tpu.memory_space<vmem>>
    %dma_wait3A_582 = arith.constant 0 : i32
    %dma_wait3A_583 = arith.constant 0 : i32
    %dma_wait3A_584 = tpu.memref_slice %arg3[%dma_wait3A_582, %dma_wait3A_583] : memref<100000x128xf32, #tpu.memory_space<hbm>> -> memref<100000x128xf32, #tpu.memory_space<hbm>>
    tpu.wait_indirect_dma semaphore(%arg10 : memref<!tpu.dma_semaphore, #tpu.memory_space<semaphore_mem>>) src(%dma_wait3A_584 : memref<100000x128xf32, #tpu.memory_space<hbm>>) dst(%arg6 : memref<128x128xf32, #tpu.memory_space<vmem>>)
    %dma_wait3A_585 = arith.constant 10 : i32
    %dma_wait3A_586 = arith.constant 0 : i32
    %dma_wait3A_587 = tpu.memref_slice %arg5[%dma_wait3A_585, %dma_wait3A_586] : memref<16x512xi32, #tpu.memory_space<vmem>> -> memref<1x128xi32, #tpu.memory_space<vmem>>
    %dma_wait3A_588 = tpu.memref_squeeze %dma_wait3A_587 : memref<1x128xi32, #tpu.memory_space<vmem>> -> memref<128xi32, #tpu.memory_space<vmem>>
    %dma_wait3A_589 = arith.constant 0 : i32
    %dma_wait3A_590 = arith.constant 0 : i32
    %dma_wait3A_591 = tpu.memref_slice %arg3[%dma_wait3A_589, %dma_wait3A_590] : memref<100000x128xf32, #tpu.memory_space<hbm>> -> memref<100000x128xf32, #tpu.memory_space<hbm>>
    tpu.wait_indirect_dma semaphore(%arg10 : memref<!tpu.dma_semaphore, #tpu.memory_space<semaphore_mem>>) src(%dma_wait3A_591 : memref<100000x128xf32, #tpu.memory_space<hbm>>) dst(%arg6 : memref<128x128xf32, #tpu.memory_space<vmem>>)
    %dma_wait3A_592 = arith.constant 11 : i32
    %dma_wait3A_593 = arith.constant 0 : i32
    %dma_wait3A_594 = tpu.memref_slice %arg5[%dma_wait3A_592, %dma_wait3A_593] : memref<16x512xi32, #tpu.memory_space<vmem>> -> memref<1x128xi32, #tpu.memory_space<vmem>>
    %dma_wait3A_595 = tpu.memref_squeeze %dma_wait3A_594 : memref<1x128xi32, #tpu.memory_space<vmem>> -> memref<128xi32, #tpu.memory_space<vmem>>
    %dma_wait3A_596 = arith.constant 0 : i32
    %dma_wait3A_597 = arith.constant 0 : i32
    %dma_wait3A_598 = tpu.memref_slice %arg3[%dma_wait3A_596, %dma_wait3A_597] : memref<100000x128xf32, #tpu.memory_space<hbm>> -> memref<100000x128xf32, #tpu.memory_space<hbm>>
    tpu.wait_indirect_dma semaphore(%arg10 : memref<!tpu.dma_semaphore, #tpu.memory_space<semaphore_mem>>) src(%dma_wait3A_598 : memref<100000x128xf32, #tpu.memory_space<hbm>>) dst(%arg6 : memref<128x128xf32, #tpu.memory_space<vmem>>)
    %dma_wait3A_599 = arith.constant 12 : i32
    %dma_wait3A_600 = arith.constant 0 : i32
    %dma_wait3A_601 = tpu.memref_slice %arg5[%dma_wait3A_599, %dma_wait3A_600] : memref<16x512xi32, #tpu.memory_space<vmem>> -> memref<1x128xi32, #tpu.memory_space<vmem>>
    %dma_wait3A_602 = tpu.memref_squeeze %dma_wait3A_601 : memref<1x128xi32, #tpu.memory_space<vmem>> -> memref<128xi32, #tpu.memory_space<vmem>>
    %dma_wait3A_603 = arith.constant 0 : i32
    %dma_wait3A_604 = arith.constant 0 : i32
    %dma_wait3A_605 = tpu.memref_slice %arg3[%dma_wait3A_603, %dma_wait3A_604] : memref<100000x128xf32, #tpu.memory_space<hbm>> -> memref<100000x128xf32, #tpu.memory_space<hbm>>
    tpu.wait_indirect_dma semaphore(%arg10 : memref<!tpu.dma_semaphore, #tpu.memory_space<semaphore_mem>>) src(%dma_wait3A_605 : memref<100000x128xf32, #tpu.memory_space<hbm>>) dst(%arg6 : memref<128x128xf32, #tpu.memory_space<vmem>>)
    %dma_wait3A_606 = arith.constant 13 : i32
    %dma_wait3A_607 = arith.constant 0 : i32
    %dma_wait3A_608 = tpu.memref_slice %arg5[%dma_wait3A_606, %dma_wait3A_607] : memref<16x512xi32, #tpu.memory_space<vmem>> -> memref<1x128xi32, #tpu.memory_space<vmem>>
    %dma_wait3A_609 = tpu.memref_squeeze %dma_wait3A_608 : memref<1x128xi32, #tpu.memory_space<vmem>> -> memref<128xi32, #tpu.memory_space<vmem>>
    %dma_wait3A_610 = arith.constant 0 : i32
    %dma_wait3A_611 = arith.constant 0 : i32
    %dma_wait3A_612 = tpu.memref_slice %arg3[%dma_wait3A_610, %dma_wait3A_611] : memref<100000x128xf32, #tpu.memory_space<hbm>> -> memref<100000x128xf32, #tpu.memory_space<hbm>>
    tpu.wait_indirect_dma semaphore(%arg10 : memref<!tpu.dma_semaphore, #tpu.memory_space<semaphore_mem>>) src(%dma_wait3A_612 : memref<100000x128xf32, #tpu.memory_space<hbm>>) dst(%arg6 : memref<128x128xf32, #tpu.memory_space<vmem>>)
    %dma_wait3A_613 = arith.constant 14 : i32
    %dma_wait3A_614 = arith.constant 0 : i32
    %dma_wait3A_615 = tpu.memref_slice %arg5[%dma_wait3A_613, %dma_wait3A_614] : memref<16x512xi32, #tpu.memory_space<vmem>> -> memref<1x128xi32, #tpu.memory_space<vmem>>
    %dma_wait3A_616 = tpu.memref_squeeze %dma_wait3A_615 : memref<1x128xi32, #tpu.memory_space<vmem>> -> memref<128xi32, #tpu.memory_space<vmem>>
    %dma_wait3A_617 = arith.constant 0 : i32
    %dma_wait3A_618 = arith.constant 0 : i32
    %dma_wait3A_619 = tpu.memref_slice %arg3[%dma_wait3A_617, %dma_wait3A_618] : memref<100000x128xf32, #tpu.memory_space<hbm>> -> memref<100000x128xf32, #tpu.memory_space<hbm>>
    tpu.wait_indirect_dma semaphore(%arg10 : memref<!tpu.dma_semaphore, #tpu.memory_space<semaphore_mem>>) src(%dma_wait3A_619 : memref<100000x128xf32, #tpu.memory_space<hbm>>) dst(%arg6 : memref<128x128xf32, #tpu.memory_space<vmem>>)
    %dma_wait3A_620 = arith.constant 15 : i32
    %dma_wait3A_621 = arith.constant 0 : i32
    %dma_wait3A_622 = tpu.memref_slice %arg5[%dma_wait3A_620, %dma_wait3A_621] : memref<16x512xi32, #tpu.memory_space<vmem>> -> memref<1x128xi32, #tpu.memory_space<vmem>>
    %dma_wait3A_623 = tpu.memref_squeeze %dma_wait3A_622 : memref<1x128xi32, #tpu.memory_space<vmem>> -> memref<128xi32, #tpu.memory_space<vmem>>
    %dma_wait3A_624 = arith.constant 0 : i32
    %dma_wait3A_625 = arith.constant 0 : i32
    %dma_wait3A_626 = tpu.memref_slice %arg3[%dma_wait3A_624, %dma_wait3A_625] : memref<100000x128xf32, #tpu.memory_space<hbm>> -> memref<100000x128xf32, #tpu.memory_space<hbm>>
    tpu.wait_indirect_dma semaphore(%arg10 : memref<!tpu.dma_semaphore, #tpu.memory_space<semaphore_mem>>) src(%dma_wait3A_626 : memref<100000x128xf32, #tpu.memory_space<hbm>>) dst(%arg6 : memref<128x128xf32, #tpu.memory_space<vmem>>)
    %scan3A_627 = arith.constant 0 : i32
    %scan3A_628 = arith.constant 6.250000e-02 : f32
    %scan3A_629 = arith.constant 0 : i32
    %scan3A_630 = arith.constant 64 : i32
    %scan3A_631 = arith.addi %scan3A_629, %scan3A_630 : i32
    %scan3A_632 = arith.constant 1 : i32
    scf.for %scan3A_1031 = %scan3A_629 to %scan3A_631 step %scan3A_632  : i32 {
      %mul3A_1032 = arith.constant 2 : i32
      %mul3A_1033 = arith.muli %mul3A_1032, %scan3A_1031 : i32
      %mul3A_1034 = arith.constant 2 : i32
      %mul3A_1035 = arith.muli %mul3A_1034, %scan3A_1031 : i32
      %add3A_1036 = arith.constant 1 : i32
      %add3A_1037 = arith.addi %mul3A_1035, %add3A_1036 : i32
      %get3A = arith.index_cast %mul3A_1033 : i32 to index
      %get3A_1038 = arith.constant 0 : index
      %get3A_1039 = tpu.vector_load %arg6[%get3A, %get3A_1038] {strides = array<i32>} : memref<128x128xf32, #tpu.memory_space<vmem>>, vector<1x16xf32>,
      %get3A_1040 = vector.shape_cast %get3A_1039 : vector<1x16xf32> to vector<16xf32>
      %mul3A_1041 = vector.broadcast %scan3A_628 : f32 to vector<16xf32>
      %mul3A_1042 = arith.mulf %get3A_1040, %mul3A_1041 : vector<16xf32>
      %swap3A = arith.index_cast %mul3A_1033 : i32 to index
      %swap3A_1043 = arith.constant 0 : index
      %swap3A_1044 = tpu.vector_load %arg6[%swap3A, %swap3A_1043] {strides = array<i32>} : memref<128x128xf32, #tpu.memory_space<vmem>>, vector<1x16xf32>,
      %swap3A_1045 = vector.shape_cast %swap3A_1044 : vector<1x16xf32> to vector<16xf32>
      %swap3A_1046 = vector.shape_cast %mul3A_1042 : vector<16xf32> to vector<1x16xf32>
      tpu.vector_store %arg6[%swap3A, %swap3A_1043], %swap3A_1046 {strides = array<i32>} : memref<128x128xf32, #tpu.memory_space<vmem>>, vector<1x16xf32>,
      %get3A_1047 = arith.index_cast %mul3A_1033 : i32 to index
      %get3A_1048 = arith.constant 16 : index
      %get3A_1049 = tpu.vector_load %arg6[%get3A_1047, %get3A_1048] {strides = array<i32>} : memref<128x128xf32, #tpu.memory_space<vmem>>, vector<1x16xf32>,
      %get3A_1050 = vector.shape_cast %get3A_1049 : vector<1x16xf32> to vector<16xf32>
      %mul3A_1051 = vector.broadcast %scan3A_628 : f32 to vector<16xf32>
      %mul3A_1052 = arith.mulf %get3A_1050, %mul3A_1051 : vector<16xf32>
      %swap3A_1053 = arith.index_cast %mul3A_1033 : i32 to index
      %swap3A_1054 = arith.constant 16 : index
      %swap3A_1055 = tpu.vector_load %arg6[%swap3A_1053, %swap3A_1054] {strides = array<i32>} : memref<128x128xf32, #tpu.memory_space<vmem>>, vector<1x16xf32>,
      %swap3A_1056 = vector.shape_cast %swap3A_1055 : vector<1x16xf32> to vector<16xf32>
      %swap3A_1057 = vector.shape_cast %mul3A_1052 : vector<16xf32> to vector<1x16xf32>
      tpu.vector_store %arg6[%swap3A_1053, %swap3A_1054], %swap3A_1057 {strides = array<i32>} : memref<128x128xf32, #tpu.memory_space<vmem>>, vector<1x16xf32>,
      %get3A_1058 = arith.index_cast %mul3A_1033 : i32 to index
      %get3A_1059 = arith.constant 32 : index
      %get3A_1060 = tpu.vector_load %arg6[%get3A_1058, %get3A_1059] {strides = array<i32>} : memref<128x128xf32, #tpu.memory_space<vmem>>, vector<1x16xf32>,
      %get3A_1061 = vector.shape_cast %get3A_1060 : vector<1x16xf32> to vector<16xf32>
      %mul3A_1062 = vector.broadcast %scan3A_628 : f32 to vector<16xf32>
      %mul3A_1063 = arith.mulf %get3A_1061, %mul3A_1062 : vector<16xf32>
      %swap3A_1064 = arith.index_cast %mul3A_1033 : i32 to index
      %swap3A_1065 = arith.constant 32 : index
      %swap3A_1066 = tpu.vector_load %arg6[%swap3A_1064, %swap3A_1065] {strides = array<i32>} : memref<128x128xf32, #tpu.memory_space<vmem>>, vector<1x16xf32>,
      %swap3A_1067 = vector.shape_cast %swap3A_1066 : vector<1x16xf32> to vector<16xf32>
      %swap3A_1068 = vector.shape_cast %mul3A_1063 : vector<16xf32> to vector<1x16xf32>
      tpu.vector_store %arg6[%swap3A_1064, %swap3A_1065], %swap3A_1068 {strides = array<i32>} : memref<128x128xf32, #tpu.memory_space<vmem>>, vector<1x16xf32>,
      %get3A_1069 = arith.index_cast %mul3A_1033 : i32 to index
      %get3A_1070 = arith.constant 48 : index
      %get3A_1071 = tpu.vector_load %arg6[%get3A_1069, %get3A_1070] {strides = array<i32>} : memref<128x128xf32, #tpu.memory_space<vmem>>, vector<1x16xf32>,
      %get3A_1072 = vector.shape_cast %get3A_1071 : vector<1x16xf32> to vector<16xf32>
      %mul3A_1073 = vector.broadcast %scan3A_628 : f32 to vector<16xf32>
      %mul3A_1074 = arith.mulf %get3A_1072, %mul3A_1073 : vector<16xf32>
      %swap3A_1075 = arith.index_cast %mul3A_1033 : i32 to index
      %swap3A_1076 = arith.constant 48 : index
      %swap3A_1077 = tpu.vector_load %arg6[%swap3A_1075, %swap3A_1076] {strides = array<i32>} : memref<128x128xf32, #tpu.memory_space<vmem>>, vector<1x16xf32>,
      %swap3A_1078 = vector.shape_cast %swap3A_1077 : vector<1x16xf32> to vector<16xf32>
      %swap3A_1079 = vector.shape_cast %mul3A_1074 : vector<16xf32> to vector<1x16xf32>
      tpu.vector_store %arg6[%swap3A_1075, %swap3A_1076], %swap3A_1079 {strides = array<i32>} : memref<128x128xf32, #tpu.memory_space<vmem>>, vector<1x16xf32>,
      %get3A_1080 = arith.index_cast %mul3A_1033 : i32 to index
      %get3A_1081 = arith.constant 64 : index
      %get3A_1082 = tpu.vector_load %arg6[%get3A_1080, %get3A_1081] {strides = array<i32>} : memref<128x128xf32, #tpu.memory_space<vmem>>, vector<1x16xf32>,
      %get3A_1083 = vector.shape_cast %get3A_1082 : vector<1x16xf32> to vector<16xf32>
      %mul3A_1084 = vector.broadcast %scan3A_628 : f32 to vector<16xf32>
      %mul3A_1085 = arith.mulf %get3A_1083, %mul3A_1084 : vector<16xf32>
      %swap3A_1086 = arith.index_cast %mul3A_1033 : i32 to index
      %swap3A_1087 = arith.constant 64 : index
      %swap3A_1088 = tpu.vector_load %arg6[%swap3A_1086, %swap3A_1087] {strides = array<i32>} : memref<128x128xf32, #tpu.memory_space<vmem>>, vector<1x16xf32>,
      %swap3A_1089 = vector.shape_cast %swap3A_1088 : vector<1x16xf32> to vector<16xf32>
      %swap3A_1090 = vector.shape_cast %mul3A_1085 : vector<16xf32> to vector<1x16xf32>
      tpu.vector_store %arg6[%swap3A_1086, %swap3A_1087], %swap3A_1090 {strides = array<i32>} : memref<128x128xf32, #tpu.memory_space<vmem>>, vector<1x16xf32>,
      %get3A_1091 = arith.index_cast %mul3A_1033 : i32 to index
      %get3A_1092 = arith.constant 80 : index
      %get3A_1093 = tpu.vector_load %arg6[%get3A_1091, %get3A_1092] {strides = array<i32>} : memref<128x128xf32, #tpu.memory_space<vmem>>, vector<1x16xf32>,
      %get3A_1094 = vector.shape_cast %get3A_1093 : vector<1x16xf32> to vector<16xf32>
      %mul3A_1095 = vector.broadcast %scan3A_628 : f32 to vector<16xf32>
      %mul3A_1096 = arith.mulf %get3A_1094, %mul3A_1095 : vector<16xf32>
      %swap3A_1097 = arith.index_cast %mul3A_1033 : i32 to index
      %swap3A_1098 = arith.constant 80 : index
      %swap3A_1099 = tpu.vector_load %arg6[%swap3A_1097, %swap3A_1098] {strides = array<i32>} : memref<128x128xf32, #tpu.memory_space<vmem>>, vector<1x16xf32>,
      %swap3A_1100 = vector.shape_cast %swap3A_1099 : vector<1x16xf32> to vector<16xf32>
      %swap3A_1101 = vector.shape_cast %mul3A_1096 : vector<16xf32> to vector<1x16xf32>
      tpu.vector_store %arg6[%swap3A_1097, %swap3A_1098], %swap3A_1101 {strides = array<i32>} : memref<128x128xf32, #tpu.memory_space<vmem>>, vector<1x16xf32>,
      %get3A_1102 = arith.index_cast %mul3A_1033 : i32 to index
      %get3A_1103 = arith.constant 96 : index
      %get3A_1104 = tpu.vector_load %arg6[%get3A_1102, %get3A_1103] {strides = array<i32>} : memref<128x128xf32, #tpu.memory_space<vmem>>, vector<1x16xf32>,
      %get3A_1105 = vector.shape_cast %get3A_1104 : vector<1x16xf32> to vector<16xf32>
      %mul3A_1106 = vector.broadcast %scan3A_628 : f32 to vector<16xf32>
      %mul3A_1107 = arith.mulf %get3A_1105, %mul3A_1106 : vector<16xf32>
      %swap3A_1108 = arith.index_cast %mul3A_1033 : i32 to index
      %swap3A_1109 = arith.constant 96 : index
      %swap3A_1110 = tpu.vector_load %arg6[%swap3A_1108, %swap3A_1109] {strides = array<i32>} : memref<128x128xf32, #tpu.memory_space<vmem>>, vector<1x16xf32>,
      %swap3A_1111 = vector.shape_cast %swap3A_1110 : vector<1x16xf32> to vector<16xf32>
      %swap3A_1112 = vector.shape_cast %mul3A_1107 : vector<16xf32> to vector<1x16xf32>
      tpu.vector_store %arg6[%swap3A_1108, %swap3A_1109], %swap3A_1112 {strides = array<i32>} : memref<128x128xf32, #tpu.memory_space<vmem>>, vector<1x16xf32>,
      %get3A_1113 = arith.index_cast %mul3A_1033 : i32 to index
      %get3A_1114 = arith.constant 112 : index
      %get3A_1115 = tpu.vector_load %arg6[%get3A_1113, %get3A_1114] {strides = array<i32>} : memref<128x128xf32, #tpu.memory_space<vmem>>, vector<1x16xf32>,
      %get3A_1116 = vector.shape_cast %get3A_1115 : vector<1x16xf32> to vector<16xf32>
      %mul3A_1117 = vector.broadcast %scan3A_628 : f32 to vector<16xf32>
      %mul3A_1118 = arith.mulf %get3A_1116, %mul3A_1117 : vector<16xf32>
      %swap3A_1119 = arith.index_cast %mul3A_1033 : i32 to index
      %swap3A_1120 = arith.constant 112 : index
      %swap3A_1121 = tpu.vector_load %arg6[%swap3A_1119, %swap3A_1120] {strides = array<i32>} : memref<128x128xf32, #tpu.memory_space<vmem>>, vector<1x16xf32>,
      %swap3A_1122 = vector.shape_cast %swap3A_1121 : vector<1x16xf32> to vector<16xf32>
      %swap3A_1123 = vector.shape_cast %mul3A_1118 : vector<16xf32> to vector<1x16xf32>
      tpu.vector_store %arg6[%swap3A_1119, %swap3A_1120], %swap3A_1123 {strides = array<i32>} : memref<128x128xf32, #tpu.memory_space<vmem>>, vector<1x16xf32>,
      %get3A_1124 = arith.index_cast %add3A_1037 : i32 to index
      %get3A_1125 = arith.constant 0 : index
      %get3A_1126 = tpu.vector_load %arg6[%get3A_1124, %get3A_1125] {strides = array<i32>} : memref<128x128xf32, #tpu.memory_space<vmem>>, vector<1x16xf32>,
      %get3A_1127 = vector.shape_cast %get3A_1126 : vector<1x16xf32> to vector<16xf32>
      %mul3A_1128 = vector.broadcast %scan3A_628 : f32 to vector<16xf32>
      %mul3A_1129 = arith.mulf %get3A_1127, %mul3A_1128 : vector<16xf32>
      %swap3A_1130 = arith.index_cast %add3A_1037 : i32 to index
      %swap3A_1131 = arith.constant 0 : index
      %swap3A_1132 = tpu.vector_load %arg6[%swap3A_1130, %swap3A_1131] {strides = array<i32>} : memref<128x128xf32, #tpu.memory_space<vmem>>, vector<1x16xf32>,
      %swap3A_1133 = vector.shape_cast %swap3A_1132 : vector<1x16xf32> to vector<16xf32>
      %swap3A_1134 = vector.shape_cast %mul3A_1129 : vector<16xf32> to vector<1x16xf32>
      tpu.vector_store %arg6[%swap3A_1130, %swap3A_1131], %swap3A_1134 {strides = array<i32>} : memref<128x128xf32, #tpu.memory_space<vmem>>, vector<1x16xf32>,
      %get3A_1135 = arith.index_cast %add3A_1037 : i32 to index
      %get3A_1136 = arith.constant 16 : index
      %get3A_1137 = tpu.vector_load %arg6[%get3A_1135, %get3A_1136] {strides = array<i32>} : memref<128x128xf32, #tpu.memory_space<vmem>>, vector<1x16xf32>,
      %get3A_1138 = vector.shape_cast %get3A_1137 : vector<1x16xf32> to vector<16xf32>
      %mul3A_1139 = vector.broadcast %scan3A_628 : f32 to vector<16xf32>
      %mul3A_1140 = arith.mulf %get3A_1138, %mul3A_1139 : vector<16xf32>
      %swap3A_1141 = arith.index_cast %add3A_1037 : i32 to index
      %swap3A_1142 = arith.constant 16 : index
      %swap3A_1143 = tpu.vector_load %arg6[%swap3A_1141, %swap3A_1142] {strides = array<i32>} : memref<128x128xf32, #tpu.memory_space<vmem>>, vector<1x16xf32>,
      %swap3A_1144 = vector.shape_cast %swap3A_1143 : vector<1x16xf32> to vector<16xf32>
      %swap3A_1145 = vector.shape_cast %mul3A_1140 : vector<16xf32> to vector<1x16xf32>
      tpu.vector_store %arg6[%swap3A_1141, %swap3A_1142], %swap3A_1145 {strides = array<i32>} : memref<128x128xf32, #tpu.memory_space<vmem>>, vector<1x16xf32>,
      %get3A_1146 = arith.index_cast %add3A_1037 : i32 to index
      %get3A_1147 = arith.constant 32 : index
      %get3A_1148 = tpu.vector_load %arg6[%get3A_1146, %get3A_1147] {strides = array<i32>} : memref<128x128xf32, #tpu.memory_space<vmem>>, vector<1x16xf32>,
      %get3A_1149 = vector.shape_cast %get3A_1148 : vector<1x16xf32> to vector<16xf32>
      %mul3A_1150 = vector.broadcast %scan3A_628 : f32 to vector<16xf32>
      %mul3A_1151 = arith.mulf %get3A_1149, %mul3A_1150 : vector<16xf32>
      %swap3A_1152 = arith.index_cast %add3A_1037 : i32 to index
      %swap3A_1153 = arith.constant 32 : index
      %swap3A_1154 = tpu.vector_load %arg6[%swap3A_1152, %swap3A_1153] {strides = array<i32>} : memref<128x128xf32, #tpu.memory_space<vmem>>, vector<1x16xf32>,
      %swap3A_1155 = vector.shape_cast %swap3A_1154 : vector<1x16xf32> to vector<16xf32>
      %swap3A_1156 = vector.shape_cast %mul3A_1151 : vector<16xf32> to vector<1x16xf32>
      tpu.vector_store %arg6[%swap3A_1152, %swap3A_1153], %swap3A_1156 {strides = array<i32>} : memref<128x128xf32, #tpu.memory_space<vmem>>, vector<1x16xf32>,
      %get3A_1157 = arith.index_cast %add3A_1037 : i32 to index
      %get3A_1158 = arith.constant 48 : index
      %get3A_1159 = tpu.vector_load %arg6[%get3A_1157, %get3A_1158] {strides = array<i32>} : memref<128x128xf32, #tpu.memory_space<vmem>>, vector<1x16xf32>,
      %get3A_1160 = vector.shape_cast %get3A_1159 : vector<1x16xf32> to vector<16xf32>
      %mul3A_1161 = vector.broadcast %scan3A_628 : f32 to vector<16xf32>
      %mul3A_1162 = arith.mulf %get3A_1160, %mul3A_1161 : vector<16xf32>
      %swap3A_1163 = arith.index_cast %add3A_1037 : i32 to index
      %swap3A_1164 = arith.constant 48 : index
      %swap3A_1165 = tpu.vector_load %arg6[%swap3A_1163, %swap3A_1164] {strides = array<i32>} : memref<128x128xf32, #tpu.memory_space<vmem>>, vector<1x16xf32>,
      %swap3A_1166 = vector.shape_cast %swap3A_1165 : vector<1x16xf32> to vector<16xf32>
      %swap3A_1167 = vector.shape_cast %mul3A_1162 : vector<16xf32> to vector<1x16xf32>
      tpu.vector_store %arg6[%swap3A_1163, %swap3A_1164], %swap3A_1167 {strides = array<i32>} : memref<128x128xf32, #tpu.memory_space<vmem>>, vector<1x16xf32>,
      %get3A_1168 = arith.index_cast %add3A_1037 : i32 to index
      %get3A_1169 = arith.constant 64 : index
      %get3A_1170 = tpu.vector_load %arg6[%get3A_1168, %get3A_1169] {strides = array<i32>} : memref<128x128xf32, #tpu.memory_space<vmem>>, vector<1x16xf32>,
      %get3A_1171 = vector.shape_cast %get3A_1170 : vector<1x16xf32> to vector<16xf32>
      %mul3A_1172 = vector.broadcast %scan3A_628 : f32 to vector<16xf32>
      %mul3A_1173 = arith.mulf %get3A_1171, %mul3A_1172 : vector<16xf32>
      %swap3A_1174 = arith.index_cast %add3A_1037 : i32 to index
      %swap3A_1175 = arith.constant 64 : index
      %swap3A_1176 = tpu.vector_load %arg6[%swap3A_1174, %swap3A_1175] {strides = array<i32>} : memref<128x128xf32, #tpu.memory_space<vmem>>, vector<1x16xf32>,
      %swap3A_1177 = vector.shape_cast %swap3A_1176 : vector<1x16xf32> to vector<16xf32>
      %swap3A_1178 = vector.shape_cast %mul3A_1173 : vector<16xf32> to vector<1x16xf32>
      tpu.vector_store %arg6[%swap3A_1174, %swap3A_1175], %swap3A_1178 {strides = array<i32>} : memref<128x128xf32, #tpu.memory_space<vmem>>, vector<1x16xf32>,
      %get3A_1179 = arith.index_cast %add3A_1037 : i32 to index
      %get3A_1180 = arith.constant 80 : index
      %get3A_1181 = tpu.vector_load %arg6[%get3A_1179, %get3A_1180] {strides = array<i32>} : memref<128x128xf32, #tpu.memory_space<vmem>>, vector<1x16xf32>,
      %get3A_1182 = vector.shape_cast %get3A_1181 : vector<1x16xf32> to vector<16xf32>
      %mul3A_1183 = vector.broadcast %scan3A_628 : f32 to vector<16xf32>
      %mul3A_1184 = arith.mulf %get3A_1182, %mul3A_1183 : vector<16xf32>
      %swap3A_1185 = arith.index_cast %add3A_1037 : i32 to index
      %swap3A_1186 = arith.constant 80 : index
      %swap3A_1187 = tpu.vector_load %arg6[%swap3A_1185, %swap3A_1186] {strides = array<i32>} : memref<128x128xf32, #tpu.memory_space<vmem>>, vector<1x16xf32>,
      %swap3A_1188 = vector.shape_cast %swap3A_1187 : vector<1x16xf32> to vector<16xf32>
      %swap3A_1189 = vector.shape_cast %mul3A_1184 : vector<16xf32> to vector<1x16xf32>
      tpu.vector_store %arg6[%swap3A_1185, %swap3A_1186], %swap3A_1189 {strides = array<i32>} : memref<128x128xf32, #tpu.memory_space<vmem>>, vector<1x16xf32>,
      %get3A_1190 = arith.index_cast %add3A_1037 : i32 to index
      %get3A_1191 = arith.constant 96 : index
      %get3A_1192 = tpu.vector_load %arg6[%get3A_1190, %get3A_1191] {strides = array<i32>} : memref<128x128xf32, #tpu.memory_space<vmem>>, vector<1x16xf32>,
      %get3A_1193 = vector.shape_cast %get3A_1192 : vector<1x16xf32> to vector<16xf32>
      %mul3A_1194 = vector.broadcast %scan3A_628 : f32 to vector<16xf32>
      %mul3A_1195 = arith.mulf %get3A_1193, %mul3A_1194 : vector<16xf32>
      %swap3A_1196 = arith.index_cast %add3A_1037 : i32 to index
      %swap3A_1197 = arith.constant 96 : index
      %swap3A_1198 = tpu.vector_load %arg6[%swap3A_1196, %swap3A_1197] {strides = array<i32>} : memref<128x128xf32, #tpu.memory_space<vmem>>, vector<1x16xf32>,
      %swap3A_1199 = vector.shape_cast %swap3A_1198 : vector<1x16xf32> to vector<16xf32>
      %swap3A_1200 = vector.shape_cast %mul3A_1195 : vector<16xf32> to vector<1x16xf32>
      tpu.vector_store %arg6[%swap3A_1196, %swap3A_1197], %swap3A_1200 {strides = array<i32>} : memref<128x128xf32, #tpu.memory_space<vmem>>, vector<1x16xf32>,
      %get3A_1201 = arith.index_cast %add3A_1037 : i32 to index
      %get3A_1202 = arith.constant 112 : index
      %get3A_1203 = tpu.vector_load %arg6[%get3A_1201, %get3A_1202] {strides = array<i32>} : memref<128x128xf32, #tpu.memory_space<vmem>>, vector<1x16xf32>,
      %get3A_1204 = vector.shape_cast %get3A_1203 : vector<1x16xf32> to vector<16xf32>
      %mul3A_1205 = vector.broadcast %scan3A_628 : f32 to vector<16xf32>
      %mul3A_1206 = arith.mulf %get3A_1204, %mul3A_1205 : vector<16xf32>
      %swap3A_1207 = arith.index_cast %add3A_1037 : i32 to index
      %swap3A_1208 = arith.constant 112 : index
      %swap3A_1209 = tpu.vector_load %arg6[%swap3A_1207, %swap3A_1208] {strides = array<i32>} : memref<128x128xf32, #tpu.memory_space<vmem>>, vector<1x16xf32>,
      %swap3A_1210 = vector.shape_cast %swap3A_1209 : vector<1x16xf32> to vector<16xf32>
      %swap3A_1211 = vector.shape_cast %mul3A_1206 : vector<16xf32> to vector<1x16xf32>
      tpu.vector_store %arg6[%swap3A_1207, %swap3A_1208], %swap3A_1211 {strides = array<i32>} : memref<128x128xf32, #tpu.memory_space<vmem>>, vector<1x16xf32>,
    }
    %scan3A_633 = arith.constant 64 : i32
    %add3A_634 = arith.constant 0 : i32
    %add3A_635 = arith.addi %mul3A_2, %add3A_634 : i32
    %dma_start3A_636 = arith.constant 0 : i32
    %dma_start3A_637 = tpu.memref_slice %arg4[%add3A_635, %dma_start3A_636] : memref<16384x128xf32, #tpu.memory_space<hbm>> -> memref<128x128xf32, #tpu.memory_space<hbm>>
    %dma_start3A_638 = arith.constant 0 : i32
    %dma_start3A_639 = tpu.memref_slice %arg4[%add3A_635, %dma_start3A_638] : memref<16384x128xf32, #tpu.memory_space<hbm>> -> memref<128x128xf32, #tpu.memory_space<hbm>>
    tpu.enqueue_dma source(%arg6 : memref<128x128xf32, #tpu.memory_space<vmem>>) target(%dma_start3A_639 : memref<128x128xf32, #tpu.memory_space<hbm>>) target_semaphore(%arg14 : memref<!tpu.dma_semaphore, #tpu.memory_space<semaphore_mem>>)
    %dma_wait3A_640 = arith.constant 0 : i32
    %dma_wait3A_641 = arith.constant 128 : i32
    %dma_wait3A_642 = tpu.memref_slice %arg5[%dma_wait3A_640, %dma_wait3A_641] : memref<16x512xi32, #tpu.memory_space<vmem>> -> memref<1x128xi32, #tpu.memory_space<vmem>>
    %dma_wait3A_643 = tpu.memref_squeeze %dma_wait3A_642 : memref<1x128xi32, #tpu.memory_space<vmem>> -> memref<128xi32, #tpu.memory_space<vmem>>
    %dma_wait3A_644 = arith.constant 0 : i32
    %dma_wait3A_645 = arith.constant 0 : i32
    %dma_wait3A_646 = tpu.memref_slice %arg3[%dma_wait3A_644, %dma_wait3A_645] : memref<100000x128xf32, #tpu.memory_space<hbm>> -> memref<100000x128xf32, #tpu.memory_space<hbm>>
    tpu.wait_indirect_dma semaphore(%arg11 : memref<!tpu.dma_semaphore, #tpu.memory_space<semaphore_mem>>) src(%dma_wait3A_646 : memref<100000x128xf32, #tpu.memory_space<hbm>>) dst(%arg7 : memref<128x128xf32, #tpu.memory_space<vmem>>)
    %dma_wait3A_647 = arith.constant 1 : i32
    %dma_wait3A_648 = arith.constant 128 : i32
    %dma_wait3A_649 = tpu.memref_slice %arg5[%dma_wait3A_647, %dma_wait3A_648] : memref<16x512xi32, #tpu.memory_space<vmem>> -> memref<1x128xi32, #tpu.memory_space<vmem>>
    %dma_wait3A_650 = tpu.memref_squeeze %dma_wait3A_649 : memref<1x128xi32, #tpu.memory_space<vmem>> -> memref<128xi32, #tpu.memory_space<vmem>>
    %dma_wait3A_651 = arith.constant 0 : i32
    %dma_wait3A_652 = arith.constant 0 : i32
    %dma_wait3A_653 = tpu.memref_slice %arg3[%dma_wait3A_651, %dma_wait3A_652] : memref<100000x128xf32, #tpu.memory_space<hbm>> -> memref<100000x128xf32, #tpu.memory_space<hbm>>
    tpu.wait_indirect_dma semaphore(%arg11 : memref<!tpu.dma_semaphore, #tpu.memory_space<semaphore_mem>>) src(%dma_wait3A_653 : memref<100000x128xf32, #tpu.memory_space<hbm>>) dst(%arg7 : memref<128x128xf32, #tpu.memory_space<vmem>>)
    %dma_wait3A_654 = arith.constant 2 : i32
    %dma_wait3A_655 = arith.constant 128 : i32
    %dma_wait3A_656 = tpu.memref_slice %arg5[%dma_wait3A_654, %dma_wait3A_655] : memref<16x512xi32, #tpu.memory_space<vmem>> -> memref<1x128xi32, #tpu.memory_space<vmem>>
    %dma_wait3A_657 = tpu.memref_squeeze %dma_wait3A_656 : memref<1x128xi32, #tpu.memory_space<vmem>> -> memref<128xi32, #tpu.memory_space<vmem>>
    %dma_wait3A_658 = arith.constant 0 : i32
    %dma_wait3A_659 = arith.constant 0 : i32
    %dma_wait3A_660 = tpu.memref_slice %arg3[%dma_wait3A_658, %dma_wait3A_659] : memref<100000x128xf32, #tpu.memory_space<hbm>> -> memref<100000x128xf32, #tpu.memory_space<hbm>>
    tpu.wait_indirect_dma semaphore(%arg11 : memref<!tpu.dma_semaphore, #tpu.memory_space<semaphore_mem>>) src(%dma_wait3A_660 : memref<100000x128xf32, #tpu.memory_space<hbm>>) dst(%arg7 : memref<128x128xf32, #tpu.memory_space<vmem>>)
    %dma_wait3A_661 = arith.constant 3 : i32
    %dma_wait3A_662 = arith.constant 128 : i32
    %dma_wait3A_663 = tpu.memref_slice %arg5[%dma_wait3A_661, %dma_wait3A_662] : memref<16x512xi32, #tpu.memory_space<vmem>> -> memref<1x128xi32, #tpu.memory_space<vmem>>
    %dma_wait3A_664 = tpu.memref_squeeze %dma_wait3A_663 : memref<1x128xi32, #tpu.memory_space<vmem>> -> memref<128xi32, #tpu.memory_space<vmem>>
    %dma_wait3A_665 = arith.constant 0 : i32
    %dma_wait3A_666 = arith.constant 0 : i32
    %dma_wait3A_667 = tpu.memref_slice %arg3[%dma_wait3A_665, %dma_wait3A_666] : memref<100000x128xf32, #tpu.memory_space<hbm>> -> memref<100000x128xf32, #tpu.memory_space<hbm>>
    tpu.wait_indirect_dma semaphore(%arg11 : memref<!tpu.dma_semaphore, #tpu.memory_space<semaphore_mem>>) src(%dma_wait3A_667 : memref<100000x128xf32, #tpu.memory_space<hbm>>) dst(%arg7 : memref<128x128xf32, #tpu.memory_space<vmem>>)
    %dma_wait3A_668 = arith.constant 4 : i32
    %dma_wait3A_669 = arith.constant 128 : i32
    %dma_wait3A_670 = tpu.memref_slice %arg5[%dma_wait3A_668, %dma_wait3A_669] : memref<16x512xi32, #tpu.memory_space<vmem>> -> memref<1x128xi32, #tpu.memory_space<vmem>>
    %dma_wait3A_671 = tpu.memref_squeeze %dma_wait3A_670 : memref<1x128xi32, #tpu.memory_space<vmem>> -> memref<128xi32, #tpu.memory_space<vmem>>
    %dma_wait3A_672 = arith.constant 0 : i32
    %dma_wait3A_673 = arith.constant 0 : i32
    %dma_wait3A_674 = tpu.memref_slice %arg3[%dma_wait3A_672, %dma_wait3A_673] : memref<100000x128xf32, #tpu.memory_space<hbm>> -> memref<100000x128xf32, #tpu.memory_space<hbm>>
    tpu.wait_indirect_dma semaphore(%arg11 : memref<!tpu.dma_semaphore, #tpu.memory_space<semaphore_mem>>) src(%dma_wait3A_674 : memref<100000x128xf32, #tpu.memory_space<hbm>>) dst(%arg7 : memref<128x128xf32, #tpu.memory_space<vmem>>)
    %dma_wait3A_675 = arith.constant 5 : i32
    %dma_wait3A_676 = arith.constant 128 : i32
    %dma_wait3A_677 = tpu.memref_slice %arg5[%dma_wait3A_675, %dma_wait3A_676] : memref<16x512xi32, #tpu.memory_space<vmem>> -> memref<1x128xi32, #tpu.memory_space<vmem>>
    %dma_wait3A_678 = tpu.memref_squeeze %dma_wait3A_677 : memref<1x128xi32, #tpu.memory_space<vmem>> -> memref<128xi32, #tpu.memory_space<vmem>>
    %dma_wait3A_679 = arith.constant 0 : i32
    %dma_wait3A_680 = arith.constant 0 : i32
    %dma_wait3A_681 = tpu.memref_slice %arg3[%dma_wait3A_679, %dma_wait3A_680] : memref<100000x128xf32, #tpu.memory_space<hbm>> -> memref<100000x128xf32, #tpu.memory_space<hbm>>
    tpu.wait_indirect_dma semaphore(%arg11 : memref<!tpu.dma_semaphore, #tpu.memory_space<semaphore_mem>>) src(%dma_wait3A_681 : memref<100000x128xf32, #tpu.memory_space<hbm>>) dst(%arg7 : memref<128x128xf32, #tpu.memory_space<vmem>>)
    %dma_wait3A_682 = arith.constant 6 : i32
    %dma_wait3A_683 = arith.constant 128 : i32
    %dma_wait3A_684 = tpu.memref_slice %arg5[%dma_wait3A_682, %dma_wait3A_683] : memref<16x512xi32, #tpu.memory_space<vmem>> -> memref<1x128xi32, #tpu.memory_space<vmem>>
    %dma_wait3A_685 = tpu.memref_squeeze %dma_wait3A_684 : memref<1x128xi32, #tpu.memory_space<vmem>> -> memref<128xi32, #tpu.memory_space<vmem>>
    %dma_wait3A_686 = arith.constant 0 : i32
    %dma_wait3A_687 = arith.constant 0 : i32
    %dma_wait3A_688 = tpu.memref_slice %arg3[%dma_wait3A_686, %dma_wait3A_687] : memref<100000x128xf32, #tpu.memory_space<hbm>> -> memref<100000x128xf32, #tpu.memory_space<hbm>>
    tpu.wait_indirect_dma semaphore(%arg11 : memref<!tpu.dma_semaphore, #tpu.memory_space<semaphore_mem>>) src(%dma_wait3A_688 : memref<100000x128xf32, #tpu.memory_space<hbm>>) dst(%arg7 : memref<128x128xf32, #tpu.memory_space<vmem>>)
    %dma_wait3A_689 = arith.constant 7 : i32
    %dma_wait3A_690 = arith.constant 128 : i32
    %dma_wait3A_691 = tpu.memref_slice %arg5[%dma_wait3A_689, %dma_wait3A_690] : memref<16x512xi32, #tpu.memory_space<vmem>> -> memref<1x128xi32, #tpu.memory_space<vmem>>
    %dma_wait3A_692 = tpu.memref_squeeze %dma_wait3A_691 : memref<1x128xi32, #tpu.memory_space<vmem>> -> memref<128xi32, #tpu.memory_space<vmem>>
    %dma_wait3A_693 = arith.constant 0 : i32
    %dma_wait3A_694 = arith.constant 0 : i32
    %dma_wait3A_695 = tpu.memref_slice %arg3[%dma_wait3A_693, %dma_wait3A_694] : memref<100000x128xf32, #tpu.memory_space<hbm>> -> memref<100000x128xf32, #tpu.memory_space<hbm>>
    tpu.wait_indirect_dma semaphore(%arg11 : memref<!tpu.dma_semaphore, #tpu.memory_space<semaphore_mem>>) src(%dma_wait3A_695 : memref<100000x128xf32, #tpu.memory_space<hbm>>) dst(%arg7 : memref<128x128xf32, #tpu.memory_space<vmem>>)
    %dma_wait3A_696 = arith.constant 8 : i32
    %dma_wait3A_697 = arith.constant 128 : i32
    %dma_wait3A_698 = tpu.memref_slice %arg5[%dma_wait3A_696, %dma_wait3A_697] : memref<16x512xi32, #tpu.memory_space<vmem>> -> memref<1x128xi32, #tpu.memory_space<vmem>>
    %dma_wait3A_699 = tpu.memref_squeeze %dma_wait3A_698 : memref<1x128xi32, #tpu.memory_space<vmem>> -> memref<128xi32, #tpu.memory_space<vmem>>
    %dma_wait3A_700 = arith.constant 0 : i32
    %dma_wait3A_701 = arith.constant 0 : i32
    %dma_wait3A_702 = tpu.memref_slice %arg3[%dma_wait3A_700, %dma_wait3A_701] : memref<100000x128xf32, #tpu.memory_space<hbm>> -> memref<100000x128xf32, #tpu.memory_space<hbm>>
    tpu.wait_indirect_dma semaphore(%arg11 : memref<!tpu.dma_semaphore, #tpu.memory_space<semaphore_mem>>) src(%dma_wait3A_702 : memref<100000x128xf32, #tpu.memory_space<hbm>>) dst(%arg7 : memref<128x128xf32, #tpu.memory_space<vmem>>)
    %dma_wait3A_703 = arith.constant 9 : i32
    %dma_wait3A_704 = arith.constant 128 : i32
    %dma_wait3A_705 = tpu.memref_slice %arg5[%dma_wait3A_703, %dma_wait3A_704] : memref<16x512xi32, #tpu.memory_space<vmem>> -> memref<1x128xi32, #tpu.memory_space<vmem>>
    %dma_wait3A_706 = tpu.memref_squeeze %dma_wait3A_705 : memref<1x128xi32, #tpu.memory_space<vmem>> -> memref<128xi32, #tpu.memory_space<vmem>>
    %dma_wait3A_707 = arith.constant 0 : i32
    %dma_wait3A_708 = arith.constant 0 : i32
    %dma_wait3A_709 = tpu.memref_slice %arg3[%dma_wait3A_707, %dma_wait3A_708] : memref<100000x128xf32, #tpu.memory_space<hbm>> -> memref<100000x128xf32, #tpu.memory_space<hbm>>
    tpu.wait_indirect_dma semaphore(%arg11 : memref<!tpu.dma_semaphore, #tpu.memory_space<semaphore_mem>>) src(%dma_wait3A_709 : memref<100000x128xf32, #tpu.memory_space<hbm>>) dst(%arg7 : memref<128x128xf32, #tpu.memory_space<vmem>>)
    %dma_wait3A_710 = arith.constant 10 : i32
    %dma_wait3A_711 = arith.constant 128 : i32
    %dma_wait3A_712 = tpu.memref_slice %arg5[%dma_wait3A_710, %dma_wait3A_711] : memref<16x512xi32, #tpu.memory_space<vmem>> -> memref<1x128xi32, #tpu.memory_space<vmem>>
    %dma_wait3A_713 = tpu.memref_squeeze %dma_wait3A_712 : memref<1x128xi32, #tpu.memory_space<vmem>> -> memref<128xi32, #tpu.memory_space<vmem>>
    %dma_wait3A_714 = arith.constant 0 : i32
    %dma_wait3A_715 = arith.constant 0 : i32
    %dma_wait3A_716 = tpu.memref_slice %arg3[%dma_wait3A_714, %dma_wait3A_715] : memref<100000x128xf32, #tpu.memory_space<hbm>> -> memref<100000x128xf32, #tpu.memory_space<hbm>>
    tpu.wait_indirect_dma semaphore(%arg11 : memref<!tpu.dma_semaphore, #tpu.memory_space<semaphore_mem>>) src(%dma_wait3A_716 : memref<100000x128xf32, #tpu.memory_space<hbm>>) dst(%arg7 : memref<128x128xf32, #tpu.memory_space<vmem>>)
    %dma_wait3A_717 = arith.constant 11 : i32
    %dma_wait3A_718 = arith.constant 128 : i32
    %dma_wait3A_719 = tpu.memref_slice %arg5[%dma_wait3A_717, %dma_wait3A_718] : memref<16x512xi32, #tpu.memory_space<vmem>> -> memref<1x128xi32, #tpu.memory_space<vmem>>
    %dma_wait3A_720 = tpu.memref_squeeze %dma_wait3A_719 : memref<1x128xi32, #tpu.memory_space<vmem>> -> memref<128xi32, #tpu.memory_space<vmem>>
    %dma_wait3A_721 = arith.constant 0 : i32
    %dma_wait3A_722 = arith.constant 0 : i32
    %dma_wait3A_723 = tpu.memref_slice %arg3[%dma_wait3A_721, %dma_wait3A_722] : memref<100000x128xf32, #tpu.memory_space<hbm>> -> memref<100000x128xf32, #tpu.memory_space<hbm>>
    tpu.wait_indirect_dma semaphore(%arg11 : memref<!tpu.dma_semaphore, #tpu.memory_space<semaphore_mem>>) src(%dma_wait3A_723 : memref<100000x128xf32, #tpu.memory_space<hbm>>) dst(%arg7 : memref<128x128xf32, #tpu.memory_space<vmem>>)
    %dma_wait3A_724 = arith.constant 12 : i32
    %dma_wait3A_725 = arith.constant 128 : i32
    %dma_wait3A_726 = tpu.memref_slice %arg5[%dma_wait3A_724, %dma_wait3A_725] : memref<16x512xi32, #tpu.memory_space<vmem>> -> memref<1x128xi32, #tpu.memory_space<vmem>>
    %dma_wait3A_727 = tpu.memref_squeeze %dma_wait3A_726 : memref<1x128xi32, #tpu.memory_space<vmem>> -> memref<128xi32, #tpu.memory_space<vmem>>
    %dma_wait3A_728 = arith.constant 0 : i32
    %dma_wait3A_729 = arith.constant 0 : i32
    %dma_wait3A_730 = tpu.memref_slice %arg3[%dma_wait3A_728, %dma_wait3A_729] : memref<100000x128xf32, #tpu.memory_space<hbm>> -> memref<100000x128xf32, #tpu.memory_space<hbm>>
    tpu.wait_indirect_dma semaphore(%arg11 : memref<!tpu.dma_semaphore, #tpu.memory_space<semaphore_mem>>) src(%dma_wait3A_730 : memref<100000x128xf32, #tpu.memory_space<hbm>>) dst(%arg7 : memref<128x128xf32, #tpu.memory_space<vmem>>)
    %dma_wait3A_731 = arith.constant 13 : i32
    %dma_wait3A_732 = arith.constant 128 : i32
    %dma_wait3A_733 = tpu.memref_slice %arg5[%dma_wait3A_731, %dma_wait3A_732] : memref<16x512xi32, #tpu.memory_space<vmem>> -> memref<1x128xi32, #tpu.memory_space<vmem>>
    %dma_wait3A_734 = tpu.memref_squeeze %dma_wait3A_733 : memref<1x128xi32, #tpu.memory_space<vmem>> -> memref<128xi32, #tpu.memory_space<vmem>>
    %dma_wait3A_735 = arith.constant 0 : i32
    %dma_wait3A_736 = arith.constant 0 : i32
    %dma_wait3A_737 = tpu.memref_slice %arg3[%dma_wait3A_735, %dma_wait3A_736] : memref<100000x128xf32, #tpu.memory_space<hbm>> -> memref<100000x128xf32, #tpu.memory_space<hbm>>
    tpu.wait_indirect_dma semaphore(%arg11 : memref<!tpu.dma_semaphore, #tpu.memory_space<semaphore_mem>>) src(%dma_wait3A_737 : memref<100000x128xf32, #tpu.memory_space<hbm>>) dst(%arg7 : memref<128x128xf32, #tpu.memory_space<vmem>>)
    %dma_wait3A_738 = arith.constant 14 : i32
    %dma_wait3A_739 = arith.constant 128 : i32
    %dma_wait3A_740 = tpu.memref_slice %arg5[%dma_wait3A_738, %dma_wait3A_739] : memref<16x512xi32, #tpu.memory_space<vmem>> -> memref<1x128xi32, #tpu.memory_space<vmem>>
    %dma_wait3A_741 = tpu.memref_squeeze %dma_wait3A_740 : memref<1x128xi32, #tpu.memory_space<vmem>> -> memref<128xi32, #tpu.memory_space<vmem>>
    %dma_wait3A_742 = arith.constant 0 : i32
    %dma_wait3A_743 = arith.constant 0 : i32
    %dma_wait3A_744 = tpu.memref_slice %arg3[%dma_wait3A_742, %dma_wait3A_743] : memref<100000x128xf32, #tpu.memory_space<hbm>> -> memref<100000x128xf32, #tpu.memory_space<hbm>>
    tpu.wait_indirect_dma semaphore(%arg11 : memref<!tpu.dma_semaphore, #tpu.memory_space<semaphore_mem>>) src(%dma_wait3A_744 : memref<100000x128xf32, #tpu.memory_space<hbm>>) dst(%arg7 : memref<128x128xf32, #tpu.memory_space<vmem>>)
    %dma_wait3A_745 = arith.constant 15 : i32
    %dma_wait3A_746 = arith.constant 128 : i32
    %dma_wait3A_747 = tpu.memref_slice %arg5[%dma_wait3A_745, %dma_wait3A_746] : memref<16x512xi32, #tpu.memory_space<vmem>> -> memref<1x128xi32, #tpu.memory_space<vmem>>
    %dma_wait3A_748 = tpu.memref_squeeze %dma_wait3A_747 : memref<1x128xi32, #tpu.memory_space<vmem>> -> memref<128xi32, #tpu.memory_space<vmem>>
    %dma_wait3A_749 = arith.constant 0 : i32
    %dma_wait3A_750 = arith.constant 0 : i32
    %dma_wait3A_751 = tpu.memref_slice %arg3[%dma_wait3A_749, %dma_wait3A_750] : memref<100000x128xf32, #tpu.memory_space<hbm>> -> memref<100000x128xf32, #tpu.memory_space<hbm>>
    tpu.wait_indirect_dma semaphore(%arg11 : memref<!tpu.dma_semaphore, #tpu.memory_space<semaphore_mem>>) src(%dma_wait3A_751 : memref<100000x128xf32, #tpu.memory_space<hbm>>) dst(%arg7 : memref<128x128xf32, #tpu.memory_space<vmem>>)
    %scan3A_752 = arith.constant 0 : i32
    %scan3A_753 = arith.constant 6.250000e-02 : f32
    %scan3A_754 = arith.constant 0 : i32
    %scan3A_755 = arith.constant 64 : i32
    %scan3A_756 = arith.addi %scan3A_754, %scan3A_755 : i32
    %scan3A_757 = arith.constant 1 : i32
    scf.for %scan3A_1031 = %scan3A_754 to %scan3A_756 step %scan3A_757  : i32 {
      %mul3A_1032 = arith.constant 2 : i32
      %mul3A_1033 = arith.muli %mul3A_1032, %scan3A_1031 : i32
      %mul3A_1034 = arith.constant 2 : i32
      %mul3A_1035 = arith.muli %mul3A_1034, %scan3A_1031 : i32
      %add3A_1036 = arith.constant 1 : i32
      %add3A_1037 = arith.addi %mul3A_1035, %add3A_1036 : i32
      %get3A = arith.index_cast %mul3A_1033 : i32 to index
      %get3A_1038 = arith.constant 0 : index
      %get3A_1039 = tpu.vector_load %arg7[%get3A, %get3A_1038] {strides = array<i32>} : memref<128x128xf32, #tpu.memory_space<vmem>>, vector<1x16xf32>,
      %get3A_1040 = vector.shape_cast %get3A_1039 : vector<1x16xf32> to vector<16xf32>
      %mul3A_1041 = vector.broadcast %scan3A_753 : f32 to vector<16xf32>
      %mul3A_1042 = arith.mulf %get3A_1040, %mul3A_1041 : vector<16xf32>
      %swap3A = arith.index_cast %mul3A_1033 : i32 to index
      %swap3A_1043 = arith.constant 0 : index
      %swap3A_1044 = tpu.vector_load %arg7[%swap3A, %swap3A_1043] {strides = array<i32>} : memref<128x128xf32, #tpu.memory_space<vmem>>, vector<1x16xf32>,
      %swap3A_1045 = vector.shape_cast %swap3A_1044 : vector<1x16xf32> to vector<16xf32>
      %swap3A_1046 = vector.shape_cast %mul3A_1042 : vector<16xf32> to vector<1x16xf32>
      tpu.vector_store %arg7[%swap3A, %swap3A_1043], %swap3A_1046 {strides = array<i32>} : memref<128x128xf32, #tpu.memory_space<vmem>>, vector<1x16xf32>,
      %get3A_1047 = arith.index_cast %mul3A_1033 : i32 to index
      %get3A_1048 = arith.constant 16 : index
      %get3A_1049 = tpu.vector_load %arg7[%get3A_1047, %get3A_1048] {strides = array<i32>} : memref<128x128xf32, #tpu.memory_space<vmem>>, vector<1x16xf32>,
      %get3A_1050 = vector.shape_cast %get3A_1049 : vector<1x16xf32> to vector<16xf32>
      %mul3A_1051 = vector.broadcast %scan3A_753 : f32 to vector<16xf32>
      %mul3A_1052 = arith.mulf %get3A_1050, %mul3A_1051 : vector<16xf32>
      %swap3A_1053 = arith.index_cast %mul3A_1033 : i32 to index
      %swap3A_1054 = arith.constant 16 : index
      %swap3A_1055 = tpu.vector_load %arg7[%swap3A_1053, %swap3A_1054] {strides = array<i32>} : memref<128x128xf32, #tpu.memory_space<vmem>>, vector<1x16xf32>,
      %swap3A_1056 = vector.shape_cast %swap3A_1055 : vector<1x16xf32> to vector<16xf32>
      %swap3A_1057 = vector.shape_cast %mul3A_1052 : vector<16xf32> to vector<1x16xf32>
      tpu.vector_store %arg7[%swap3A_1053, %swap3A_1054], %swap3A_1057 {strides = array<i32>} : memref<128x128xf32, #tpu.memory_space<vmem>>, vector<1x16xf32>,
      %get3A_1058 = arith.index_cast %mul3A_1033 : i32 to index
      %get3A_1059 = arith.constant 32 : index
      %get3A_1060 = tpu.vector_load %arg7[%get3A_1058, %get3A_1059] {strides = array<i32>} : memref<128x128xf32, #tpu.memory_space<vmem>>, vector<1x16xf32>,
      %get3A_1061 = vector.shape_cast %get3A_1060 : vector<1x16xf32> to vector<16xf32>
      %mul3A_1062 = vector.broadcast %scan3A_753 : f32 to vector<16xf32>
      %mul3A_1063 = arith.mulf %get3A_1061, %mul3A_1062 : vector<16xf32>
      %swap3A_1064 = arith.index_cast %mul3A_1033 : i32 to index
      %swap3A_1065 = arith.constant 32 : index
      %swap3A_1066 = tpu.vector_load %arg7[%swap3A_1064, %swap3A_1065] {strides = array<i32>} : memref<128x128xf32, #tpu.memory_space<vmem>>, vector<1x16xf32>,
      %swap3A_1067 = vector.shape_cast %swap3A_1066 : vector<1x16xf32> to vector<16xf32>
      %swap3A_1068 = vector.shape_cast %mul3A_1063 : vector<16xf32> to vector<1x16xf32>
      tpu.vector_store %arg7[%swap3A_1064, %swap3A_1065], %swap3A_1068 {strides = array<i32>} : memref<128x128xf32, #tpu.memory_space<vmem>>, vector<1x16xf32>,
      %get3A_1069 = arith.index_cast %mul3A_1033 : i32 to index
      %get3A_1070 = arith.constant 48 : index
      %get3A_1071 = tpu.vector_load %arg7[%get3A_1069, %get3A_1070] {strides = array<i32>} : memref<128x128xf32, #tpu.memory_space<vmem>>, vector<1x16xf32>,
      %get3A_1072 = vector.shape_cast %get3A_1071 : vector<1x16xf32> to vector<16xf32>
      %mul3A_1073 = vector.broadcast %scan3A_753 : f32 to vector<16xf32>
      %mul3A_1074 = arith.mulf %get3A_1072, %mul3A_1073 : vector<16xf32>
      %swap3A_1075 = arith.index_cast %mul3A_1033 : i32 to index
      %swap3A_1076 = arith.constant 48 : index
      %swap3A_1077 = tpu.vector_load %arg7[%swap3A_1075, %swap3A_1076] {strides = array<i32>} : memref<128x128xf32, #tpu.memory_space<vmem>>, vector<1x16xf32>,
      %swap3A_1078 = vector.shape_cast %swap3A_1077 : vector<1x16xf32> to vector<16xf32>
      %swap3A_1079 = vector.shape_cast %mul3A_1074 : vector<16xf32> to vector<1x16xf32>
      tpu.vector_store %arg7[%swap3A_1075, %swap3A_1076], %swap3A_1079 {strides = array<i32>} : memref<128x128xf32, #tpu.memory_space<vmem>>, vector<1x16xf32>,
      %get3A_1080 = arith.index_cast %mul3A_1033 : i32 to index
      %get3A_1081 = arith.constant 64 : index
      %get3A_1082 = tpu.vector_load %arg7[%get3A_1080, %get3A_1081] {strides = array<i32>} : memref<128x128xf32, #tpu.memory_space<vmem>>, vector<1x16xf32>,
      %get3A_1083 = vector.shape_cast %get3A_1082 : vector<1x16xf32> to vector<16xf32>
      %mul3A_1084 = vector.broadcast %scan3A_753 : f32 to vector<16xf32>
      %mul3A_1085 = arith.mulf %get3A_1083, %mul3A_1084 : vector<16xf32>
      %swap3A_1086 = arith.index_cast %mul3A_1033 : i32 to index
      %swap3A_1087 = arith.constant 64 : index
      %swap3A_1088 = tpu.vector_load %arg7[%swap3A_1086, %swap3A_1087] {strides = array<i32>} : memref<128x128xf32, #tpu.memory_space<vmem>>, vector<1x16xf32>,
      %swap3A_1089 = vector.shape_cast %swap3A_1088 : vector<1x16xf32> to vector<16xf32>
      %swap3A_1090 = vector.shape_cast %mul3A_1085 : vector<16xf32> to vector<1x16xf32>
      tpu.vector_store %arg7[%swap3A_1086, %swap3A_1087], %swap3A_1090 {strides = array<i32>} : memref<128x128xf32, #tpu.memory_space<vmem>>, vector<1x16xf32>,
      %get3A_1091 = arith.index_cast %mul3A_1033 : i32 to index
      %get3A_1092 = arith.constant 80 : index
      %get3A_1093 = tpu.vector_load %arg7[%get3A_1091, %get3A_1092] {strides = array<i32>} : memref<128x128xf32, #tpu.memory_space<vmem>>, vector<1x16xf32>,
      %get3A_1094 = vector.shape_cast %get3A_1093 : vector<1x16xf32> to vector<16xf32>
      %mul3A_1095 = vector.broadcast %scan3A_753 : f32 to vector<16xf32>
      %mul3A_1096 = arith.mulf %get3A_1094, %mul3A_1095 : vector<16xf32>
      %swap3A_1097 = arith.index_cast %mul3A_1033 : i32 to index
      %swap3A_1098 = arith.constant 80 : index
      %swap3A_1099 = tpu.vector_load %arg7[%swap3A_1097, %swap3A_1098] {strides = array<i32>} : memref<128x128xf32, #tpu.memory_space<vmem>>, vector<1x16xf32>,
      %swap3A_1100 = vector.shape_cast %swap3A_1099 : vector<1x16xf32> to vector<16xf32>
      %swap3A_1101 = vector.shape_cast %mul3A_1096 : vector<16xf32> to vector<1x16xf32>
      tpu.vector_store %arg7[%swap3A_1097, %swap3A_1098], %swap3A_1101 {strides = array<i32>} : memref<128x128xf32, #tpu.memory_space<vmem>>, vector<1x16xf32>,
      %get3A_1102 = arith.index_cast %mul3A_1033 : i32 to index
      %get3A_1103 = arith.constant 96 : index
      %get3A_1104 = tpu.vector_load %arg7[%get3A_1102, %get3A_1103] {strides = array<i32>} : memref<128x128xf32, #tpu.memory_space<vmem>>, vector<1x16xf32>,
      %get3A_1105 = vector.shape_cast %get3A_1104 : vector<1x16xf32> to vector<16xf32>
      %mul3A_1106 = vector.broadcast %scan3A_753 : f32 to vector<16xf32>
      %mul3A_1107 = arith.mulf %get3A_1105, %mul3A_1106 : vector<16xf32>
      %swap3A_1108 = arith.index_cast %mul3A_1033 : i32 to index
      %swap3A_1109 = arith.constant 96 : index
      %swap3A_1110 = tpu.vector_load %arg7[%swap3A_1108, %swap3A_1109] {strides = array<i32>} : memref<128x128xf32, #tpu.memory_space<vmem>>, vector<1x16xf32>,
      %swap3A_1111 = vector.shape_cast %swap3A_1110 : vector<1x16xf32> to vector<16xf32>
      %swap3A_1112 = vector.shape_cast %mul3A_1107 : vector<16xf32> to vector<1x16xf32>
      tpu.vector_store %arg7[%swap3A_1108, %swap3A_1109], %swap3A_1112 {strides = array<i32>} : memref<128x128xf32, #tpu.memory_space<vmem>>, vector<1x16xf32>,
      %get3A_1113 = arith.index_cast %mul3A_1033 : i32 to index
      %get3A_1114 = arith.constant 112 : index
      %get3A_1115 = tpu.vector_load %arg7[%get3A_1113, %get3A_1114] {strides = array<i32>} : memref<128x128xf32, #tpu.memory_space<vmem>>, vector<1x16xf32>,
      %get3A_1116 = vector.shape_cast %get3A_1115 : vector<1x16xf32> to vector<16xf32>
      %mul3A_1117 = vector.broadcast %scan3A_753 : f32 to vector<16xf32>
      %mul3A_1118 = arith.mulf %get3A_1116, %mul3A_1117 : vector<16xf32>
      %swap3A_1119 = arith.index_cast %mul3A_1033 : i32 to index
      %swap3A_1120 = arith.constant 112 : index
      %swap3A_1121 = tpu.vector_load %arg7[%swap3A_1119, %swap3A_1120] {strides = array<i32>} : memref<128x128xf32, #tpu.memory_space<vmem>>, vector<1x16xf32>,
      %swap3A_1122 = vector.shape_cast %swap3A_1121 : vector<1x16xf32> to vector<16xf32>
      %swap3A_1123 = vector.shape_cast %mul3A_1118 : vector<16xf32> to vector<1x16xf32>
      tpu.vector_store %arg7[%swap3A_1119, %swap3A_1120], %swap3A_1123 {strides = array<i32>} : memref<128x128xf32, #tpu.memory_space<vmem>>, vector<1x16xf32>,
      %get3A_1124 = arith.index_cast %add3A_1037 : i32 to index
      %get3A_1125 = arith.constant 0 : index
      %get3A_1126 = tpu.vector_load %arg7[%get3A_1124, %get3A_1125] {strides = array<i32>} : memref<128x128xf32, #tpu.memory_space<vmem>>, vector<1x16xf32>,
      %get3A_1127 = vector.shape_cast %get3A_1126 : vector<1x16xf32> to vector<16xf32>
      %mul3A_1128 = vector.broadcast %scan3A_753 : f32 to vector<16xf32>
      %mul3A_1129 = arith.mulf %get3A_1127, %mul3A_1128 : vector<16xf32>
      %swap3A_1130 = arith.index_cast %add3A_1037 : i32 to index
      %swap3A_1131 = arith.constant 0 : index
      %swap3A_1132 = tpu.vector_load %arg7[%swap3A_1130, %swap3A_1131] {strides = array<i32>} : memref<128x128xf32, #tpu.memory_space<vmem>>, vector<1x16xf32>,
      %swap3A_1133 = vector.shape_cast %swap3A_1132 : vector<1x16xf32> to vector<16xf32>
      %swap3A_1134 = vector.shape_cast %mul3A_1129 : vector<16xf32> to vector<1x16xf32>
      tpu.vector_store %arg7[%swap3A_1130, %swap3A_1131], %swap3A_1134 {strides = array<i32>} : memref<128x128xf32, #tpu.memory_space<vmem>>, vector<1x16xf32>,
      %get3A_1135 = arith.index_cast %add3A_1037 : i32 to index
      %get3A_1136 = arith.constant 16 : index
      %get3A_1137 = tpu.vector_load %arg7[%get3A_1135, %get3A_1136] {strides = array<i32>} : memref<128x128xf32, #tpu.memory_space<vmem>>, vector<1x16xf32>,
      %get3A_1138 = vector.shape_cast %get3A_1137 : vector<1x16xf32> to vector<16xf32>
      %mul3A_1139 = vector.broadcast %scan3A_753 : f32 to vector<16xf32>
      %mul3A_1140 = arith.mulf %get3A_1138, %mul3A_1139 : vector<16xf32>
      %swap3A_1141 = arith.index_cast %add3A_1037 : i32 to index
      %swap3A_1142 = arith.constant 16 : index
      %swap3A_1143 = tpu.vector_load %arg7[%swap3A_1141, %swap3A_1142] {strides = array<i32>} : memref<128x128xf32, #tpu.memory_space<vmem>>, vector<1x16xf32>,
      %swap3A_1144 = vector.shape_cast %swap3A_1143 : vector<1x16xf32> to vector<16xf32>
      %swap3A_1145 = vector.shape_cast %mul3A_1140 : vector<16xf32> to vector<1x16xf32>
      tpu.vector_store %arg7[%swap3A_1141, %swap3A_1142], %swap3A_1145 {strides = array<i32>} : memref<128x128xf32, #tpu.memory_space<vmem>>, vector<1x16xf32>,
      %get3A_1146 = arith.index_cast %add3A_1037 : i32 to index
      %get3A_1147 = arith.constant 32 : index
      %get3A_1148 = tpu.vector_load %arg7[%get3A_1146, %get3A_1147] {strides = array<i32>} : memref<128x128xf32, #tpu.memory_space<vmem>>, vector<1x16xf32>,
      %get3A_1149 = vector.shape_cast %get3A_1148 : vector<1x16xf32> to vector<16xf32>
      %mul3A_1150 = vector.broadcast %scan3A_753 : f32 to vector<16xf32>
      %mul3A_1151 = arith.mulf %get3A_1149, %mul3A_1150 : vector<16xf32>
      %swap3A_1152 = arith.index_cast %add3A_1037 : i32 to index
      %swap3A_1153 = arith.constant 32 : index
      %swap3A_1154 = tpu.vector_load %arg7[%swap3A_1152, %swap3A_1153] {strides = array<i32>} : memref<128x128xf32, #tpu.memory_space<vmem>>, vector<1x16xf32>,
      %swap3A_1155 = vector.shape_cast %swap3A_1154 : vector<1x16xf32> to vector<16xf32>
      %swap3A_1156 = vector.shape_cast %mul3A_1151 : vector<16xf32> to vector<1x16xf32>
      tpu.vector_store %arg7[%swap3A_1152, %swap3A_1153], %swap3A_1156 {strides = array<i32>} : memref<128x128xf32, #tpu.memory_space<vmem>>, vector<1x16xf32>,
      %get3A_1157 = arith.index_cast %add3A_1037 : i32 to index
      %get3A_1158 = arith.constant 48 : index
      %get3A_1159 = tpu.vector_load %arg7[%get3A_1157, %get3A_1158] {strides = array<i32>} : memref<128x128xf32, #tpu.memory_space<vmem>>, vector<1x16xf32>,
      %get3A_1160 = vector.shape_cast %get3A_1159 : vector<1x16xf32> to vector<16xf32>
      %mul3A_1161 = vector.broadcast %scan3A_753 : f32 to vector<16xf32>
      %mul3A_1162 = arith.mulf %get3A_1160, %mul3A_1161 : vector<16xf32>
      %swap3A_1163 = arith.index_cast %add3A_1037 : i32 to index
      %swap3A_1164 = arith.constant 48 : index
      %swap3A_1165 = tpu.vector_load %arg7[%swap3A_1163, %swap3A_1164] {strides = array<i32>} : memref<128x128xf32, #tpu.memory_space<vmem>>, vector<1x16xf32>,
      %swap3A_1166 = vector.shape_cast %swap3A_1165 : vector<1x16xf32> to vector<16xf32>
      %swap3A_1167 = vector.shape_cast %mul3A_1162 : vector<16xf32> to vector<1x16xf32>
      tpu.vector_store %arg7[%swap3A_1163, %swap3A_1164], %swap3A_1167 {strides = array<i32>} : memref<128x128xf32, #tpu.memory_space<vmem>>, vector<1x16xf32>,
      %get3A_1168 = arith.index_cast %add3A_1037 : i32 to index
      %get3A_1169 = arith.constant 64 : index
      %get3A_1170 = tpu.vector_load %arg7[%get3A_1168, %get3A_1169] {strides = array<i32>} : memref<128x128xf32, #tpu.memory_space<vmem>>, vector<1x16xf32>,
      %get3A_1171 = vector.shape_cast %get3A_1170 : vector<1x16xf32> to vector<16xf32>
      %mul3A_1172 = vector.broadcast %scan3A_753 : f32 to vector<16xf32>
      %mul3A_1173 = arith.mulf %get3A_1171, %mul3A_1172 : vector<16xf32>
      %swap3A_1174 = arith.index_cast %add3A_1037 : i32 to index
      %swap3A_1175 = arith.constant 64 : index
      %swap3A_1176 = tpu.vector_load %arg7[%swap3A_1174, %swap3A_1175] {strides = array<i32>} : memref<128x128xf32, #tpu.memory_space<vmem>>, vector<1x16xf32>,
      %swap3A_1177 = vector.shape_cast %swap3A_1176 : vector<1x16xf32> to vector<16xf32>
      %swap3A_1178 = vector.shape_cast %mul3A_1173 : vector<16xf32> to vector<1x16xf32>
      tpu.vector_store %arg7[%swap3A_1174, %swap3A_1175], %swap3A_1178 {strides = array<i32>} : memref<128x128xf32, #tpu.memory_space<vmem>>, vector<1x16xf32>,
      %get3A_1179 = arith.index_cast %add3A_1037 : i32 to index
      %get3A_1180 = arith.constant 80 : index
      %get3A_1181 = tpu.vector_load %arg7[%get3A_1179, %get3A_1180] {strides = array<i32>} : memref<128x128xf32, #tpu.memory_space<vmem>>, vector<1x16xf32>,
      %get3A_1182 = vector.shape_cast %get3A_1181 : vector<1x16xf32> to vector<16xf32>
      %mul3A_1183 = vector.broadcast %scan3A_753 : f32 to vector<16xf32>
      %mul3A_1184 = arith.mulf %get3A_1182, %mul3A_1183 : vector<16xf32>
      %swap3A_1185 = arith.index_cast %add3A_1037 : i32 to index
      %swap3A_1186 = arith.constant 80 : index
      %swap3A_1187 = tpu.vector_load %arg7[%swap3A_1185, %swap3A_1186] {strides = array<i32>} : memref<128x128xf32, #tpu.memory_space<vmem>>, vector<1x16xf32>,
      %swap3A_1188 = vector.shape_cast %swap3A_1187 : vector<1x16xf32> to vector<16xf32>
      %swap3A_1189 = vector.shape_cast %mul3A_1184 : vector<16xf32> to vector<1x16xf32>
      tpu.vector_store %arg7[%swap3A_1185, %swap3A_1186], %swap3A_1189 {strides = array<i32>} : memref<128x128xf32, #tpu.memory_space<vmem>>, vector<1x16xf32>,
      %get3A_1190 = arith.index_cast %add3A_1037 : i32 to index
      %get3A_1191 = arith.constant 96 : index
      %get3A_1192 = tpu.vector_load %arg7[%get3A_1190, %get3A_1191] {strides = array<i32>} : memref<128x128xf32, #tpu.memory_space<vmem>>, vector<1x16xf32>,
      %get3A_1193 = vector.shape_cast %get3A_1192 : vector<1x16xf32> to vector<16xf32>
      %mul3A_1194 = vector.broadcast %scan3A_753 : f32 to vector<16xf32>
      %mul3A_1195 = arith.mulf %get3A_1193, %mul3A_1194 : vector<16xf32>
      %swap3A_1196 = arith.index_cast %add3A_1037 : i32 to index
      %swap3A_1197 = arith.constant 96 : index
      %swap3A_1198 = tpu.vector_load %arg7[%swap3A_1196, %swap3A_1197] {strides = array<i32>} : memref<128x128xf32, #tpu.memory_space<vmem>>, vector<1x16xf32>,
      %swap3A_1199 = vector.shape_cast %swap3A_1198 : vector<1x16xf32> to vector<16xf32>
      %swap3A_1200 = vector.shape_cast %mul3A_1195 : vector<16xf32> to vector<1x16xf32>
      tpu.vector_store %arg7[%swap3A_1196, %swap3A_1197], %swap3A_1200 {strides = array<i32>} : memref<128x128xf32, #tpu.memory_space<vmem>>, vector<1x16xf32>,
      %get3A_1201 = arith.index_cast %add3A_1037 : i32 to index
      %get3A_1202 = arith.constant 112 : index
      %get3A_1203 = tpu.vector_load %arg7[%get3A_1201, %get3A_1202] {strides = array<i32>} : memref<128x128xf32, #tpu.memory_space<vmem>>, vector<1x16xf32>,
      %get3A_1204 = vector.shape_cast %get3A_1203 : vector<1x16xf32> to vector<16xf32>
      %mul3A_1205 = vector.broadcast %scan3A_753 : f32 to vector<16xf32>
      %mul3A_1206 = arith.mulf %get3A_1204, %mul3A_1205 : vector<16xf32>
      %swap3A_1207 = arith.index_cast %add3A_1037 : i32 to index
      %swap3A_1208 = arith.constant 112 : index
      %swap3A_1209 = tpu.vector_load %arg7[%swap3A_1207, %swap3A_1208] {strides = array<i32>} : memref<128x128xf32, #tpu.memory_space<vmem>>, vector<1x16xf32>,
      %swap3A_1210 = vector.shape_cast %swap3A_1209 : vector<1x16xf32> to vector<16xf32>
      %swap3A_1211 = vector.shape_cast %mul3A_1206 : vector<16xf32> to vector<1x16xf32>
      tpu.vector_store %arg7[%swap3A_1207, %swap3A_1208], %swap3A_1211 {strides = array<i32>} : memref<128x128xf32, #tpu.memory_space<vmem>>, vector<1x16xf32>,
    }
    %scan3A_758 = arith.constant 64 : i32
    %add3A_759 = arith.constant 128 : i32
    %add3A_760 = arith.addi %mul3A_2, %add3A_759 : i32
    %dma_start3A_761 = arith.constant 0 : i32
    %dma_start3A_762 = tpu.memref_slice %arg4[%add3A_760, %dma_start3A_761] : memref<16384x128xf32, #tpu.memory_space<hbm>> -> memref<128x128xf32, #tpu.memory_space<hbm>>
    %dma_start3A_763 = arith.constant 0 : i32
    %dma_start3A_764 = tpu.memref_slice %arg4[%add3A_760, %dma_start3A_763] : memref<16384x128xf32, #tpu.memory_space<hbm>> -> memref<128x128xf32, #tpu.memory_space<hbm>>
    tpu.enqueue_dma source(%arg7 : memref<128x128xf32, #tpu.memory_space<vmem>>) target(%dma_start3A_764 : memref<128x128xf32, #tpu.memory_space<hbm>>) target_semaphore(%arg14 : memref<!tpu.dma_semaphore, #tpu.memory_space<semaphore_mem>>)
    %dma_wait3A_765 = arith.constant 0 : i32
    %dma_wait3A_766 = arith.constant 256 : i32
    %dma_wait3A_767 = tpu.memref_slice %arg5[%dma_wait3A_765, %dma_wait3A_766] : memref<16x512xi32, #tpu.memory_space<vmem>> -> memref<1x128xi32, #tpu.memory_space<vmem>>
    %dma_wait3A_768 = tpu.memref_squeeze %dma_wait3A_767 : memref<1x128xi32, #tpu.memory_space<vmem>> -> memref<128xi32, #tpu.memory_space<vmem>>
    %dma_wait3A_769 = arith.constant 0 : i32
    %dma_wait3A_770 = arith.constant 0 : i32
    %dma_wait3A_771 = tpu.memref_slice %arg3[%dma_wait3A_769, %dma_wait3A_770] : memref<100000x128xf32, #tpu.memory_space<hbm>> -> memref<100000x128xf32, #tpu.memory_space<hbm>>
    tpu.wait_indirect_dma semaphore(%arg12 : memref<!tpu.dma_semaphore, #tpu.memory_space<semaphore_mem>>) src(%dma_wait3A_771 : memref<100000x128xf32, #tpu.memory_space<hbm>>) dst(%arg8 : memref<128x128xf32, #tpu.memory_space<vmem>>)
    %dma_wait3A_772 = arith.constant 1 : i32
    %dma_wait3A_773 = arith.constant 256 : i32
    %dma_wait3A_774 = tpu.memref_slice %arg5[%dma_wait3A_772, %dma_wait3A_773] : memref<16x512xi32, #tpu.memory_space<vmem>> -> memref<1x128xi32, #tpu.memory_space<vmem>>
    %dma_wait3A_775 = tpu.memref_squeeze %dma_wait3A_774 : memref<1x128xi32, #tpu.memory_space<vmem>> -> memref<128xi32, #tpu.memory_space<vmem>>
    %dma_wait3A_776 = arith.constant 0 : i32
    %dma_wait3A_777 = arith.constant 0 : i32
    %dma_wait3A_778 = tpu.memref_slice %arg3[%dma_wait3A_776, %dma_wait3A_777] : memref<100000x128xf32, #tpu.memory_space<hbm>> -> memref<100000x128xf32, #tpu.memory_space<hbm>>
    tpu.wait_indirect_dma semaphore(%arg12 : memref<!tpu.dma_semaphore, #tpu.memory_space<semaphore_mem>>) src(%dma_wait3A_778 : memref<100000x128xf32, #tpu.memory_space<hbm>>) dst(%arg8 : memref<128x128xf32, #tpu.memory_space<vmem>>)
    %dma_wait3A_779 = arith.constant 2 : i32
    %dma_wait3A_780 = arith.constant 256 : i32
    %dma_wait3A_781 = tpu.memref_slice %arg5[%dma_wait3A_779, %dma_wait3A_780] : memref<16x512xi32, #tpu.memory_space<vmem>> -> memref<1x128xi32, #tpu.memory_space<vmem>>
    %dma_wait3A_782 = tpu.memref_squeeze %dma_wait3A_781 : memref<1x128xi32, #tpu.memory_space<vmem>> -> memref<128xi32, #tpu.memory_space<vmem>>
    %dma_wait3A_783 = arith.constant 0 : i32
    %dma_wait3A_784 = arith.constant 0 : i32
    %dma_wait3A_785 = tpu.memref_slice %arg3[%dma_wait3A_783, %dma_wait3A_784] : memref<100000x128xf32, #tpu.memory_space<hbm>> -> memref<100000x128xf32, #tpu.memory_space<hbm>>
    tpu.wait_indirect_dma semaphore(%arg12 : memref<!tpu.dma_semaphore, #tpu.memory_space<semaphore_mem>>) src(%dma_wait3A_785 : memref<100000x128xf32, #tpu.memory_space<hbm>>) dst(%arg8 : memref<128x128xf32, #tpu.memory_space<vmem>>)
    %dma_wait3A_786 = arith.constant 3 : i32
    %dma_wait3A_787 = arith.constant 256 : i32
    %dma_wait3A_788 = tpu.memref_slice %arg5[%dma_wait3A_786, %dma_wait3A_787] : memref<16x512xi32, #tpu.memory_space<vmem>> -> memref<1x128xi32, #tpu.memory_space<vmem>>
    %dma_wait3A_789 = tpu.memref_squeeze %dma_wait3A_788 : memref<1x128xi32, #tpu.memory_space<vmem>> -> memref<128xi32, #tpu.memory_space<vmem>>
    %dma_wait3A_790 = arith.constant 0 : i32
    %dma_wait3A_791 = arith.constant 0 : i32
    %dma_wait3A_792 = tpu.memref_slice %arg3[%dma_wait3A_790, %dma_wait3A_791] : memref<100000x128xf32, #tpu.memory_space<hbm>> -> memref<100000x128xf32, #tpu.memory_space<hbm>>
    tpu.wait_indirect_dma semaphore(%arg12 : memref<!tpu.dma_semaphore, #tpu.memory_space<semaphore_mem>>) src(%dma_wait3A_792 : memref<100000x128xf32, #tpu.memory_space<hbm>>) dst(%arg8 : memref<128x128xf32, #tpu.memory_space<vmem>>)
    %dma_wait3A_793 = arith.constant 4 : i32
    %dma_wait3A_794 = arith.constant 256 : i32
    %dma_wait3A_795 = tpu.memref_slice %arg5[%dma_wait3A_793, %dma_wait3A_794] : memref<16x512xi32, #tpu.memory_space<vmem>> -> memref<1x128xi32, #tpu.memory_space<vmem>>
    %dma_wait3A_796 = tpu.memref_squeeze %dma_wait3A_795 : memref<1x128xi32, #tpu.memory_space<vmem>> -> memref<128xi32, #tpu.memory_space<vmem>>
    %dma_wait3A_797 = arith.constant 0 : i32
    %dma_wait3A_798 = arith.constant 0 : i32
    %dma_wait3A_799 = tpu.memref_slice %arg3[%dma_wait3A_797, %dma_wait3A_798] : memref<100000x128xf32, #tpu.memory_space<hbm>> -> memref<100000x128xf32, #tpu.memory_space<hbm>>
    tpu.wait_indirect_dma semaphore(%arg12 : memref<!tpu.dma_semaphore, #tpu.memory_space<semaphore_mem>>) src(%dma_wait3A_799 : memref<100000x128xf32, #tpu.memory_space<hbm>>) dst(%arg8 : memref<128x128xf32, #tpu.memory_space<vmem>>)
    %dma_wait3A_800 = arith.constant 5 : i32
    %dma_wait3A_801 = arith.constant 256 : i32
    %dma_wait3A_802 = tpu.memref_slice %arg5[%dma_wait3A_800, %dma_wait3A_801] : memref<16x512xi32, #tpu.memory_space<vmem>> -> memref<1x128xi32, #tpu.memory_space<vmem>>
    %dma_wait3A_803 = tpu.memref_squeeze %dma_wait3A_802 : memref<1x128xi32, #tpu.memory_space<vmem>> -> memref<128xi32, #tpu.memory_space<vmem>>
    %dma_wait3A_804 = arith.constant 0 : i32
    %dma_wait3A_805 = arith.constant 0 : i32
    %dma_wait3A_806 = tpu.memref_slice %arg3[%dma_wait3A_804, %dma_wait3A_805] : memref<100000x128xf32, #tpu.memory_space<hbm>> -> memref<100000x128xf32, #tpu.memory_space<hbm>>
    tpu.wait_indirect_dma semaphore(%arg12 : memref<!tpu.dma_semaphore, #tpu.memory_space<semaphore_mem>>) src(%dma_wait3A_806 : memref<100000x128xf32, #tpu.memory_space<hbm>>) dst(%arg8 : memref<128x128xf32, #tpu.memory_space<vmem>>)
    %dma_wait3A_807 = arith.constant 6 : i32
    %dma_wait3A_808 = arith.constant 256 : i32
    %dma_wait3A_809 = tpu.memref_slice %arg5[%dma_wait3A_807, %dma_wait3A_808] : memref<16x512xi32, #tpu.memory_space<vmem>> -> memref<1x128xi32, #tpu.memory_space<vmem>>
    %dma_wait3A_810 = tpu.memref_squeeze %dma_wait3A_809 : memref<1x128xi32, #tpu.memory_space<vmem>> -> memref<128xi32, #tpu.memory_space<vmem>>
    %dma_wait3A_811 = arith.constant 0 : i32
    %dma_wait3A_812 = arith.constant 0 : i32
    %dma_wait3A_813 = tpu.memref_slice %arg3[%dma_wait3A_811, %dma_wait3A_812] : memref<100000x128xf32, #tpu.memory_space<hbm>> -> memref<100000x128xf32, #tpu.memory_space<hbm>>
    tpu.wait_indirect_dma semaphore(%arg12 : memref<!tpu.dma_semaphore, #tpu.memory_space<semaphore_mem>>) src(%dma_wait3A_813 : memref<100000x128xf32, #tpu.memory_space<hbm>>) dst(%arg8 : memref<128x128xf32, #tpu.memory_space<vmem>>)
    %dma_wait3A_814 = arith.constant 7 : i32
    %dma_wait3A_815 = arith.constant 256 : i32
    %dma_wait3A_816 = tpu.memref_slice %arg5[%dma_wait3A_814, %dma_wait3A_815] : memref<16x512xi32, #tpu.memory_space<vmem>> -> memref<1x128xi32, #tpu.memory_space<vmem>>
    %dma_wait3A_817 = tpu.memref_squeeze %dma_wait3A_816 : memref<1x128xi32, #tpu.memory_space<vmem>> -> memref<128xi32, #tpu.memory_space<vmem>>
    %dma_wait3A_818 = arith.constant 0 : i32
    %dma_wait3A_819 = arith.constant 0 : i32
    %dma_wait3A_820 = tpu.memref_slice %arg3[%dma_wait3A_818, %dma_wait3A_819] : memref<100000x128xf32, #tpu.memory_space<hbm>> -> memref<100000x128xf32, #tpu.memory_space<hbm>>
    tpu.wait_indirect_dma semaphore(%arg12 : memref<!tpu.dma_semaphore, #tpu.memory_space<semaphore_mem>>) src(%dma_wait3A_820 : memref<100000x128xf32, #tpu.memory_space<hbm>>) dst(%arg8 : memref<128x128xf32, #tpu.memory_space<vmem>>)
    %dma_wait3A_821 = arith.constant 8 : i32
    %dma_wait3A_822 = arith.constant 256 : i32
    %dma_wait3A_823 = tpu.memref_slice %arg5[%dma_wait3A_821, %dma_wait3A_822] : memref<16x512xi32, #tpu.memory_space<vmem>> -> memref<1x128xi32, #tpu.memory_space<vmem>>
    %dma_wait3A_824 = tpu.memref_squeeze %dma_wait3A_823 : memref<1x128xi32, #tpu.memory_space<vmem>> -> memref<128xi32, #tpu.memory_space<vmem>>
    %dma_wait3A_825 = arith.constant 0 : i32
    %dma_wait3A_826 = arith.constant 0 : i32
    %dma_wait3A_827 = tpu.memref_slice %arg3[%dma_wait3A_825, %dma_wait3A_826] : memref<100000x128xf32, #tpu.memory_space<hbm>> -> memref<100000x128xf32, #tpu.memory_space<hbm>>
    tpu.wait_indirect_dma semaphore(%arg12 : memref<!tpu.dma_semaphore, #tpu.memory_space<semaphore_mem>>) src(%dma_wait3A_827 : memref<100000x128xf32, #tpu.memory_space<hbm>>) dst(%arg8 : memref<128x128xf32, #tpu.memory_space<vmem>>)
    %dma_wait3A_828 = arith.constant 9 : i32
    %dma_wait3A_829 = arith.constant 256 : i32
    %dma_wait3A_830 = tpu.memref_slice %arg5[%dma_wait3A_828, %dma_wait3A_829] : memref<16x512xi32, #tpu.memory_space<vmem>> -> memref<1x128xi32, #tpu.memory_space<vmem>>
    %dma_wait3A_831 = tpu.memref_squeeze %dma_wait3A_830 : memref<1x128xi32, #tpu.memory_space<vmem>> -> memref<128xi32, #tpu.memory_space<vmem>>
    %dma_wait3A_832 = arith.constant 0 : i32
    %dma_wait3A_833 = arith.constant 0 : i32
    %dma_wait3A_834 = tpu.memref_slice %arg3[%dma_wait3A_832, %dma_wait3A_833] : memref<100000x128xf32, #tpu.memory_space<hbm>> -> memref<100000x128xf32, #tpu.memory_space<hbm>>
    tpu.wait_indirect_dma semaphore(%arg12 : memref<!tpu.dma_semaphore, #tpu.memory_space<semaphore_mem>>) src(%dma_wait3A_834 : memref<100000x128xf32, #tpu.memory_space<hbm>>) dst(%arg8 : memref<128x128xf32, #tpu.memory_space<vmem>>)
    %dma_wait3A_835 = arith.constant 10 : i32
    %dma_wait3A_836 = arith.constant 256 : i32
    %dma_wait3A_837 = tpu.memref_slice %arg5[%dma_wait3A_835, %dma_wait3A_836] : memref<16x512xi32, #tpu.memory_space<vmem>> -> memref<1x128xi32, #tpu.memory_space<vmem>>
    %dma_wait3A_838 = tpu.memref_squeeze %dma_wait3A_837 : memref<1x128xi32, #tpu.memory_space<vmem>> -> memref<128xi32, #tpu.memory_space<vmem>>
    %dma_wait3A_839 = arith.constant 0 : i32
    %dma_wait3A_840 = arith.constant 0 : i32
    %dma_wait3A_841 = tpu.memref_slice %arg3[%dma_wait3A_839, %dma_wait3A_840] : memref<100000x128xf32, #tpu.memory_space<hbm>> -> memref<100000x128xf32, #tpu.memory_space<hbm>>
    tpu.wait_indirect_dma semaphore(%arg12 : memref<!tpu.dma_semaphore, #tpu.memory_space<semaphore_mem>>) src(%dma_wait3A_841 : memref<100000x128xf32, #tpu.memory_space<hbm>>) dst(%arg8 : memref<128x128xf32, #tpu.memory_space<vmem>>)
    %dma_wait3A_842 = arith.constant 11 : i32
    %dma_wait3A_843 = arith.constant 256 : i32
    %dma_wait3A_844 = tpu.memref_slice %arg5[%dma_wait3A_842, %dma_wait3A_843] : memref<16x512xi32, #tpu.memory_space<vmem>> -> memref<1x128xi32, #tpu.memory_space<vmem>>
    %dma_wait3A_845 = tpu.memref_squeeze %dma_wait3A_844 : memref<1x128xi32, #tpu.memory_space<vmem>> -> memref<128xi32, #tpu.memory_space<vmem>>
    %dma_wait3A_846 = arith.constant 0 : i32
    %dma_wait3A_847 = arith.constant 0 : i32
    %dma_wait3A_848 = tpu.memref_slice %arg3[%dma_wait3A_846, %dma_wait3A_847] : memref<100000x128xf32, #tpu.memory_space<hbm>> -> memref<100000x128xf32, #tpu.memory_space<hbm>>
    tpu.wait_indirect_dma semaphore(%arg12 : memref<!tpu.dma_semaphore, #tpu.memory_space<semaphore_mem>>) src(%dma_wait3A_848 : memref<100000x128xf32, #tpu.memory_space<hbm>>) dst(%arg8 : memref<128x128xf32, #tpu.memory_space<vmem>>)
    %dma_wait3A_849 = arith.constant 12 : i32
    %dma_wait3A_850 = arith.constant 256 : i32
    %dma_wait3A_851 = tpu.memref_slice %arg5[%dma_wait3A_849, %dma_wait3A_850] : memref<16x512xi32, #tpu.memory_space<vmem>> -> memref<1x128xi32, #tpu.memory_space<vmem>>
    %dma_wait3A_852 = tpu.memref_squeeze %dma_wait3A_851 : memref<1x128xi32, #tpu.memory_space<vmem>> -> memref<128xi32, #tpu.memory_space<vmem>>
    %dma_wait3A_853 = arith.constant 0 : i32
    %dma_wait3A_854 = arith.constant 0 : i32
    %dma_wait3A_855 = tpu.memref_slice %arg3[%dma_wait3A_853, %dma_wait3A_854] : memref<100000x128xf32, #tpu.memory_space<hbm>> -> memref<100000x128xf32, #tpu.memory_space<hbm>>
    tpu.wait_indirect_dma semaphore(%arg12 : memref<!tpu.dma_semaphore, #tpu.memory_space<semaphore_mem>>) src(%dma_wait3A_855 : memref<100000x128xf32, #tpu.memory_space<hbm>>) dst(%arg8 : memref<128x128xf32, #tpu.memory_space<vmem>>)
    %dma_wait3A_856 = arith.constant 13 : i32
    %dma_wait3A_857 = arith.constant 256 : i32
    %dma_wait3A_858 = tpu.memref_slice %arg5[%dma_wait3A_856, %dma_wait3A_857] : memref<16x512xi32, #tpu.memory_space<vmem>> -> memref<1x128xi32, #tpu.memory_space<vmem>>
    %dma_wait3A_859 = tpu.memref_squeeze %dma_wait3A_858 : memref<1x128xi32, #tpu.memory_space<vmem>> -> memref<128xi32, #tpu.memory_space<vmem>>
    %dma_wait3A_860 = arith.constant 0 : i32
    %dma_wait3A_861 = arith.constant 0 : i32
    %dma_wait3A_862 = tpu.memref_slice %arg3[%dma_wait3A_860, %dma_wait3A_861] : memref<100000x128xf32, #tpu.memory_space<hbm>> -> memref<100000x128xf32, #tpu.memory_space<hbm>>
    tpu.wait_indirect_dma semaphore(%arg12 : memref<!tpu.dma_semaphore, #tpu.memory_space<semaphore_mem>>) src(%dma_wait3A_862 : memref<100000x128xf32, #tpu.memory_space<hbm>>) dst(%arg8 : memref<128x128xf32, #tpu.memory_space<vmem>>)
    %dma_wait3A_863 = arith.constant 14 : i32
    %dma_wait3A_864 = arith.constant 256 : i32
    %dma_wait3A_865 = tpu.memref_slice %arg5[%dma_wait3A_863, %dma_wait3A_864] : memref<16x512xi32, #tpu.memory_space<vmem>> -> memref<1x128xi32, #tpu.memory_space<vmem>>
    %dma_wait3A_866 = tpu.memref_squeeze %dma_wait3A_865 : memref<1x128xi32, #tpu.memory_space<vmem>> -> memref<128xi32, #tpu.memory_space<vmem>>
    %dma_wait3A_867 = arith.constant 0 : i32
    %dma_wait3A_868 = arith.constant 0 : i32
    %dma_wait3A_869 = tpu.memref_slice %arg3[%dma_wait3A_867, %dma_wait3A_868] : memref<100000x128xf32, #tpu.memory_space<hbm>> -> memref<100000x128xf32, #tpu.memory_space<hbm>>
    tpu.wait_indirect_dma semaphore(%arg12 : memref<!tpu.dma_semaphore, #tpu.memory_space<semaphore_mem>>) src(%dma_wait3A_869 : memref<100000x128xf32, #tpu.memory_space<hbm>>) dst(%arg8 : memref<128x128xf32, #tpu.memory_space<vmem>>)
    %dma_wait3A_870 = arith.constant 15 : i32
    %dma_wait3A_871 = arith.constant 256 : i32
    %dma_wait3A_872 = tpu.memref_slice %arg5[%dma_wait3A_870, %dma_wait3A_871] : memref<16x512xi32, #tpu.memory_space<vmem>> -> memref<1x128xi32, #tpu.memory_space<vmem>>
    %dma_wait3A_873 = tpu.memref_squeeze %dma_wait3A_872 : memref<1x128xi32, #tpu.memory_space<vmem>> -> memref<128xi32, #tpu.memory_space<vmem>>
    %dma_wait3A_874 = arith.constant 0 : i32
    %dma_wait3A_875 = arith.constant 0 : i32
    %dma_wait3A_876 = tpu.memref_slice %arg3[%dma_wait3A_874, %dma_wait3A_875] : memref<100000x128xf32, #tpu.memory_space<hbm>> -> memref<100000x128xf32, #tpu.memory_space<hbm>>
    tpu.wait_indirect_dma semaphore(%arg12 : memref<!tpu.dma_semaphore, #tpu.memory_space<semaphore_mem>>) src(%dma_wait3A_876 : memref<100000x128xf32, #tpu.memory_space<hbm>>) dst(%arg8 : memref<128x128xf32, #tpu.memory_space<vmem>>)
    %scan3A_877 = arith.constant 0 : i32
    %scan3A_878 = arith.constant 6.250000e-02 : f32
    %scan3A_879 = arith.constant 0 : i32
    %scan3A_880 = arith.constant 64 : i32
    %scan3A_881 = arith.addi %scan3A_879, %scan3A_880 : i32
    %scan3A_882 = arith.constant 1 : i32
    scf.for %scan3A_1031 = %scan3A_879 to %scan3A_881 step %scan3A_882  : i32 {
      %mul3A_1032 = arith.constant 2 : i32
      %mul3A_1033 = arith.muli %mul3A_1032, %scan3A_1031 : i32
      %mul3A_1034 = arith.constant 2 : i32
      %mul3A_1035 = arith.muli %mul3A_1034, %scan3A_1031 : i32
      %add3A_1036 = arith.constant 1 : i32
      %add3A_1037 = arith.addi %mul3A_1035, %add3A_1036 : i32
      %get3A = arith.index_cast %mul3A_1033 : i32 to index
      %get3A_1038 = arith.constant 0 : index
      %get3A_1039 = tpu.vector_load %arg8[%get3A, %get3A_1038] {strides = array<i32>} : memref<128x128xf32, #tpu.memory_space<vmem>>, vector<1x16xf32>,
      %get3A_1040 = vector.shape_cast %get3A_1039 : vector<1x16xf32> to vector<16xf32>
      %mul3A_1041 = vector.broadcast %scan3A_878 : f32 to vector<16xf32>
      %mul3A_1042 = arith.mulf %get3A_1040, %mul3A_1041 : vector<16xf32>
      %swap3A = arith.index_cast %mul3A_1033 : i32 to index
      %swap3A_1043 = arith.constant 0 : index
      %swap3A_1044 = tpu.vector_load %arg8[%swap3A, %swap3A_1043] {strides = array<i32>} : memref<128x128xf32, #tpu.memory_space<vmem>>, vector<1x16xf32>,
      %swap3A_1045 = vector.shape_cast %swap3A_1044 : vector<1x16xf32> to vector<16xf32>
      %swap3A_1046 = vector.shape_cast %mul3A_1042 : vector<16xf32> to vector<1x16xf32>
      tpu.vector_store %arg8[%swap3A, %swap3A_1043], %swap3A_1046 {strides = array<i32>} : memref<128x128xf32, #tpu.memory_space<vmem>>, vector<1x16xf32>,
      %get3A_1047 = arith.index_cast %mul3A_1033 : i32 to index
      %get3A_1048 = arith.constant 16 : index
      %get3A_1049 = tpu.vector_load %arg8[%get3A_1047, %get3A_1048] {strides = array<i32>} : memref<128x128xf32, #tpu.memory_space<vmem>>, vector<1x16xf32>,
      %get3A_1050 = vector.shape_cast %get3A_1049 : vector<1x16xf32> to vector<16xf32>
      %mul3A_1051 = vector.broadcast %scan3A_878 : f32 to vector<16xf32>
      %mul3A_1052 = arith.mulf %get3A_1050, %mul3A_1051 : vector<16xf32>
      %swap3A_1053 = arith.index_cast %mul3A_1033 : i32 to index
      %swap3A_1054 = arith.constant 16 : index
      %swap3A_1055 = tpu.vector_load %arg8[%swap3A_1053, %swap3A_1054] {strides = array<i32>} : memref<128x128xf32, #tpu.memory_space<vmem>>, vector<1x16xf32>,
      %swap3A_1056 = vector.shape_cast %swap3A_1055 : vector<1x16xf32> to vector<16xf32>
      %swap3A_1057 = vector.shape_cast %mul3A_1052 : vector<16xf32> to vector<1x16xf32>
      tpu.vector_store %arg8[%swap3A_1053, %swap3A_1054], %swap3A_1057 {strides = array<i32>} : memref<128x128xf32, #tpu.memory_space<vmem>>, vector<1x16xf32>,
      %get3A_1058 = arith.index_cast %mul3A_1033 : i32 to index
      %get3A_1059 = arith.constant 32 : index
      %get3A_1060 = tpu.vector_load %arg8[%get3A_1058, %get3A_1059] {strides = array<i32>} : memref<128x128xf32, #tpu.memory_space<vmem>>, vector<1x16xf32>,
      %get3A_1061 = vector.shape_cast %get3A_1060 : vector<1x16xf32> to vector<16xf32>
      %mul3A_1062 = vector.broadcast %scan3A_878 : f32 to vector<16xf32>
      %mul3A_1063 = arith.mulf %get3A_1061, %mul3A_1062 : vector<16xf32>
      %swap3A_1064 = arith.index_cast %mul3A_1033 : i32 to index
      %swap3A_1065 = arith.constant 32 : index
      %swap3A_1066 = tpu.vector_load %arg8[%swap3A_1064, %swap3A_1065] {strides = array<i32>} : memref<128x128xf32, #tpu.memory_space<vmem>>, vector<1x16xf32>,
      %swap3A_1067 = vector.shape_cast %swap3A_1066 : vector<1x16xf32> to vector<16xf32>
      %swap3A_1068 = vector.shape_cast %mul3A_1063 : vector<16xf32> to vector<1x16xf32>
      tpu.vector_store %arg8[%swap3A_1064, %swap3A_1065], %swap3A_1068 {strides = array<i32>} : memref<128x128xf32, #tpu.memory_space<vmem>>, vector<1x16xf32>,
      %get3A_1069 = arith.index_cast %mul3A_1033 : i32 to index
      %get3A_1070 = arith.constant 48 : index
      %get3A_1071 = tpu.vector_load %arg8[%get3A_1069, %get3A_1070] {strides = array<i32>} : memref<128x128xf32, #tpu.memory_space<vmem>>, vector<1x16xf32>,
      %get3A_1072 = vector.shape_cast %get3A_1071 : vector<1x16xf32> to vector<16xf32>
      %mul3A_1073 = vector.broadcast %scan3A_878 : f32 to vector<16xf32>
      %mul3A_1074 = arith.mulf %get3A_1072, %mul3A_1073 : vector<16xf32>
      %swap3A_1075 = arith.index_cast %mul3A_1033 : i32 to index
      %swap3A_1076 = arith.constant 48 : index
      %swap3A_1077 = tpu.vector_load %arg8[%swap3A_1075, %swap3A_1076] {strides = array<i32>} : memref<128x128xf32, #tpu.memory_space<vmem>>, vector<1x16xf32>,
      %swap3A_1078 = vector.shape_cast %swap3A_1077 : vector<1x16xf32> to vector<16xf32>
      %swap3A_1079 = vector.shape_cast %mul3A_1074 : vector<16xf32> to vector<1x16xf32>
      tpu.vector_store %arg8[%swap3A_1075, %swap3A_1076], %swap3A_1079 {strides = array<i32>} : memref<128x128xf32, #tpu.memory_space<vmem>>, vector<1x16xf32>,
      %get3A_1080 = arith.index_cast %mul3A_1033 : i32 to index
      %get3A_1081 = arith.constant 64 : index
      %get3A_1082 = tpu.vector_load %arg8[%get3A_1080, %get3A_1081] {strides = array<i32>} : memref<128x128xf32, #tpu.memory_space<vmem>>, vector<1x16xf32>,
      %get3A_1083 = vector.shape_cast %get3A_1082 : vector<1x16xf32> to vector<16xf32>
      %mul3A_1084 = vector.broadcast %scan3A_878 : f32 to vector<16xf32>
      %mul3A_1085 = arith.mulf %get3A_1083, %mul3A_1084 : vector<16xf32>
      %swap3A_1086 = arith.index_cast %mul3A_1033 : i32 to index
      %swap3A_1087 = arith.constant 64 : index
      %swap3A_1088 = tpu.vector_load %arg8[%swap3A_1086, %swap3A_1087] {strides = array<i32>} : memref<128x128xf32, #tpu.memory_space<vmem>>, vector<1x16xf32>,
      %swap3A_1089 = vector.shape_cast %swap3A_1088 : vector<1x16xf32> to vector<16xf32>
      %swap3A_1090 = vector.shape_cast %mul3A_1085 : vector<16xf32> to vector<1x16xf32>
      tpu.vector_store %arg8[%swap3A_1086, %swap3A_1087], %swap3A_1090 {strides = array<i32>} : memref<128x128xf32, #tpu.memory_space<vmem>>, vector<1x16xf32>,
      %get3A_1091 = arith.index_cast %mul3A_1033 : i32 to index
      %get3A_1092 = arith.constant 80 : index
      %get3A_1093 = tpu.vector_load %arg8[%get3A_1091, %get3A_1092] {strides = array<i32>} : memref<128x128xf32, #tpu.memory_space<vmem>>, vector<1x16xf32>,
      %get3A_1094 = vector.shape_cast %get3A_1093 : vector<1x16xf32> to vector<16xf32>
      %mul3A_1095 = vector.broadcast %scan3A_878 : f32 to vector<16xf32>
      %mul3A_1096 = arith.mulf %get3A_1094, %mul3A_1095 : vector<16xf32>
      %swap3A_1097 = arith.index_cast %mul3A_1033 : i32 to index
      %swap3A_1098 = arith.constant 80 : index
      %swap3A_1099 = tpu.vector_load %arg8[%swap3A_1097, %swap3A_1098] {strides = array<i32>} : memref<128x128xf32, #tpu.memory_space<vmem>>, vector<1x16xf32>,
      %swap3A_1100 = vector.shape_cast %swap3A_1099 : vector<1x16xf32> to vector<16xf32>
      %swap3A_1101 = vector.shape_cast %mul3A_1096 : vector<16xf32> to vector<1x16xf32>
      tpu.vector_store %arg8[%swap3A_1097, %swap3A_1098], %swap3A_1101 {strides = array<i32>} : memref<128x128xf32, #tpu.memory_space<vmem>>, vector<1x16xf32>,
      %get3A_1102 = arith.index_cast %mul3A_1033 : i32 to index
      %get3A_1103 = arith.constant 96 : index
      %get3A_1104 = tpu.vector_load %arg8[%get3A_1102, %get3A_1103] {strides = array<i32>} : memref<128x128xf32, #tpu.memory_space<vmem>>, vector<1x16xf32>,
      %get3A_1105 = vector.shape_cast %get3A_1104 : vector<1x16xf32> to vector<16xf32>
      %mul3A_1106 = vector.broadcast %scan3A_878 : f32 to vector<16xf32>
      %mul3A_1107 = arith.mulf %get3A_1105, %mul3A_1106 : vector<16xf32>
      %swap3A_1108 = arith.index_cast %mul3A_1033 : i32 to index
      %swap3A_1109 = arith.constant 96 : index
      %swap3A_1110 = tpu.vector_load %arg8[%swap3A_1108, %swap3A_1109] {strides = array<i32>} : memref<128x128xf32, #tpu.memory_space<vmem>>, vector<1x16xf32>,
      %swap3A_1111 = vector.shape_cast %swap3A_1110 : vector<1x16xf32> to vector<16xf32>
      %swap3A_1112 = vector.shape_cast %mul3A_1107 : vector<16xf32> to vector<1x16xf32>
      tpu.vector_store %arg8[%swap3A_1108, %swap3A_1109], %swap3A_1112 {strides = array<i32>} : memref<128x128xf32, #tpu.memory_space<vmem>>, vector<1x16xf32>,
      %get3A_1113 = arith.index_cast %mul3A_1033 : i32 to index
      %get3A_1114 = arith.constant 112 : index
      %get3A_1115 = tpu.vector_load %arg8[%get3A_1113, %get3A_1114] {strides = array<i32>} : memref<128x128xf32, #tpu.memory_space<vmem>>, vector<1x16xf32>,
      %get3A_1116 = vector.shape_cast %get3A_1115 : vector<1x16xf32> to vector<16xf32>
      %mul3A_1117 = vector.broadcast %scan3A_878 : f32 to vector<16xf32>
      %mul3A_1118 = arith.mulf %get3A_1116, %mul3A_1117 : vector<16xf32>
      %swap3A_1119 = arith.index_cast %mul3A_1033 : i32 to index
      %swap3A_1120 = arith.constant 112 : index
      %swap3A_1121 = tpu.vector_load %arg8[%swap3A_1119, %swap3A_1120] {strides = array<i32>} : memref<128x128xf32, #tpu.memory_space<vmem>>, vector<1x16xf32>,
      %swap3A_1122 = vector.shape_cast %swap3A_1121 : vector<1x16xf32> to vector<16xf32>
      %swap3A_1123 = vector.shape_cast %mul3A_1118 : vector<16xf32> to vector<1x16xf32>
      tpu.vector_store %arg8[%swap3A_1119, %swap3A_1120], %swap3A_1123 {strides = array<i32>} : memref<128x128xf32, #tpu.memory_space<vmem>>, vector<1x16xf32>,
      %get3A_1124 = arith.index_cast %add3A_1037 : i32 to index
      %get3A_1125 = arith.constant 0 : index
      %get3A_1126 = tpu.vector_load %arg8[%get3A_1124, %get3A_1125] {strides = array<i32>} : memref<128x128xf32, #tpu.memory_space<vmem>>, vector<1x16xf32>,
      %get3A_1127 = vector.shape_cast %get3A_1126 : vector<1x16xf32> to vector<16xf32>
      %mul3A_1128 = vector.broadcast %scan3A_878 : f32 to vector<16xf32>
      %mul3A_1129 = arith.mulf %get3A_1127, %mul3A_1128 : vector<16xf32>
      %swap3A_1130 = arith.index_cast %add3A_1037 : i32 to index
      %swap3A_1131 = arith.constant 0 : index
      %swap3A_1132 = tpu.vector_load %arg8[%swap3A_1130, %swap3A_1131] {strides = array<i32>} : memref<128x128xf32, #tpu.memory_space<vmem>>, vector<1x16xf32>,
      %swap3A_1133 = vector.shape_cast %swap3A_1132 : vector<1x16xf32> to vector<16xf32>
      %swap3A_1134 = vector.shape_cast %mul3A_1129 : vector<16xf32> to vector<1x16xf32>
      tpu.vector_store %arg8[%swap3A_1130, %swap3A_1131], %swap3A_1134 {strides = array<i32>} : memref<128x128xf32, #tpu.memory_space<vmem>>, vector<1x16xf32>,
      %get3A_1135 = arith.index_cast %add3A_1037 : i32 to index
      %get3A_1136 = arith.constant 16 : index
      %get3A_1137 = tpu.vector_load %arg8[%get3A_1135, %get3A_1136] {strides = array<i32>} : memref<128x128xf32, #tpu.memory_space<vmem>>, vector<1x16xf32>,
      %get3A_1138 = vector.shape_cast %get3A_1137 : vector<1x16xf32> to vector<16xf32>
      %mul3A_1139 = vector.broadcast %scan3A_878 : f32 to vector<16xf32>
      %mul3A_1140 = arith.mulf %get3A_1138, %mul3A_1139 : vector<16xf32>
      %swap3A_1141 = arith.index_cast %add3A_1037 : i32 to index
      %swap3A_1142 = arith.constant 16 : index
      %swap3A_1143 = tpu.vector_load %arg8[%swap3A_1141, %swap3A_1142] {strides = array<i32>} : memref<128x128xf32, #tpu.memory_space<vmem>>, vector<1x16xf32>,
      %swap3A_1144 = vector.shape_cast %swap3A_1143 : vector<1x16xf32> to vector<16xf32>
      %swap3A_1145 = vector.shape_cast %mul3A_1140 : vector<16xf32> to vector<1x16xf32>
      tpu.vector_store %arg8[%swap3A_1141, %swap3A_1142], %swap3A_1145 {strides = array<i32>} : memref<128x128xf32, #tpu.memory_space<vmem>>, vector<1x16xf32>,
      %get3A_1146 = arith.index_cast %add3A_1037 : i32 to index
      %get3A_1147 = arith.constant 32 : index
      %get3A_1148 = tpu.vector_load %arg8[%get3A_1146, %get3A_1147] {strides = array<i32>} : memref<128x128xf32, #tpu.memory_space<vmem>>, vector<1x16xf32>,
      %get3A_1149 = vector.shape_cast %get3A_1148 : vector<1x16xf32> to vector<16xf32>
      %mul3A_1150 = vector.broadcast %scan3A_878 : f32 to vector<16xf32>
      %mul3A_1151 = arith.mulf %get3A_1149, %mul3A_1150 : vector<16xf32>
      %swap3A_1152 = arith.index_cast %add3A_1037 : i32 to index
      %swap3A_1153 = arith.constant 32 : index
      %swap3A_1154 = tpu.vector_load %arg8[%swap3A_1152, %swap3A_1153] {strides = array<i32>} : memref<128x128xf32, #tpu.memory_space<vmem>>, vector<1x16xf32>,
      %swap3A_1155 = vector.shape_cast %swap3A_1154 : vector<1x16xf32> to vector<16xf32>
      %swap3A_1156 = vector.shape_cast %mul3A_1151 : vector<16xf32> to vector<1x16xf32>
      tpu.vector_store %arg8[%swap3A_1152, %swap3A_1153], %swap3A_1156 {strides = array<i32>} : memref<128x128xf32, #tpu.memory_space<vmem>>, vector<1x16xf32>,
      %get3A_1157 = arith.index_cast %add3A_1037 : i32 to index
      %get3A_1158 = arith.constant 48 : index
      %get3A_1159 = tpu.vector_load %arg8[%get3A_1157, %get3A_1158] {strides = array<i32>} : memref<128x128xf32, #tpu.memory_space<vmem>>, vector<1x16xf32>,
      %get3A_1160 = vector.shape_cast %get3A_1159 : vector<1x16xf32> to vector<16xf32>
      %mul3A_1161 = vector.broadcast %scan3A_878 : f32 to vector<16xf32>
      %mul3A_1162 = arith.mulf %get3A_1160, %mul3A_1161 : vector<16xf32>
      %swap3A_1163 = arith.index_cast %add3A_1037 : i32 to index
      %swap3A_1164 = arith.constant 48 : index
      %swap3A_1165 = tpu.vector_load %arg8[%swap3A_1163, %swap3A_1164] {strides = array<i32>} : memref<128x128xf32, #tpu.memory_space<vmem>>, vector<1x16xf32>,
      %swap3A_1166 = vector.shape_cast %swap3A_1165 : vector<1x16xf32> to vector<16xf32>
      %swap3A_1167 = vector.shape_cast %mul3A_1162 : vector<16xf32> to vector<1x16xf32>
      tpu.vector_store %arg8[%swap3A_1163, %swap3A_1164], %swap3A_1167 {strides = array<i32>} : memref<128x128xf32, #tpu.memory_space<vmem>>, vector<1x16xf32>,
      %get3A_1168 = arith.index_cast %add3A_1037 : i32 to index
      %get3A_1169 = arith.constant 64 : index
      %get3A_1170 = tpu.vector_load %arg8[%get3A_1168, %get3A_1169] {strides = array<i32>} : memref<128x128xf32, #tpu.memory_space<vmem>>, vector<1x16xf32>,
      %get3A_1171 = vector.shape_cast %get3A_1170 : vector<1x16xf32> to vector<16xf32>
      %mul3A_1172 = vector.broadcast %scan3A_878 : f32 to vector<16xf32>
      %mul3A_1173 = arith.mulf %get3A_1171, %mul3A_1172 : vector<16xf32>
      %swap3A_1174 = arith.index_cast %add3A_1037 : i32 to index
      %swap3A_1175 = arith.constant 64 : index
      %swap3A_1176 = tpu.vector_load %arg8[%swap3A_1174, %swap3A_1175] {strides = array<i32>} : memref<128x128xf32, #tpu.memory_space<vmem>>, vector<1x16xf32>,
      %swap3A_1177 = vector.shape_cast %swap3A_1176 : vector<1x16xf32> to vector<16xf32>
      %swap3A_1178 = vector.shape_cast %mul3A_1173 : vector<16xf32> to vector<1x16xf32>
      tpu.vector_store %arg8[%swap3A_1174, %swap3A_1175], %swap3A_1178 {strides = array<i32>} : memref<128x128xf32, #tpu.memory_space<vmem>>, vector<1x16xf32>,
      %get3A_1179 = arith.index_cast %add3A_1037 : i32 to index
      %get3A_1180 = arith.constant 80 : index
      %get3A_1181 = tpu.vector_load %arg8[%get3A_1179, %get3A_1180] {strides = array<i32>} : memref<128x128xf32, #tpu.memory_space<vmem>>, vector<1x16xf32>,
      %get3A_1182 = vector.shape_cast %get3A_1181 : vector<1x16xf32> to vector<16xf32>
      %mul3A_1183 = vector.broadcast %scan3A_878 : f32 to vector<16xf32>
      %mul3A_1184 = arith.mulf %get3A_1182, %mul3A_1183 : vector<16xf32>
      %swap3A_1185 = arith.index_cast %add3A_1037 : i32 to index
      %swap3A_1186 = arith.constant 80 : index
      %swap3A_1187 = tpu.vector_load %arg8[%swap3A_1185, %swap3A_1186] {strides = array<i32>} : memref<128x128xf32, #tpu.memory_space<vmem>>, vector<1x16xf32>,
      %swap3A_1188 = vector.shape_cast %swap3A_1187 : vector<1x16xf32> to vector<16xf32>
      %swap3A_1189 = vector.shape_cast %mul3A_1184 : vector<16xf32> to vector<1x16xf32>
      tpu.vector_store %arg8[%swap3A_1185, %swap3A_1186], %swap3A_1189 {strides = array<i32>} : memref<128x128xf32, #tpu.memory_space<vmem>>, vector<1x16xf32>,
      %get3A_1190 = arith.index_cast %add3A_1037 : i32 to index
      %get3A_1191 = arith.constant 96 : index
      %get3A_1192 = tpu.vector_load %arg8[%get3A_1190, %get3A_1191] {strides = array<i32>} : memref<128x128xf32, #tpu.memory_space<vmem>>, vector<1x16xf32>,
      %get3A_1193 = vector.shape_cast %get3A_1192 : vector<1x16xf32> to vector<16xf32>
      %mul3A_1194 = vector.broadcast %scan3A_878 : f32 to vector<16xf32>
      %mul3A_1195 = arith.mulf %get3A_1193, %mul3A_1194 : vector<16xf32>
      %swap3A_1196 = arith.index_cast %add3A_1037 : i32 to index
      %swap3A_1197 = arith.constant 96 : index
      %swap3A_1198 = tpu.vector_load %arg8[%swap3A_1196, %swap3A_1197] {strides = array<i32>} : memref<128x128xf32, #tpu.memory_space<vmem>>, vector<1x16xf32>,
      %swap3A_1199 = vector.shape_cast %swap3A_1198 : vector<1x16xf32> to vector<16xf32>
      %swap3A_1200 = vector.shape_cast %mul3A_1195 : vector<16xf32> to vector<1x16xf32>
      tpu.vector_store %arg8[%swap3A_1196, %swap3A_1197], %swap3A_1200 {strides = array<i32>} : memref<128x128xf32, #tpu.memory_space<vmem>>, vector<1x16xf32>,
      %get3A_1201 = arith.index_cast %add3A_1037 : i32 to index
      %get3A_1202 = arith.constant 112 : index
      %get3A_1203 = tpu.vector_load %arg8[%get3A_1201, %get3A_1202] {strides = array<i32>} : memref<128x128xf32, #tpu.memory_space<vmem>>, vector<1x16xf32>,
      %get3A_1204 = vector.shape_cast %get3A_1203 : vector<1x16xf32> to vector<16xf32>
      %mul3A_1205 = vector.broadcast %scan3A_878 : f32 to vector<16xf32>
      %mul3A_1206 = arith.mulf %get3A_1204, %mul3A_1205 : vector<16xf32>
      %swap3A_1207 = arith.index_cast %add3A_1037 : i32 to index
      %swap3A_1208 = arith.constant 112 : index
      %swap3A_1209 = tpu.vector_load %arg8[%swap3A_1207, %swap3A_1208] {strides = array<i32>} : memref<128x128xf32, #tpu.memory_space<vmem>>, vector<1x16xf32>,
      %swap3A_1210 = vector.shape_cast %swap3A_1209 : vector<1x16xf32> to vector<16xf32>
      %swap3A_1211 = vector.shape_cast %mul3A_1206 : vector<16xf32> to vector<1x16xf32>
      tpu.vector_store %arg8[%swap3A_1207, %swap3A_1208], %swap3A_1211 {strides = array<i32>} : memref<128x128xf32, #tpu.memory_space<vmem>>, vector<1x16xf32>,
    }
    %scan3A_883 = arith.constant 64 : i32
    %add3A_884 = arith.constant 256 : i32
    %add3A_885 = arith.addi %mul3A_2, %add3A_884 : i32
    %dma_start3A_886 = arith.constant 0 : i32
    %dma_start3A_887 = tpu.memref_slice %arg4[%add3A_885, %dma_start3A_886] : memref<16384x128xf32, #tpu.memory_space<hbm>> -> memref<128x128xf32, #tpu.memory_space<hbm>>
    %dma_start3A_888 = arith.constant 0 : i32
    %dma_start3A_889 = tpu.memref_slice %arg4[%add3A_885, %dma_start3A_888] : memref<16384x128xf32, #tpu.memory_space<hbm>> -> memref<128x128xf32, #tpu.memory_space<hbm>>
    tpu.enqueue_dma source(%arg8 : memref<128x128xf32, #tpu.memory_space<vmem>>) target(%dma_start3A_889 : memref<128x128xf32, #tpu.memory_space<hbm>>) target_semaphore(%arg14 : memref<!tpu.dma_semaphore, #tpu.memory_space<semaphore_mem>>)
    %dma_wait3A_890 = arith.constant 0 : i32
    %dma_wait3A_891 = arith.constant 384 : i32
    %dma_wait3A_892 = tpu.memref_slice %arg5[%dma_wait3A_890, %dma_wait3A_891] : memref<16x512xi32, #tpu.memory_space<vmem>> -> memref<1x128xi32, #tpu.memory_space<vmem>>
    %dma_wait3A_893 = tpu.memref_squeeze %dma_wait3A_892 : memref<1x128xi32, #tpu.memory_space<vmem>> -> memref<128xi32, #tpu.memory_space<vmem>>
    %dma_wait3A_894 = arith.constant 0 : i32
    %dma_wait3A_895 = arith.constant 0 : i32
    %dma_wait3A_896 = tpu.memref_slice %arg3[%dma_wait3A_894, %dma_wait3A_895] : memref<100000x128xf32, #tpu.memory_space<hbm>> -> memref<100000x128xf32, #tpu.memory_space<hbm>>
    tpu.wait_indirect_dma semaphore(%arg13 : memref<!tpu.dma_semaphore, #tpu.memory_space<semaphore_mem>>) src(%dma_wait3A_896 : memref<100000x128xf32, #tpu.memory_space<hbm>>) dst(%arg9 : memref<128x128xf32, #tpu.memory_space<vmem>>)
    %dma_wait3A_897 = arith.constant 1 : i32
    %dma_wait3A_898 = arith.constant 384 : i32
    %dma_wait3A_899 = tpu.memref_slice %arg5[%dma_wait3A_897, %dma_wait3A_898] : memref<16x512xi32, #tpu.memory_space<vmem>> -> memref<1x128xi32, #tpu.memory_space<vmem>>
    %dma_wait3A_900 = tpu.memref_squeeze %dma_wait3A_899 : memref<1x128xi32, #tpu.memory_space<vmem>> -> memref<128xi32, #tpu.memory_space<vmem>>
    %dma_wait3A_901 = arith.constant 0 : i32
    %dma_wait3A_902 = arith.constant 0 : i32
    %dma_wait3A_903 = tpu.memref_slice %arg3[%dma_wait3A_901, %dma_wait3A_902] : memref<100000x128xf32, #tpu.memory_space<hbm>> -> memref<100000x128xf32, #tpu.memory_space<hbm>>
    tpu.wait_indirect_dma semaphore(%arg13 : memref<!tpu.dma_semaphore, #tpu.memory_space<semaphore_mem>>) src(%dma_wait3A_903 : memref<100000x128xf32, #tpu.memory_space<hbm>>) dst(%arg9 : memref<128x128xf32, #tpu.memory_space<vmem>>)
    %dma_wait3A_904 = arith.constant 2 : i32
    %dma_wait3A_905 = arith.constant 384 : i32
    %dma_wait3A_906 = tpu.memref_slice %arg5[%dma_wait3A_904, %dma_wait3A_905] : memref<16x512xi32, #tpu.memory_space<vmem>> -> memref<1x128xi32, #tpu.memory_space<vmem>>
    %dma_wait3A_907 = tpu.memref_squeeze %dma_wait3A_906 : memref<1x128xi32, #tpu.memory_space<vmem>> -> memref<128xi32, #tpu.memory_space<vmem>>
    %dma_wait3A_908 = arith.constant 0 : i32
    %dma_wait3A_909 = arith.constant 0 : i32
    %dma_wait3A_910 = tpu.memref_slice %arg3[%dma_wait3A_908, %dma_wait3A_909] : memref<100000x128xf32, #tpu.memory_space<hbm>> -> memref<100000x128xf32, #tpu.memory_space<hbm>>
    tpu.wait_indirect_dma semaphore(%arg13 : memref<!tpu.dma_semaphore, #tpu.memory_space<semaphore_mem>>) src(%dma_wait3A_910 : memref<100000x128xf32, #tpu.memory_space<hbm>>) dst(%arg9 : memref<128x128xf32, #tpu.memory_space<vmem>>)
    %dma_wait3A_911 = arith.constant 3 : i32
    %dma_wait3A_912 = arith.constant 384 : i32
    %dma_wait3A_913 = tpu.memref_slice %arg5[%dma_wait3A_911, %dma_wait3A_912] : memref<16x512xi32, #tpu.memory_space<vmem>> -> memref<1x128xi32, #tpu.memory_space<vmem>>
    %dma_wait3A_914 = tpu.memref_squeeze %dma_wait3A_913 : memref<1x128xi32, #tpu.memory_space<vmem>> -> memref<128xi32, #tpu.memory_space<vmem>>
    %dma_wait3A_915 = arith.constant 0 : i32
    %dma_wait3A_916 = arith.constant 0 : i32
    %dma_wait3A_917 = tpu.memref_slice %arg3[%dma_wait3A_915, %dma_wait3A_916] : memref<100000x128xf32, #tpu.memory_space<hbm>> -> memref<100000x128xf32, #tpu.memory_space<hbm>>
    tpu.wait_indirect_dma semaphore(%arg13 : memref<!tpu.dma_semaphore, #tpu.memory_space<semaphore_mem>>) src(%dma_wait3A_917 : memref<100000x128xf32, #tpu.memory_space<hbm>>) dst(%arg9 : memref<128x128xf32, #tpu.memory_space<vmem>>)
    %dma_wait3A_918 = arith.constant 4 : i32
    %dma_wait3A_919 = arith.constant 384 : i32
    %dma_wait3A_920 = tpu.memref_slice %arg5[%dma_wait3A_918, %dma_wait3A_919] : memref<16x512xi32, #tpu.memory_space<vmem>> -> memref<1x128xi32, #tpu.memory_space<vmem>>
    %dma_wait3A_921 = tpu.memref_squeeze %dma_wait3A_920 : memref<1x128xi32, #tpu.memory_space<vmem>> -> memref<128xi32, #tpu.memory_space<vmem>>
    %dma_wait3A_922 = arith.constant 0 : i32
    %dma_wait3A_923 = arith.constant 0 : i32
    %dma_wait3A_924 = tpu.memref_slice %arg3[%dma_wait3A_922, %dma_wait3A_923] : memref<100000x128xf32, #tpu.memory_space<hbm>> -> memref<100000x128xf32, #tpu.memory_space<hbm>>
    tpu.wait_indirect_dma semaphore(%arg13 : memref<!tpu.dma_semaphore, #tpu.memory_space<semaphore_mem>>) src(%dma_wait3A_924 : memref<100000x128xf32, #tpu.memory_space<hbm>>) dst(%arg9 : memref<128x128xf32, #tpu.memory_space<vmem>>)
    %dma_wait3A_925 = arith.constant 5 : i32
    %dma_wait3A_926 = arith.constant 384 : i32
    %dma_wait3A_927 = tpu.memref_slice %arg5[%dma_wait3A_925, %dma_wait3A_926] : memref<16x512xi32, #tpu.memory_space<vmem>> -> memref<1x128xi32, #tpu.memory_space<vmem>>
    %dma_wait3A_928 = tpu.memref_squeeze %dma_wait3A_927 : memref<1x128xi32, #tpu.memory_space<vmem>> -> memref<128xi32, #tpu.memory_space<vmem>>
    %dma_wait3A_929 = arith.constant 0 : i32
    %dma_wait3A_930 = arith.constant 0 : i32
    %dma_wait3A_931 = tpu.memref_slice %arg3[%dma_wait3A_929, %dma_wait3A_930] : memref<100000x128xf32, #tpu.memory_space<hbm>> -> memref<100000x128xf32, #tpu.memory_space<hbm>>
    tpu.wait_indirect_dma semaphore(%arg13 : memref<!tpu.dma_semaphore, #tpu.memory_space<semaphore_mem>>) src(%dma_wait3A_931 : memref<100000x128xf32, #tpu.memory_space<hbm>>) dst(%arg9 : memref<128x128xf32, #tpu.memory_space<vmem>>)
    %dma_wait3A_932 = arith.constant 6 : i32
    %dma_wait3A_933 = arith.constant 384 : i32
    %dma_wait3A_934 = tpu.memref_slice %arg5[%dma_wait3A_932, %dma_wait3A_933] : memref<16x512xi32, #tpu.memory_space<vmem>> -> memref<1x128xi32, #tpu.memory_space<vmem>>
    %dma_wait3A_935 = tpu.memref_squeeze %dma_wait3A_934 : memref<1x128xi32, #tpu.memory_space<vmem>> -> memref<128xi32, #tpu.memory_space<vmem>>
    %dma_wait3A_936 = arith.constant 0 : i32
    %dma_wait3A_937 = arith.constant 0 : i32
    %dma_wait3A_938 = tpu.memref_slice %arg3[%dma_wait3A_936, %dma_wait3A_937] : memref<100000x128xf32, #tpu.memory_space<hbm>> -> memref<100000x128xf32, #tpu.memory_space<hbm>>
    tpu.wait_indirect_dma semaphore(%arg13 : memref<!tpu.dma_semaphore, #tpu.memory_space<semaphore_mem>>) src(%dma_wait3A_938 : memref<100000x128xf32, #tpu.memory_space<hbm>>) dst(%arg9 : memref<128x128xf32, #tpu.memory_space<vmem>>)
    %dma_wait3A_939 = arith.constant 7 : i32
    %dma_wait3A_940 = arith.constant 384 : i32
    %dma_wait3A_941 = tpu.memref_slice %arg5[%dma_wait3A_939, %dma_wait3A_940] : memref<16x512xi32, #tpu.memory_space<vmem>> -> memref<1x128xi32, #tpu.memory_space<vmem>>
    %dma_wait3A_942 = tpu.memref_squeeze %dma_wait3A_941 : memref<1x128xi32, #tpu.memory_space<vmem>> -> memref<128xi32, #tpu.memory_space<vmem>>
    %dma_wait3A_943 = arith.constant 0 : i32
    %dma_wait3A_944 = arith.constant 0 : i32
    %dma_wait3A_945 = tpu.memref_slice %arg3[%dma_wait3A_943, %dma_wait3A_944] : memref<100000x128xf32, #tpu.memory_space<hbm>> -> memref<100000x128xf32, #tpu.memory_space<hbm>>
    tpu.wait_indirect_dma semaphore(%arg13 : memref<!tpu.dma_semaphore, #tpu.memory_space<semaphore_mem>>) src(%dma_wait3A_945 : memref<100000x128xf32, #tpu.memory_space<hbm>>) dst(%arg9 : memref<128x128xf32, #tpu.memory_space<vmem>>)
    %dma_wait3A_946 = arith.constant 8 : i32
    %dma_wait3A_947 = arith.constant 384 : i32
    %dma_wait3A_948 = tpu.memref_slice %arg5[%dma_wait3A_946, %dma_wait3A_947] : memref<16x512xi32, #tpu.memory_space<vmem>> -> memref<1x128xi32, #tpu.memory_space<vmem>>
    %dma_wait3A_949 = tpu.memref_squeeze %dma_wait3A_948 : memref<1x128xi32, #tpu.memory_space<vmem>> -> memref<128xi32, #tpu.memory_space<vmem>>
    %dma_wait3A_950 = arith.constant 0 : i32
    %dma_wait3A_951 = arith.constant 0 : i32
    %dma_wait3A_952 = tpu.memref_slice %arg3[%dma_wait3A_950, %dma_wait3A_951] : memref<100000x128xf32, #tpu.memory_space<hbm>> -> memref<100000x128xf32, #tpu.memory_space<hbm>>
    tpu.wait_indirect_dma semaphore(%arg13 : memref<!tpu.dma_semaphore, #tpu.memory_space<semaphore_mem>>) src(%dma_wait3A_952 : memref<100000x128xf32, #tpu.memory_space<hbm>>) dst(%arg9 : memref<128x128xf32, #tpu.memory_space<vmem>>)
    %dma_wait3A_953 = arith.constant 9 : i32
    %dma_wait3A_954 = arith.constant 384 : i32
    %dma_wait3A_955 = tpu.memref_slice %arg5[%dma_wait3A_953, %dma_wait3A_954] : memref<16x512xi32, #tpu.memory_space<vmem>> -> memref<1x128xi32, #tpu.memory_space<vmem>>
    %dma_wait3A_956 = tpu.memref_squeeze %dma_wait3A_955 : memref<1x128xi32, #tpu.memory_space<vmem>> -> memref<128xi32, #tpu.memory_space<vmem>>
    %dma_wait3A_957 = arith.constant 0 : i32
    %dma_wait3A_958 = arith.constant 0 : i32
    %dma_wait3A_959 = tpu.memref_slice %arg3[%dma_wait3A_957, %dma_wait3A_958] : memref<100000x128xf32, #tpu.memory_space<hbm>> -> memref<100000x128xf32, #tpu.memory_space<hbm>>
    tpu.wait_indirect_dma semaphore(%arg13 : memref<!tpu.dma_semaphore, #tpu.memory_space<semaphore_mem>>) src(%dma_wait3A_959 : memref<100000x128xf32, #tpu.memory_space<hbm>>) dst(%arg9 : memref<128x128xf32, #tpu.memory_space<vmem>>)
    %dma_wait3A_960 = arith.constant 10 : i32
    %dma_wait3A_961 = arith.constant 384 : i32
    %dma_wait3A_962 = tpu.memref_slice %arg5[%dma_wait3A_960, %dma_wait3A_961] : memref<16x512xi32, #tpu.memory_space<vmem>> -> memref<1x128xi32, #tpu.memory_space<vmem>>
    %dma_wait3A_963 = tpu.memref_squeeze %dma_wait3A_962 : memref<1x128xi32, #tpu.memory_space<vmem>> -> memref<128xi32, #tpu.memory_space<vmem>>
    %dma_wait3A_964 = arith.constant 0 : i32
    %dma_wait3A_965 = arith.constant 0 : i32
    %dma_wait3A_966 = tpu.memref_slice %arg3[%dma_wait3A_964, %dma_wait3A_965] : memref<100000x128xf32, #tpu.memory_space<hbm>> -> memref<100000x128xf32, #tpu.memory_space<hbm>>
    tpu.wait_indirect_dma semaphore(%arg13 : memref<!tpu.dma_semaphore, #tpu.memory_space<semaphore_mem>>) src(%dma_wait3A_966 : memref<100000x128xf32, #tpu.memory_space<hbm>>) dst(%arg9 : memref<128x128xf32, #tpu.memory_space<vmem>>)
    %dma_wait3A_967 = arith.constant 11 : i32
    %dma_wait3A_968 = arith.constant 384 : i32
    %dma_wait3A_969 = tpu.memref_slice %arg5[%dma_wait3A_967, %dma_wait3A_968] : memref<16x512xi32, #tpu.memory_space<vmem>> -> memref<1x128xi32, #tpu.memory_space<vmem>>
    %dma_wait3A_970 = tpu.memref_squeeze %dma_wait3A_969 : memref<1x128xi32, #tpu.memory_space<vmem>> -> memref<128xi32, #tpu.memory_space<vmem>>
    %dma_wait3A_971 = arith.constant 0 : i32
    %dma_wait3A_972 = arith.constant 0 : i32
    %dma_wait3A_973 = tpu.memref_slice %arg3[%dma_wait3A_971, %dma_wait3A_972] : memref<100000x128xf32, #tpu.memory_space<hbm>> -> memref<100000x128xf32, #tpu.memory_space<hbm>>
    tpu.wait_indirect_dma semaphore(%arg13 : memref<!tpu.dma_semaphore, #tpu.memory_space<semaphore_mem>>) src(%dma_wait3A_973 : memref<100000x128xf32, #tpu.memory_space<hbm>>) dst(%arg9 : memref<128x128xf32, #tpu.memory_space<vmem>>)
    %dma_wait3A_974 = arith.constant 12 : i32
    %dma_wait3A_975 = arith.constant 384 : i32
    %dma_wait3A_976 = tpu.memref_slice %arg5[%dma_wait3A_974, %dma_wait3A_975] : memref<16x512xi32, #tpu.memory_space<vmem>> -> memref<1x128xi32, #tpu.memory_space<vmem>>
    %dma_wait3A_977 = tpu.memref_squeeze %dma_wait3A_976 : memref<1x128xi32, #tpu.memory_space<vmem>> -> memref<128xi32, #tpu.memory_space<vmem>>
    %dma_wait3A_978 = arith.constant 0 : i32
    %dma_wait3A_979 = arith.constant 0 : i32
    %dma_wait3A_980 = tpu.memref_slice %arg3[%dma_wait3A_978, %dma_wait3A_979] : memref<100000x128xf32, #tpu.memory_space<hbm>> -> memref<100000x128xf32, #tpu.memory_space<hbm>>
    tpu.wait_indirect_dma semaphore(%arg13 : memref<!tpu.dma_semaphore, #tpu.memory_space<semaphore_mem>>) src(%dma_wait3A_980 : memref<100000x128xf32, #tpu.memory_space<hbm>>) dst(%arg9 : memref<128x128xf32, #tpu.memory_space<vmem>>)
    %dma_wait3A_981 = arith.constant 13 : i32
    %dma_wait3A_982 = arith.constant 384 : i32
    %dma_wait3A_983 = tpu.memref_slice %arg5[%dma_wait3A_981, %dma_wait3A_982] : memref<16x512xi32, #tpu.memory_space<vmem>> -> memref<1x128xi32, #tpu.memory_space<vmem>>
    %dma_wait3A_984 = tpu.memref_squeeze %dma_wait3A_983 : memref<1x128xi32, #tpu.memory_space<vmem>> -> memref<128xi32, #tpu.memory_space<vmem>>
    %dma_wait3A_985 = arith.constant 0 : i32
    %dma_wait3A_986 = arith.constant 0 : i32
    %dma_wait3A_987 = tpu.memref_slice %arg3[%dma_wait3A_985, %dma_wait3A_986] : memref<100000x128xf32, #tpu.memory_space<hbm>> -> memref<100000x128xf32, #tpu.memory_space<hbm>>
    tpu.wait_indirect_dma semaphore(%arg13 : memref<!tpu.dma_semaphore, #tpu.memory_space<semaphore_mem>>) src(%dma_wait3A_987 : memref<100000x128xf32, #tpu.memory_space<hbm>>) dst(%arg9 : memref<128x128xf32, #tpu.memory_space<vmem>>)
    %dma_wait3A_988 = arith.constant 14 : i32
    %dma_wait3A_989 = arith.constant 384 : i32
    %dma_wait3A_990 = tpu.memref_slice %arg5[%dma_wait3A_988, %dma_wait3A_989] : memref<16x512xi32, #tpu.memory_space<vmem>> -> memref<1x128xi32, #tpu.memory_space<vmem>>
    %dma_wait3A_991 = tpu.memref_squeeze %dma_wait3A_990 : memref<1x128xi32, #tpu.memory_space<vmem>> -> memref<128xi32, #tpu.memory_space<vmem>>
    %dma_wait3A_992 = arith.constant 0 : i32
    %dma_wait3A_993 = arith.constant 0 : i32
    %dma_wait3A_994 = tpu.memref_slice %arg3[%dma_wait3A_992, %dma_wait3A_993] : memref<100000x128xf32, #tpu.memory_space<hbm>> -> memref<100000x128xf32, #tpu.memory_space<hbm>>
    tpu.wait_indirect_dma semaphore(%arg13 : memref<!tpu.dma_semaphore, #tpu.memory_space<semaphore_mem>>) src(%dma_wait3A_994 : memref<100000x128xf32, #tpu.memory_space<hbm>>) dst(%arg9 : memref<128x128xf32, #tpu.memory_space<vmem>>)
    %dma_wait3A_995 = arith.constant 15 : i32
    %dma_wait3A_996 = arith.constant 384 : i32
    %dma_wait3A_997 = tpu.memref_slice %arg5[%dma_wait3A_995, %dma_wait3A_996] : memref<16x512xi32, #tpu.memory_space<vmem>> -> memref<1x128xi32, #tpu.memory_space<vmem>>
    %dma_wait3A_998 = tpu.memref_squeeze %dma_wait3A_997 : memref<1x128xi32, #tpu.memory_space<vmem>> -> memref<128xi32, #tpu.memory_space<vmem>>
    %dma_wait3A_999 = arith.constant 0 : i32
    %dma_wait3A_1000 = arith.constant 0 : i32
    %dma_wait3A_1001 = tpu.memref_slice %arg3[%dma_wait3A_999, %dma_wait3A_1000] : memref<100000x128xf32, #tpu.memory_space<hbm>> -> memref<100000x128xf32, #tpu.memory_space<hbm>>
    tpu.wait_indirect_dma semaphore(%arg13 : memref<!tpu.dma_semaphore, #tpu.memory_space<semaphore_mem>>) src(%dma_wait3A_1001 : memref<100000x128xf32, #tpu.memory_space<hbm>>) dst(%arg9 : memref<128x128xf32, #tpu.memory_space<vmem>>)
    %scan3A_1002 = arith.constant 0 : i32
    %scan3A_1003 = arith.constant 6.250000e-02 : f32
    %scan3A_1004 = arith.constant 0 : i32
    %scan3A_1005 = arith.constant 64 : i32
    %scan3A_1006 = arith.addi %scan3A_1004, %scan3A_1005 : i32
    %scan3A_1007 = arith.constant 1 : i32
    scf.for %scan3A_1031 = %scan3A_1004 to %scan3A_1006 step %scan3A_1007  : i32 {
      %mul3A_1032 = arith.constant 2 : i32
      %mul3A_1033 = arith.muli %mul3A_1032, %scan3A_1031 : i32
      %mul3A_1034 = arith.constant 2 : i32
      %mul3A_1035 = arith.muli %mul3A_1034, %scan3A_1031 : i32
      %add3A_1036 = arith.constant 1 : i32
      %add3A_1037 = arith.addi %mul3A_1035, %add3A_1036 : i32
      %get3A = arith.index_cast %mul3A_1033 : i32 to index
      %get3A_1038 = arith.constant 0 : index
      %get3A_1039 = tpu.vector_load %arg9[%get3A, %get3A_1038] {strides = array<i32>} : memref<128x128xf32, #tpu.memory_space<vmem>>, vector<1x16xf32>,
      %get3A_1040 = vector.shape_cast %get3A_1039 : vector<1x16xf32> to vector<16xf32>
      %mul3A_1041 = vector.broadcast %scan3A_1003 : f32 to vector<16xf32>
      %mul3A_1042 = arith.mulf %get3A_1040, %mul3A_1041 : vector<16xf32>
      %swap3A = arith.index_cast %mul3A_1033 : i32 to index
      %swap3A_1043 = arith.constant 0 : index
      %swap3A_1044 = tpu.vector_load %arg9[%swap3A, %swap3A_1043] {strides = array<i32>} : memref<128x128xf32, #tpu.memory_space<vmem>>, vector<1x16xf32>,
      %swap3A_1045 = vector.shape_cast %swap3A_1044 : vector<1x16xf32> to vector<16xf32>
      %swap3A_1046 = vector.shape_cast %mul3A_1042 : vector<16xf32> to vector<1x16xf32>
      tpu.vector_store %arg9[%swap3A, %swap3A_1043], %swap3A_1046 {strides = array<i32>} : memref<128x128xf32, #tpu.memory_space<vmem>>, vector<1x16xf32>,
      %get3A_1047 = arith.index_cast %mul3A_1033 : i32 to index
      %get3A_1048 = arith.constant 16 : index
      %get3A_1049 = tpu.vector_load %arg9[%get3A_1047, %get3A_1048] {strides = array<i32>} : memref<128x128xf32, #tpu.memory_space<vmem>>, vector<1x16xf32>,
      %get3A_1050 = vector.shape_cast %get3A_1049 : vector<1x16xf32> to vector<16xf32>
      %mul3A_1051 = vector.broadcast %scan3A_1003 : f32 to vector<16xf32>
      %mul3A_1052 = arith.mulf %get3A_1050, %mul3A_1051 : vector<16xf32>
      %swap3A_1053 = arith.index_cast %mul3A_1033 : i32 to index
      %swap3A_1054 = arith.constant 16 : index
      %swap3A_1055 = tpu.vector_load %arg9[%swap3A_1053, %swap3A_1054] {strides = array<i32>} : memref<128x128xf32, #tpu.memory_space<vmem>>, vector<1x16xf32>,
      %swap3A_1056 = vector.shape_cast %swap3A_1055 : vector<1x16xf32> to vector<16xf32>
      %swap3A_1057 = vector.shape_cast %mul3A_1052 : vector<16xf32> to vector<1x16xf32>
      tpu.vector_store %arg9[%swap3A_1053, %swap3A_1054], %swap3A_1057 {strides = array<i32>} : memref<128x128xf32, #tpu.memory_space<vmem>>, vector<1x16xf32>,
      %get3A_1058 = arith.index_cast %mul3A_1033 : i32 to index
      %get3A_1059 = arith.constant 32 : index
      %get3A_1060 = tpu.vector_load %arg9[%get3A_1058, %get3A_1059] {strides = array<i32>} : memref<128x128xf32, #tpu.memory_space<vmem>>, vector<1x16xf32>,
      %get3A_1061 = vector.shape_cast %get3A_1060 : vector<1x16xf32> to vector<16xf32>
      %mul3A_1062 = vector.broadcast %scan3A_1003 : f32 to vector<16xf32>
      %mul3A_1063 = arith.mulf %get3A_1061, %mul3A_1062 : vector<16xf32>
      %swap3A_1064 = arith.index_cast %mul3A_1033 : i32 to index
      %swap3A_1065 = arith.constant 32 : index
      %swap3A_1066 = tpu.vector_load %arg9[%swap3A_1064, %swap3A_1065] {strides = array<i32>} : memref<128x128xf32, #tpu.memory_space<vmem>>, vector<1x16xf32>,
      %swap3A_1067 = vector.shape_cast %swap3A_1066 : vector<1x16xf32> to vector<16xf32>
      %swap3A_1068 = vector.shape_cast %mul3A_1063 : vector<16xf32> to vector<1x16xf32>
      tpu.vector_store %arg9[%swap3A_1064, %swap3A_1065], %swap3A_1068 {strides = array<i32>} : memref<128x128xf32, #tpu.memory_space<vmem>>, vector<1x16xf32>,
      %get3A_1069 = arith.index_cast %mul3A_1033 : i32 to index
      %get3A_1070 = arith.constant 48 : index
      %get3A_1071 = tpu.vector_load %arg9[%get3A_1069, %get3A_1070] {strides = array<i32>} : memref<128x128xf32, #tpu.memory_space<vmem>>, vector<1x16xf32>,
      %get3A_1072 = vector.shape_cast %get3A_1071 : vector<1x16xf32> to vector<16xf32>
      %mul3A_1073 = vector.broadcast %scan3A_1003 : f32 to vector<16xf32>
      %mul3A_1074 = arith.mulf %get3A_1072, %mul3A_1073 : vector<16xf32>
      %swap3A_1075 = arith.index_cast %mul3A_1033 : i32 to index
      %swap3A_1076 = arith.constant 48 : index
      %swap3A_1077 = tpu.vector_load %arg9[%swap3A_1075, %swap3A_1076] {strides = array<i32>} : memref<128x128xf32, #tpu.memory_space<vmem>>, vector<1x16xf32>,
      %swap3A_1078 = vector.shape_cast %swap3A_1077 : vector<1x16xf32> to vector<16xf32>
      %swap3A_1079 = vector.shape_cast %mul3A_1074 : vector<16xf32> to vector<1x16xf32>
      tpu.vector_store %arg9[%swap3A_1075, %swap3A_1076], %swap3A_1079 {strides = array<i32>} : memref<128x128xf32, #tpu.memory_space<vmem>>, vector<1x16xf32>,
      %get3A_1080 = arith.index_cast %mul3A_1033 : i32 to index
      %get3A_1081 = arith.constant 64 : index
      %get3A_1082 = tpu.vector_load %arg9[%get3A_1080, %get3A_1081] {strides = array<i32>} : memref<128x128xf32, #tpu.memory_space<vmem>>, vector<1x16xf32>,
      %get3A_1083 = vector.shape_cast %get3A_1082 : vector<1x16xf32> to vector<16xf32>
      %mul3A_1084 = vector.broadcast %scan3A_1003 : f32 to vector<16xf32>
      %mul3A_1085 = arith.mulf %get3A_1083, %mul3A_1084 : vector<16xf32>
      %swap3A_1086 = arith.index_cast %mul3A_1033 : i32 to index
      %swap3A_1087 = arith.constant 64 : index
      %swap3A_1088 = tpu.vector_load %arg9[%swap3A_1086, %swap3A_1087] {strides = array<i32>} : memref<128x128xf32, #tpu.memory_space<vmem>>, vector<1x16xf32>,
      %swap3A_1089 = vector.shape_cast %swap3A_1088 : vector<1x16xf32> to vector<16xf32>
      %swap3A_1090 = vector.shape_cast %mul3A_1085 : vector<16xf32> to vector<1x16xf32>
      tpu.vector_store %arg9[%swap3A_1086, %swap3A_1087], %swap3A_1090 {strides = array<i32>} : memref<128x128xf32, #tpu.memory_space<vmem>>, vector<1x16xf32>,
      %get3A_1091 = arith.index_cast %mul3A_1033 : i32 to index
      %get3A_1092 = arith.constant 80 : index
      %get3A_1093 = tpu.vector_load %arg9[%get3A_1091, %get3A_1092] {strides = array<i32>} : memref<128x128xf32, #tpu.memory_space<vmem>>, vector<1x16xf32>,
      %get3A_1094 = vector.shape_cast %get3A_1093 : vector<1x16xf32> to vector<16xf32>
      %mul3A_1095 = vector.broadcast %scan3A_1003 : f32 to vector<16xf32>
      %mul3A_1096 = arith.mulf %get3A_1094, %mul3A_1095 : vector<16xf32>
      %swap3A_1097 = arith.index_cast %mul3A_1033 : i32 to index
      %swap3A_1098 = arith.constant 80 : index
      %swap3A_1099 = tpu.vector_load %arg9[%swap3A_1097, %swap3A_1098] {strides = array<i32>} : memref<128x128xf32, #tpu.memory_space<vmem>>, vector<1x16xf32>,
      %swap3A_1100 = vector.shape_cast %swap3A_1099 : vector<1x16xf32> to vector<16xf32>
      %swap3A_1101 = vector.shape_cast %mul3A_1096 : vector<16xf32> to vector<1x16xf32>
      tpu.vector_store %arg9[%swap3A_1097, %swap3A_1098], %swap3A_1101 {strides = array<i32>} : memref<128x128xf32, #tpu.memory_space<vmem>>, vector<1x16xf32>,
      %get3A_1102 = arith.index_cast %mul3A_1033 : i32 to index
      %get3A_1103 = arith.constant 96 : index
      %get3A_1104 = tpu.vector_load %arg9[%get3A_1102, %get3A_1103] {strides = array<i32>} : memref<128x128xf32, #tpu.memory_space<vmem>>, vector<1x16xf32>,
      %get3A_1105 = vector.shape_cast %get3A_1104 : vector<1x16xf32> to vector<16xf32>
      %mul3A_1106 = vector.broadcast %scan3A_1003 : f32 to vector<16xf32>
      %mul3A_1107 = arith.mulf %get3A_1105, %mul3A_1106 : vector<16xf32>
      %swap3A_1108 = arith.index_cast %mul3A_1033 : i32 to index
      %swap3A_1109 = arith.constant 96 : index
      %swap3A_1110 = tpu.vector_load %arg9[%swap3A_1108, %swap3A_1109] {strides = array<i32>} : memref<128x128xf32, #tpu.memory_space<vmem>>, vector<1x16xf32>,
      %swap3A_1111 = vector.shape_cast %swap3A_1110 : vector<1x16xf32> to vector<16xf32>
      %swap3A_1112 = vector.shape_cast %mul3A_1107 : vector<16xf32> to vector<1x16xf32>
      tpu.vector_store %arg9[%swap3A_1108, %swap3A_1109], %swap3A_1112 {strides = array<i32>} : memref<128x128xf32, #tpu.memory_space<vmem>>, vector<1x16xf32>,
      %get3A_1113 = arith.index_cast %mul3A_1033 : i32 to index
      %get3A_1114 = arith.constant 112 : index
      %get3A_1115 = tpu.vector_load %arg9[%get3A_1113, %get3A_1114] {strides = array<i32>} : memref<128x128xf32, #tpu.memory_space<vmem>>, vector<1x16xf32>,
      %get3A_1116 = vector.shape_cast %get3A_1115 : vector<1x16xf32> to vector<16xf32>
      %mul3A_1117 = vector.broadcast %scan3A_1003 : f32 to vector<16xf32>
      %mul3A_1118 = arith.mulf %get3A_1116, %mul3A_1117 : vector<16xf32>
      %swap3A_1119 = arith.index_cast %mul3A_1033 : i32 to index
      %swap3A_1120 = arith.constant 112 : index
      %swap3A_1121 = tpu.vector_load %arg9[%swap3A_1119, %swap3A_1120] {strides = array<i32>} : memref<128x128xf32, #tpu.memory_space<vmem>>, vector<1x16xf32>,
      %swap3A_1122 = vector.shape_cast %swap3A_1121 : vector<1x16xf32> to vector<16xf32>
      %swap3A_1123 = vector.shape_cast %mul3A_1118 : vector<16xf32> to vector<1x16xf32>
      tpu.vector_store %arg9[%swap3A_1119, %swap3A_1120], %swap3A_1123 {strides = array<i32>} : memref<128x128xf32, #tpu.memory_space<vmem>>, vector<1x16xf32>,
      %get3A_1124 = arith.index_cast %add3A_1037 : i32 to index
      %get3A_1125 = arith.constant 0 : index
      %get3A_1126 = tpu.vector_load %arg9[%get3A_1124, %get3A_1125] {strides = array<i32>} : memref<128x128xf32, #tpu.memory_space<vmem>>, vector<1x16xf32>,
      %get3A_1127 = vector.shape_cast %get3A_1126 : vector<1x16xf32> to vector<16xf32>
      %mul3A_1128 = vector.broadcast %scan3A_1003 : f32 to vector<16xf32>
      %mul3A_1129 = arith.mulf %get3A_1127, %mul3A_1128 : vector<16xf32>
      %swap3A_1130 = arith.index_cast %add3A_1037 : i32 to index
      %swap3A_1131 = arith.constant 0 : index
      %swap3A_1132 = tpu.vector_load %arg9[%swap3A_1130, %swap3A_1131] {strides = array<i32>} : memref<128x128xf32, #tpu.memory_space<vmem>>, vector<1x16xf32>,
      %swap3A_1133 = vector.shape_cast %swap3A_1132 : vector<1x16xf32> to vector<16xf32>
      %swap3A_1134 = vector.shape_cast %mul3A_1129 : vector<16xf32> to vector<1x16xf32>
      tpu.vector_store %arg9[%swap3A_1130, %swap3A_1131], %swap3A_1134 {strides = array<i32>} : memref<128x128xf32, #tpu.memory_space<vmem>>, vector<1x16xf32>,
      %get3A_1135 = arith.index_cast %add3A_1037 : i32 to index
      %get3A_1136 = arith.constant 16 : index
      %get3A_1137 = tpu.vector_load %arg9[%get3A_1135, %get3A_1136] {strides = array<i32>} : memref<128x128xf32, #tpu.memory_space<vmem>>, vector<1x16xf32>,
      %get3A_1138 = vector.shape_cast %get3A_1137 : vector<1x16xf32> to vector<16xf32>
      %mul3A_1139 = vector.broadcast %scan3A_1003 : f32 to vector<16xf32>
      %mul3A_1140 = arith.mulf %get3A_1138, %mul3A_1139 : vector<16xf32>
      %swap3A_1141 = arith.index_cast %add3A_1037 : i32 to index
      %swap3A_1142 = arith.constant 16 : index
      %swap3A_1143 = tpu.vector_load %arg9[%swap3A_1141, %swap3A_1142] {strides = array<i32>} : memref<128x128xf32, #tpu.memory_space<vmem>>, vector<1x16xf32>,
      %swap3A_1144 = vector.shape_cast %swap3A_1143 : vector<1x16xf32> to vector<16xf32>
      %swap3A_1145 = vector.shape_cast %mul3A_1140 : vector<16xf32> to vector<1x16xf32>
      tpu.vector_store %arg9[%swap3A_1141, %swap3A_1142], %swap3A_1145 {strides = array<i32>} : memref<128x128xf32, #tpu.memory_space<vmem>>, vector<1x16xf32>,
      %get3A_1146 = arith.index_cast %add3A_1037 : i32 to index
      %get3A_1147 = arith.constant 32 : index
      %get3A_1148 = tpu.vector_load %arg9[%get3A_1146, %get3A_1147] {strides = array<i32>} : memref<128x128xf32, #tpu.memory_space<vmem>>, vector<1x16xf32>,
      %get3A_1149 = vector.shape_cast %get3A_1148 : vector<1x16xf32> to vector<16xf32>
      %mul3A_1150 = vector.broadcast %scan3A_1003 : f32 to vector<16xf32>
      %mul3A_1151 = arith.mulf %get3A_1149, %mul3A_1150 : vector<16xf32>
      %swap3A_1152 = arith.index_cast %add3A_1037 : i32 to index
      %swap3A_1153 = arith.constant 32 : index
      %swap3A_1154 = tpu.vector_load %arg9[%swap3A_1152, %swap3A_1153] {strides = array<i32>} : memref<128x128xf32, #tpu.memory_space<vmem>>, vector<1x16xf32>,
      %swap3A_1155 = vector.shape_cast %swap3A_1154 : vector<1x16xf32> to vector<16xf32>
      %swap3A_1156 = vector.shape_cast %mul3A_1151 : vector<16xf32> to vector<1x16xf32>
      tpu.vector_store %arg9[%swap3A_1152, %swap3A_1153], %swap3A_1156 {strides = array<i32>} : memref<128x128xf32, #tpu.memory_space<vmem>>, vector<1x16xf32>,
      %get3A_1157 = arith.index_cast %add3A_1037 : i32 to index
      %get3A_1158 = arith.constant 48 : index
      %get3A_1159 = tpu.vector_load %arg9[%get3A_1157, %get3A_1158] {strides = array<i32>} : memref<128x128xf32, #tpu.memory_space<vmem>>, vector<1x16xf32>,
      %get3A_1160 = vector.shape_cast %get3A_1159 : vector<1x16xf32> to vector<16xf32>
      %mul3A_1161 = vector.broadcast %scan3A_1003 : f32 to vector<16xf32>
      %mul3A_1162 = arith.mulf %get3A_1160, %mul3A_1161 : vector<16xf32>
      %swap3A_1163 = arith.index_cast %add3A_1037 : i32 to index
      %swap3A_1164 = arith.constant 48 : index
      %swap3A_1165 = tpu.vector_load %arg9[%swap3A_1163, %swap3A_1164] {strides = array<i32>} : memref<128x128xf32, #tpu.memory_space<vmem>>, vector<1x16xf32>,
      %swap3A_1166 = vector.shape_cast %swap3A_1165 : vector<1x16xf32> to vector<16xf32>
      %swap3A_1167 = vector.shape_cast %mul3A_1162 : vector<16xf32> to vector<1x16xf32>
      tpu.vector_store %arg9[%swap3A_1163, %swap3A_1164], %swap3A_1167 {strides = array<i32>} : memref<128x128xf32, #tpu.memory_space<vmem>>, vector<1x16xf32>,
      %get3A_1168 = arith.index_cast %add3A_1037 : i32 to index
      %get3A_1169 = arith.constant 64 : index
      %get3A_1170 = tpu.vector_load %arg9[%get3A_1168, %get3A_1169] {strides = array<i32>} : memref<128x128xf32, #tpu.memory_space<vmem>>, vector<1x16xf32>,
      %get3A_1171 = vector.shape_cast %get3A_1170 : vector<1x16xf32> to vector<16xf32>
      %mul3A_1172 = vector.broadcast %scan3A_1003 : f32 to vector<16xf32>
      %mul3A_1173 = arith.mulf %get3A_1171, %mul3A_1172 : vector<16xf32>
      %swap3A_1174 = arith.index_cast %add3A_1037 : i32 to index
      %swap3A_1175 = arith.constant 64 : index
      %swap3A_1176 = tpu.vector_load %arg9[%swap3A_1174, %swap3A_1175] {strides = array<i32>} : memref<128x128xf32, #tpu.memory_space<vmem>>, vector<1x16xf32>,
      %swap3A_1177 = vector.shape_cast %swap3A_1176 : vector<1x16xf32> to vector<16xf32>
      %swap3A_1178 = vector.shape_cast %mul3A_1173 : vector<16xf32> to vector<1x16xf32>
      tpu.vector_store %arg9[%swap3A_1174, %swap3A_1175], %swap3A_1178 {strides = array<i32>} : memref<128x128xf32, #tpu.memory_space<vmem>>, vector<1x16xf32>,
      %get3A_1179 = arith.index_cast %add3A_1037 : i32 to index
      %get3A_1180 = arith.constant 80 : index
      %get3A_1181 = tpu.vector_load %arg9[%get3A_1179, %get3A_1180] {strides = array<i32>} : memref<128x128xf32, #tpu.memory_space<vmem>>, vector<1x16xf32>,
      %get3A_1182 = vector.shape_cast %get3A_1181 : vector<1x16xf32> to vector<16xf32>
      %mul3A_1183 = vector.broadcast %scan3A_1003 : f32 to vector<16xf32>
      %mul3A_1184 = arith.mulf %get3A_1182, %mul3A_1183 : vector<16xf32>
      %swap3A_1185 = arith.index_cast %add3A_1037 : i32 to index
      %swap3A_1186 = arith.constant 80 : index
      %swap3A_1187 = tpu.vector_load %arg9[%swap3A_1185, %swap3A_1186] {strides = array<i32>} : memref<128x128xf32, #tpu.memory_space<vmem>>, vector<1x16xf32>,
      %swap3A_1188 = vector.shape_cast %swap3A_1187 : vector<1x16xf32> to vector<16xf32>
      %swap3A_1189 = vector.shape_cast %mul3A_1184 : vector<16xf32> to vector<1x16xf32>
      tpu.vector_store %arg9[%swap3A_1185, %swap3A_1186], %swap3A_1189 {strides = array<i32>} : memref<128x128xf32, #tpu.memory_space<vmem>>, vector<1x16xf32>,
      %get3A_1190 = arith.index_cast %add3A_1037 : i32 to index
      %get3A_1191 = arith.constant 96 : index
      %get3A_1192 = tpu.vector_load %arg9[%get3A_1190, %get3A_1191] {strides = array<i32>} : memref<128x128xf32, #tpu.memory_space<vmem>>, vector<1x16xf32>,
      %get3A_1193 = vector.shape_cast %get3A_1192 : vector<1x16xf32> to vector<16xf32>
      %mul3A_1194 = vector.broadcast %scan3A_1003 : f32 to vector<16xf32>
      %mul3A_1195 = arith.mulf %get3A_1193, %mul3A_1194 : vector<16xf32>
      %swap3A_1196 = arith.index_cast %add3A_1037 : i32 to index
      %swap3A_1197 = arith.constant 96 : index
      %swap3A_1198 = tpu.vector_load %arg9[%swap3A_1196, %swap3A_1197] {strides = array<i32>} : memref<128x128xf32, #tpu.memory_space<vmem>>, vector<1x16xf32>,
      %swap3A_1199 = vector.shape_cast %swap3A_1198 : vector<1x16xf32> to vector<16xf32>
      %swap3A_1200 = vector.shape_cast %mul3A_1195 : vector<16xf32> to vector<1x16xf32>
      tpu.vector_store %arg9[%swap3A_1196, %swap3A_1197], %swap3A_1200 {strides = array<i32>} : memref<128x128xf32, #tpu.memory_space<vmem>>, vector<1x16xf32>,
      %get3A_1201 = arith.index_cast %add3A_1037 : i32 to index
      %get3A_1202 = arith.constant 112 : index
      %get3A_1203 = tpu.vector_load %arg9[%get3A_1201, %get3A_1202] {strides = array<i32>} : memref<128x128xf32, #tpu.memory_space<vmem>>, vector<1x16xf32>,
      %get3A_1204 = vector.shape_cast %get3A_1203 : vector<1x16xf32> to vector<16xf32>
      %mul3A_1205 = vector.broadcast %scan3A_1003 : f32 to vector<16xf32>
      %mul3A_1206 = arith.mulf %get3A_1204, %mul3A_1205 : vector<16xf32>
      %swap3A_1207 = arith.index_cast %add3A_1037 : i32 to index
      %swap3A_1208 = arith.constant 112 : index
      %swap3A_1209 = tpu.vector_load %arg9[%swap3A_1207, %swap3A_1208] {strides = array<i32>} : memref<128x128xf32, #tpu.memory_space<vmem>>, vector<1x16xf32>,
      %swap3A_1210 = vector.shape_cast %swap3A_1209 : vector<1x16xf32> to vector<16xf32>
      %swap3A_1211 = vector.shape_cast %mul3A_1206 : vector<16xf32> to vector<1x16xf32>
      tpu.vector_store %arg9[%swap3A_1207, %swap3A_1208], %swap3A_1211 {strides = array<i32>} : memref<128x128xf32, #tpu.memory_space<vmem>>, vector<1x16xf32>,
    }
    %scan3A_1008 = arith.constant 64 : i32
    %add3A_1009 = arith.constant 384 : i32
    %add3A_1010 = arith.addi %mul3A_2, %add3A_1009 : i32
    %dma_start3A_1011 = arith.constant 0 : i32
    %dma_start3A_1012 = tpu.memref_slice %arg4[%add3A_1010, %dma_start3A_1011] : memref<16384x128xf32, #tpu.memory_space<hbm>> -> memref<128x128xf32, #tpu.memory_space<hbm>>
    %dma_start3A_1013 = arith.constant 0 : i32
    %dma_start3A_1014 = tpu.memref_slice %arg4[%add3A_1010, %dma_start3A_1013] : memref<16384x128xf32, #tpu.memory_space<hbm>> -> memref<128x128xf32, #tpu.memory_space<hbm>>
    tpu.enqueue_dma source(%arg9 : memref<128x128xf32, #tpu.memory_space<vmem>>) target(%dma_start3A_1014 : memref<128x128xf32, #tpu.memory_space<hbm>>) target_semaphore(%arg14 : memref<!tpu.dma_semaphore, #tpu.memory_space<semaphore_mem>>)
    %dma_wait3A_1015 = arith.constant 0 : i32
    %dma_wait3A_1016 = tpu.memref_slice %arg4[%add3A_635, %dma_wait3A_1015] : memref<16384x128xf32, #tpu.memory_space<hbm>> -> memref<128x128xf32, #tpu.memory_space<hbm>>
    %dma_wait3A_1017 = arith.constant 0 : i32
    %dma_wait3A_1018 = tpu.memref_slice %arg4[%add3A_635, %dma_wait3A_1017] : memref<16384x128xf32, #tpu.memory_space<hbm>> -> memref<128x128xf32, #tpu.memory_space<hbm>>
    tpu.wait_dma2 semaphore(%arg14 : memref<!tpu.dma_semaphore, #tpu.memory_space<semaphore_mem>>) src(%arg6 : memref<128x128xf32, #tpu.memory_space<vmem>>) dst(%dma_wait3A_1018 : memref<128x128xf32, #tpu.memory_space<hbm>>)
    %dma_wait3A_1019 = arith.constant 0 : i32
    %dma_wait3A_1020 = tpu.memref_slice %arg4[%add3A_760, %dma_wait3A_1019] : memref<16384x128xf32, #tpu.memory_space<hbm>> -> memref<128x128xf32, #tpu.memory_space<hbm>>
    %dma_wait3A_1021 = arith.constant 0 : i32
    %dma_wait3A_1022 = tpu.memref_slice %arg4[%add3A_760, %dma_wait3A_1021] : memref<16384x128xf32, #tpu.memory_space<hbm>> -> memref<128x128xf32, #tpu.memory_space<hbm>>
    tpu.wait_dma2 semaphore(%arg14 : memref<!tpu.dma_semaphore, #tpu.memory_space<semaphore_mem>>) src(%arg7 : memref<128x128xf32, #tpu.memory_space<vmem>>) dst(%dma_wait3A_1022 : memref<128x128xf32, #tpu.memory_space<hbm>>)
    %dma_wait3A_1023 = arith.constant 0 : i32
    %dma_wait3A_1024 = tpu.memref_slice %arg4[%add3A_885, %dma_wait3A_1023] : memref<16384x128xf32, #tpu.memory_space<hbm>> -> memref<128x128xf32, #tpu.memory_space<hbm>>
    %dma_wait3A_1025 = arith.constant 0 : i32
    %dma_wait3A_1026 = tpu.memref_slice %arg4[%add3A_885, %dma_wait3A_1025] : memref<16384x128xf32, #tpu.memory_space<hbm>> -> memref<128x128xf32, #tpu.memory_space<hbm>>
    tpu.wait_dma2 semaphore(%arg14 : memref<!tpu.dma_semaphore, #tpu.memory_space<semaphore_mem>>) src(%arg8 : memref<128x128xf32, #tpu.memory_space<vmem>>) dst(%dma_wait3A_1026 : memref<128x128xf32, #tpu.memory_space<hbm>>)
    %dma_wait3A_1027 = arith.constant 0 : i32
    %dma_wait3A_1028 = tpu.memref_slice %arg4[%add3A_1010, %dma_wait3A_1027] : memref<16384x128xf32, #tpu.memory_space<hbm>> -> memref<128x128xf32, #tpu.memory_space<hbm>>
    %dma_wait3A_1029 = arith.constant 0 : i32
    %dma_wait3A_1030 = tpu.memref_slice %arg4[%add3A_1010, %dma_wait3A_1029] : memref<16384x128xf32, #tpu.memory_space<hbm>> -> memref<128x128xf32, #tpu.memory_space<hbm>>
    tpu.wait_dma2 semaphore(%arg14 : memref<!tpu.dma_semaphore, #tpu.memory_space<semaphore_mem>>) src(%arg9 : memref<128x128xf32, #tpu.memory_space<vmem>>) dst(%dma_wait3A_1030 : memref<128x128xf32, #tpu.memory_space<hbm>>)
    return
  }
}

</mosaic_0001>

<sc_bundles>
// kernel: kernel.3.cloned.1.call-start
scs
__scs_entry_jumppad:
0x0: {  	(pc) =	sbr.rel $0x88, $3  }
0x1: {  	(tag) =	ssettag $0x0;
	lr =	simm.s32 $0x1  }
0x2: {  	[smem:$0x3F9F] =	sst lr;
	_ =	strace $0xD0000000  }
0x3: {  	_ = 	snop  }
0x4: {  	_ = 	snop  }
0x5: {  	_ = 	snop  }
0x6: {  	_ = 	snop  }
0x7: {  	_ = 	snop  }
__scs_overlays_trampoline_lowered:
0x8: {  	[smem:$0x3FAE] =	sst s0  }
0x9: {  	[smem:$0x3FAF] =	sst s1  }
0xa: {  	[smem:$0x3FB0] =	sst s2  }
0xb: {  	[smem:$0x3FB1] =	sst s3  }
0xc: {  	[smem:$0x3FB2] =	sst s4  }
0xd: {  	[smem:$0x3FB3] =	sst s5  }
0xe: {  	[smem:$0x3FB4] =	sst s6  }
0xf: {  	[smem:$0x3FB5] =	sst s7  }
0x10: {  	[smem:$0x3FB6] =	sst s8  }
0x11: {  	[smem:$0x3FB7] =	sst s9;
	s0 =	simm.s32 @!p0 $0x0  }
0x12: {  	s1 =	sld [smem:$0x3F9D];
	s0 =	simm.s32 @p0 $0x1  }
0x13: {  	[smem:$0x3FB8] =	sst s0;
	s0 =	simm.s32 @!p1 $0x0  }
0x14: {  	s2 =	sld [smem:$0x3F9C];
	s0 =	simm.s32 @p1 $0x1  }
0x15: {  	[smem:$0x3FB9] =	sst s0;
	s0 =	simm.s32 @!p2 $0x0  }
0x16: {  	s3 =	sld [smem:$0x3FDB];
	s0 =	simm.s32 @p2 $0x1  }
0x17: {  	s4 =	simm.s32 $0x1BF5;
	[smem:$0x3FBB] =	sst s0  }
0x18: {  	s0 =	sld [smem:$0x3F9E];
	_ =	swait.ge [sflag:s4], $0x0  }
0x19: {  	s7 =	sld [smem:$0x3F9F]  }
0x1a: {  	s8 =	sadd.s32 $0xFFFFE003, lr  }
0x1b: {  	s9 =	sadd.s32 $0xFFFFFEF7, lr;
	s5 =	simm.s32 $0xFFFFFFFF;
	p2 =	slt.u32 s8, $0xFFFFF086  }
0x1c: {  	p1 =	slt.u32 s9, $0xF7A;
	s5 =	simm.s32 @!p2 $0x0  }
0x1d: {  	s5 =	simm.s32 @p1 $0x1;
	p0 =	seq.s32 s7, s2  }
0x1e: {  	s7 =	smul.u32 @!p0 $0xF7A, s2;
	p2 =	seq.s32 @!p0 s5, $0x0  }
0x1f: {  	s9 =	smul.u32 $0xF7A, s1;
	s8 =	simm.s32 @!p0 $0x1BF5;
	p2 =	por !p2, p0  }
0x20: {  	[sflag:s8] =	ssyncset.s32 @!p0 $0xFFFFF086;
	s6 =	sadd.s32 @!p0 s3, s7;
	s7 =	simm.s32 @!p0 $0x108  }
0x21: {  	s3 =	sadd.s32 s3, s9;
	s6 =	sadd.s32 @!p0 $0x88, s6;
	s7 =	simm.s32 @p2 $0x1082  }
0x22: {  	[simem:s7], [sflag:s8] =	dma.local @!p0 [hbm:s6], $0xF7A  }
0x23: {  	s9 =	sor.u32 $0xD0000000, s2;
	s6 =	simm.s32 $0x108;
	_ =	swait.ge @!p0 [sflag:s8], $0x0  }
0x24: {  	s3 =	sadd.s32 $0x88, s3;
	s6 =	simm.s32 @!p1 $0x1082;
	[sflag:s4] =	ssyncset.s32 $0xFFFFF086  }
0x25: {  	[simem:s6], [sflag:s4] =	dma.local [hbm:s3], $0xF7A  }
0x26: {  	[smem:$0x3F9F] =	sst s1;
	(tag) =	ssettag s2;
	_ =	strace s9  }
0x27: {  	s1 =	sld [smem:$0x3FAF]  }
0x28: {  	s2 =	sld [smem:$0x3FB0]  }
0x29: {  	s4 =	sld [smem:$0x3FB2]  }
0x2a: {  	p0 =	seq.s32 s5, $0x0;
	s5 =	sld [smem:$0x3FB3]  }
0x2b: {  	s6 =	sld [smem:$0x3FB4]  }
0x2c: {  	s7 =	sld [smem:$0x3FB5]  }
0x2d: {  	s3 =	simm.s32 $0x108;
	s8 =	sld [smem:$0x3FB6]  }
0x2e: {  	s3 =	simm.s32 @!p0 $0x1082;
	s9 =	sld [smem:$0x3FB7]  }
0x2f: {  	lr =	sadd.s32 s0, s3;
	s0 =	sld [smem:$0x3FAE]  }
0x30: {  	s3 =	sld [smem:$0x3FB1]  }
0x31: {  	[smem:$0x3FBA] =	sst s10  }
0x32: {  	s10 =	sld [smem:$0x3FB8];
	_ =	sdelay $0x3  }
0x33: {  	p0 =	seq.s32 s10, $0x1;
	s10 =	sld [smem:$0x3FBA];
	_ =	sdelay $0x3  }
0x34: {  	[smem:$0x3FBA] =	sst s10  }
0x35: {  	s10 =	sld [smem:$0x3FB9];
	_ =	sdelay $0x3  }
0x36: {  	p1 =	seq.s32 s10, $0x1;
	s10 =	sld [smem:$0x3FBA];
	_ =	sdelay $0x3  }
0x37: {  	[smem:$0x3FBA] =	sst s10  }
0x38: {  	s10 =	sld [smem:$0x3FBB]  }
0x39: {  	_ = 	snop;
	(pc) =	sbr.ind lr, $3  }
0x3a: {  	_ = 	snop  }
0x3b: {  	_ = 	snop  }
0x3c: {  	p2 =	seq.s32 s10, $0x1;
	s10 =	sld [smem:$0x3FBA]  }
0x3d: {  	_ =	shalt  }
0x3e: {  	_ =	shalt  }
0x3f: {  	_ =	shalt  }
0x40: {  	_ =	shalt  }
0x41: {  	_ =	shalt  }
0x42: {  	_ =	shalt  }
0x43: {  	_ =	shalt  }
0x44: {  	_ =	shalt  }
0x45: {  	_ =	shalt  }
0x46: {  	_ =	shalt  }
0x47: {  	_ =	shalt  }
0x48: {  	_ =	shalt  }
0x49: {  	_ =	shalt  }
0x4a: {  	_ =	shalt  }
0x4b: {  	_ =	shalt  }
0x4c: {  	_ =	shalt  }
0x4d: {  	_ =	shalt  }
0x4e: {  	_ =	shalt  }
0x4f: {  	_ =	shalt  }
0x50: {  	_ =	shalt  }
0x51: {  	_ =	shalt  }
0x52: {  	_ =	shalt  }
0x53: {  	_ =	shalt  }
0x54: {  	_ =	shalt  }
0x55: {  	_ =	shalt  }
0x56: {  	_ =	shalt  }
0x57: {  	_ =	shalt  }
0x58: {  	_ =	shalt  }
0x59: {  	_ =	shalt  }
0x5a: {  	_ =	shalt  }
0x5b: {  	_ =	shalt  }
0x5c: {  	_ =	shalt  }
0x5d: {  	_ =	shalt  }
0x5e: {  	_ =	shalt  }
0x5f: {  	_ =	shalt  }
0x60: {  	_ =	shalt  }
0x61: {  	_ =	shalt  }
0x62: {  	_ =	shalt  }
0x63: {  	_ =	shalt  }
0x64: {  	_ =	shalt  }
0x65: {  	_ =	shalt  }
0x66: {  	_ =	shalt  }
0x67: {  	_ =	shalt  }
0x68: {  	_ =	shalt  }
0x69: {  	_ =	shalt  }
0x6a: {  	_ =	shalt  }
0x6b: {  	_ =	shalt  }
0x6c: {  	_ =	shalt  }
0x6d: {  	_ =	shalt  }
0x6e: {  	_ =	shalt  }
0x6f: {  	_ =	shalt  }
0x70: {  	_ =	shalt  }
0x71: {  	_ =	shalt  }
0x72: {  	_ =	shalt  }
0x73: {  	_ =	shalt  }
0x74: {  	_ =	shalt  }
0x75: {  	_ =	shalt  }
0x76: {  	_ =	shalt  }
0x77: {  	_ =	shalt  }
0x78: {  	_ =	shalt  }
0x79: {  	_ =	shalt  }
0x7a: {  	_ =	shalt  }
0x7b: {  	_ =	shalt  }
0x7c: {  	_ =	shalt  }
0x7d: {  	_ =	shalt  }
0x7e: {  	_ =	shalt  }
0x7f: {  	_ =	shalt  }
0x80: {  	_ =	shalt  }
0x81: {  	_ =	shalt  }
0x82: {  	_ =	shalt  }
0x83: {  	_ =	shalt  }
0x84: {  	_ =	shalt  }
0x85: {  	_ =	shalt  }
0x86: {  	_ =	shalt  }
0x87: {  	_ =	shalt  }
.Lfunc_end0:
.L_simem_size_0:
called_computation_lowered:
.L_overlay_start_0:
0x88: {  	s2 =	sld [smem:$0x3FD9]  }
0x89: {  	s3 =	sld [smem:$0x3FFE];
	_ =	sdelay $0x1  }
0x8a: {  	s1 =	srdreg.scid  }
0x8b: {  	s0 =	sand.u32 $0x1, s1  }
0x8c: {  	s18 =	sshll.u32 s0, $0xA;
	s2 =	sadd.s32 s3, s2  }
0x8d: {  	s2 =	sadd.s32 s2, s18  }
0x8e: {  	[smem:$0x3FC6] =	sst s2  }
0x8f: {  	_ = 	snop  }
0x90: {  	s2 =	sld [smem:$0x3FC9]  }
0x91: {  	s19 =	sld [smem:$0x3FC8]  }
0x92: {  	s4 =	sld [smem:$0x3FD0];
	(tm) =	ssettm $0x1  }
0x93: {  	s5 =	sld [smem:$0x3FFB];
	_ =	sdelay $0x3  }
0x94: {  	_ =	strace s5  }
0x95: {  	s5 =	sld [smem:$0x3FFC];
	_ =	sdelay $0x3  }
0x96: {  	_ =	strace s5  }
0x97: {  	s5 =	sld [smem:$0x3FFD];
	_ =	sdelay $0x3  }
0x98: {  	_ =	strace s5  }
0x99: {  	_ =	strace $0x8FFFFFFF  }
0x9a: {  	s20 =	sld [smem:$0x3FDB];
	_ =	sdelay $0x1  }
0x9b: {  	s6 =	simm.s32 $_scs_section_size  }
0x9c: {  	s7 =	simm.s32 $_size__tile_overlayer_lowered;
	s8 =	simm.s32 $_tile_overlayer_lowered  }
0x9d: {  	s23 =	simm.s32 $0x1BFF;
	s22 =	sshll.u32 s8, $0x1;
	s5 =	sadd.s32 s6, s20  }
0x9e: {  	s9 =	simm.s32 $0x0;
	s21 =	sshll.u32 s7, $0x1;
	s7 =	sadd.s32 s22, s5  }
0x9f: {  	[timem:s9], [sflag:s23] =	dma.local [hbm:s7], s21  }
0xa0: {  	_ =	swait.ge [sflag:s23], s21  }
0xa1: {  	s6 =	ssub.s32 $0x0, s21;
	[sflag:s23] =	ssyncset.done $0x0  }
0xa2: {  	[sflag:s23] =	ssyncadd.s32 s6;
	_ =	sdelay $0x1  }
0xa3: {  	s24 =	simm.s32 $0x1B8B  }
0xa4: {  	_ =	swait.ge [sflag:s24], $0x1  }
0xa5: {  	[sflag:s24] =	ssyncset.done $0x0  }
0xa6: {  	s25 =	simm.s32 $0x1B8E;
	[sflag:s24] =	ssyncadd.s32 $0xFFFFFFFF  }
0xa7: {  	s26 =	simm.s32 $execute0_lowered;
	[smem:$0x3FD2] =	sst s25  }
0xa8: {  	s6 =	sshll.u32 s26, $0x1;
	_ =	strace $0x80000046;
	[dreg:$0x1] =	wrdreg $0xFFFFFFFF  }
0xa9: {  	s28 =	simm.s32 $_size_execute0_lowered;
	s5 =	sadd.s32 s5, s6;
	[dreg:$0x0] =	wrdreg $0x0  }
0xaa: {  	s6 =	sshll.u32 s28, $0x1;
	[dreg:$0x2] =	wrdreg s5  }
0xab: {  	[dreg:$0x3] =	wrdreg s6  }
0xac: {  	[dreg:$0x4] =	wrdreg $0xC0  }
0xad: {  	_ =	task [dreg:s9], $0x5FFFF  }
0xae: {  	[dreg:$0x1] =	wrdreg $0xFFFFFFFF  }
0xaf: {  	[dreg:$0x0] =	wrdreg $0x60  }
0xb0: {  	[dreg:$0x2] =	wrdreg s2  }
0xb1: {  	[dreg:$0x3] =	wrdreg s19  }
0xb2: {  	[dreg:$0x4] =	wrdreg s4  }
0xb3: {  	[dreg:$0x5] =	wrdreg $0x9  }
0xb4: {  	_ =	task.clear_ibuf [dreg:s9], $0x6FFFF;
	_ =	strace $0x90000046  }
0xb5: {  	s29 =	simm.s32 $0x9;
	_ =	strace $0x80000048  }
0xb6: {  	_ =	swait.ge [sflag:s29], $0x1  }
0xb7: {  	[sflag:s29] =	ssyncadd.s32 $0xFFFFFFFF  }
0xb8: {  	_ =	strace $0x90000048  }
0xb9: {  	_ =	sfence  }
0xba: {  	s30 =	sld [smem:$0x0];
	_ =	sdelay $0x2  }
0xbb: {  	s31 =	sshll.u32 s1, $0xD;
	s1 =	sshrl.u32 s1, $0x2  }
0xbc: {  	s3 =	sand.u32 $0x4000, s31;
	s1 =	sadd.s32 s1, s30  }
0xbd: {  	s0 =	sor.u32 s3, s0;
	s1 =	sshll.u32 s1, $0x11  }
0xbe: {  	s0 =	sor.u32 s1, s0  }
0xbf: {  	s0 =	sadd.s32 $0x8F2B, s0  }
0xc0: {  	[sflag:s0] =	ssyncadd.remote.s32 $0x1  }
0xc1: {  	_ =	sfence.sel $0xFFFF  }
0xc2: {  	[dreg:$0x0] =	wrdreg $0xFFFFFFFF;
	(pc) =	sbr.abs _section_cstart, $3  }
0xc3: {  	[dreg:$0x1] =	wrdreg $0xFFFFFFFF  }
0xc4: {  	_ =	task.clear_ibuf [dreg:s9], $0x2FFFF;
	_ =	strace $0x9FFFFFFF  }
0xc5: {  	(tm) =	ssettm $0x7FFFFFFF  }
tec
execute0_lowered:
.L_overlay_start_1:
0x0: {  	(tag) =	ssettag $0x1  }
0x1: {  	s0 =	rddreg [dreg:$0x0]  }
0x2: {  	s1 =	rddreg [dreg:$0x1]  }
0x3: {  	s2 =	rddreg [dreg:$0x2];
	s4 =	srdreg.scid;
	s3 =	simm.s32 $0x0  }
0x4: {  	s7 =	stileid.u32;
	s12 =	simm.s32 $0x1000;
	s13 =	simm.s32 $0x5  }
0x5: {  	s14 =	simm.s32 $0x80;
	s15 =	simm.s32 $0x2000;
	s30 =	simm.s32 $0x400  }
0x6: {  	s31 =	simm.s32 $0x1400;
	s16 =	simm.s32 $0xA000;
	s20 =	simm.s32 $0xE000  }
0x7: {  	s19 =	simm.s32 $0x1E00;
	s21 =	simm.s32 $0x1E80;
	s22 =	simm.s32 $0x1F00  }
0x8: {  	s23 =	simm.s32 $0x1F80;
	s28 =	simm.s32 $0x4;
	s4 =	sand.u32 $0x1, s4  }
0x9: {  	s29 =	simm.s32 $0x0;
	[smem:$0x7FF] =	sst s3;
	s5 =	ssub.s32 $0x2, s4  }
0xa: {  	s7 =	sshll.u32 s7, $0xA;
	s4 =	sshll.u32 s4, $0x9;
	s6 =	sshrl.u32 s5, $0x1  }
0xb: {  	_ =	strace $0x80000047;
	s24 =	sor.u32 s4, s7;
	s10 =	ssub.s32 s5, s6  }
0xc: {  	s4 =	sadd.s32 s0, s24;
	s7 =	sor.u32 $0x80, s24;
	s25 =	sshll.u32 s24, $0x4  }
0xd: {  	s24 =	simm.s32 $0x1;
	s5 =	sadd.s32 s0, s7;
	s6 =	sadd.s32 s2, s25  }
0xe: {  	s26 =	sshll.u32 s7, $0x4;
	s10 =	smax.u32 s10, $0x1;
	s11 =	sadd.s32 $0x4000, s4  }
0xf: {  	s0 =	simm.s32 $0x6000;
	s25 =	simm.s32 $0x2;
	s7 =	sadd.s32 s2, s26  }
0x10: {  	v0 =	vimm.f32 $0.0e+00;
	s8 =	sadd.s32 $0x1000, s6;
	s9 =	sadd.s32 $0x1800, s6;
	s26 =	simm.s32 $0x3  }
.LBB2_1:
0x11: {  	[tilespmem:s3], [sflag:$0x5] =	stream.linear.gather [hbm4b:s4+s3], $0x400, $0x38;
	[tilespmem:$0x12000] =	vst v63  }
0x12: {  	s2 =	simm.s32 $0x0;
	s17 =	simm.s32 $0x200  }
0x13: {  	[tilespmem:s12], [sflag:$0x5] =	stream.linear.gather [hbm4b:s11+s3], $0x400, $0x38;
	[tilespmem:$0x12000] =	vst v63  }
.LBB2_2:
0x14: {  	p0 =	sne.s32 s17, $0xFE00;
	[tilespmem:s2+$0x2070] =	vst v0  }
0x15: {  	[tilespmem:s2+$0x2000] =	vst v0  }
0x16: {  	[tilespmem:s2+$0x2010] =	vst v0  }
.Ltmp0:
0x17: {  	[tilespmem:s2+$0x2020] =	vst v0;
	(pc) =	sbr.rel @p0 .LBB2_2-.Ltmp0, $4  }
0x18: {  	[tilespmem:s2+$0x2030] =	vst v0  }
0x19: {  	[tilespmem:s2+$0x2040] =	vst v0  }
0x1a: {  	[tilespmem:s2+$0x2050] =	vst v0  }
0x1b: {  	[tilespmem:s2+$0x2060] =	vst v0;
	s2 =	sshra.s32 s17, $0x2;
	s17 =	sadd.s32 $0x200, s17  }
0x1c: {  	[tilespmem:s2+$0x2070] =	vst v0  }
0x1d: {  	[tilespmem:s2+$0x2000] =	vst v0  }
0x1e: {  	[tilespmem:s2+$0x2010] =	vst v0  }
0x1f: {  	[tilespmem:s2+$0x2020] =	vst v0  }
0x20: {  	[tilespmem:s2+$0x2030] =	vst v0  }
0x21: {  	[tilespmem:s2+$0x2040] =	vst v0  }
0x22: {  	[tilespmem:s2+$0x2050] =	vst v0  }
0x23: {  	[tilespmem:s2+$0x2060] =	vst v0  }
0x24: {  	_ =	swait.ge [sflag:s13], $0x800  }
0x25: {  	[sflag:s13] =	ssyncset.done $0x0  }
0x26: {  	s2 =	simm.s32 $0x0;
	[sflag:s13] =	ssyncadd.s32 $0xFFFFF800  }
0x27: {  	[tilespmem:s15], [sflag:$0x1] =	stream.indirect.gather.add.f32 [hbm:s1], $0x80, s2, s14, $0xb8;
	[tilespmem:$0x12000] =	vst v63  }
0x28: {  	_ = 	snop  }
0x29: {  	[tilespmem:s15], [sflag:$0x1] =	stream.indirect.gather.add.f32 [hbm:s1], $0x80, s14, s14, $0xb8;
	[tilespmem:$0x12000] =	vst v63  }
0x2a: {  	s17 =	simm.s32 $0x100  }
0x2b: {  	[tilespmem:s15], [sflag:$0x1] =	stream.indirect.gather.add.f32 [hbm:s1], $0x80, s17, s14, $0xb8;
	[tilespmem:$0x12000] =	vst v63  }
0x2c: {  	s18 =	simm.s32 $0x180  }
0x2d: {  	[tilespmem:s15], [sflag:$0x1] =	stream.indirect.gather.add.f32 [hbm:s1], $0x80, s18, s14, $0xb8;
	[tilespmem:$0x12000] =	vst v63  }
0x2e: {  	s18 =	simm.s32 $0x200  }
0x2f: {  	[tilespmem:s15], [sflag:$0x1] =	stream.indirect.gather.add.f32 [hbm:s1], $0x80, s18, s14, $0xb8;
	[tilespmem:$0x12000] =	vst v63  }
0x30: {  	s18 =	simm.s32 $0x280  }
0x31: {  	[tilespmem:s15], [sflag:$0x1] =	stream.indirect.gather.add.f32 [hbm:s1], $0x80, s18, s14, $0xb8;
	[tilespmem:$0x12000] =	vst v63  }
0x32: {  	s18 =	simm.s32 $0x300  }
0x33: {  	[tilespmem:s15], [sflag:$0x1] =	stream.indirect.gather.add.f32 [hbm:s1], $0x80, s18, s14, $0xb8;
	[tilespmem:$0x12000] =	vst v63  }
0x34: {  	s18 =	simm.s32 $0x380  }
0x35: {  	[tilespmem:s15], [sflag:$0x1] =	stream.indirect.gather.add.f32 [hbm:s1], $0x80, s18, s14, $0xb8;
	[tilespmem:$0x12000] =	vst v63  }
0x36: {  	_ = 	snop  }
0x37: {  	[tilespmem:s15], [sflag:$0x1] =	stream.indirect.gather.add.f32 [hbm:s1], $0x80, s12, s14, $0xb8;
	[tilespmem:$0x12000] =	vst v63  }
0x38: {  	s18 =	simm.s32 $0x1080  }
0x39: {  	[tilespmem:s15], [sflag:$0x1] =	stream.indirect.gather.add.f32 [hbm:s1], $0x80, s18, s14, $0xb8;
	[tilespmem:$0x12000] =	vst v63  }
0x3a: {  	s18 =	simm.s32 $0x1100  }
0x3b: {  	[tilespmem:s15], [sflag:$0x1] =	stream.indirect.gather.add.f32 [hbm:s1], $0x80, s18, s14, $0xb8;
	[tilespmem:$0x12000] =	vst v63  }
0x3c: {  	s18 =	simm.s32 $0x1180  }
0x3d: {  	[tilespmem:s15], [sflag:$0x1] =	stream.indirect.gather.add.f32 [hbm:s1], $0x80, s18, s14, $0xb8;
	[tilespmem:$0x12000] =	vst v63  }
0x3e: {  	s18 =	simm.s32 $0x1200  }
0x3f: {  	[tilespmem:s15], [sflag:$0x1] =	stream.indirect.gather.add.f32 [hbm:s1], $0x80, s18, s14, $0xb8;
	[tilespmem:$0x12000] =	vst v63  }
0x40: {  	s18 =	simm.s32 $0x1280  }
0x41: {  	[tilespmem:s15], [sflag:$0x1] =	stream.indirect.gather.add.f32 [hbm:s1], $0x80, s18, s14, $0xb8;
	[tilespmem:$0x12000] =	vst v63  }
0x42: {  	s18 =	simm.s32 $0x1300  }
0x43: {  	[tilespmem:s15], [sflag:$0x1] =	stream.indirect.gather.add.f32 [hbm:s1], $0x80, s18, s14, $0xb8;
	[tilespmem:$0x12000] =	vst v63  }
0x44: {  	s18 =	simm.s32 $0x1380  }
0x45: {  	[tilespmem:s15], [sflag:$0x1] =	stream.indirect.gather.add.f32 [hbm:s1], $0x80, s18, s14, $0xb8;
	[tilespmem:$0x12000] =	vst v63  }
0x46: {  	_ = 	snop  }
0x47: {  	[tilespmem:s30], [sflag:$0x5] =	stream.linear.gather [hbm4b:s5+s2], $0xC00, $0x38;
	[tilespmem:$0x12000] =	vst v63  }
0x48: {  	s18 =	sadd.s32 $0x4000, s5  }
0x49: {  	[tilespmem:s31], [sflag:$0x5] =	stream.linear.gather [hbm4b:s18+s2], $0xC00, $0x38;
	[tilespmem:$0x12000] =	vst v63  }
0x4a: {  	s17 =	simm.s32 $0x200;
	s2 =	simm.s32 $0x0  }
.LBB2_4:
0x4b: {  	p0 =	sne.s32 s17, $0xFE00;
	[tilespmem:s2+$0x6070] =	vst v0  }
0x4c: {  	[tilespmem:s2+$0x6000] =	vst v0  }
0x4d: {  	[tilespmem:s2+$0x6010] =	vst v0  }
.Ltmp1:
0x4e: {  	[tilespmem:s2+$0x6020] =	vst v0;
	(pc) =	sbr.rel @p0 .LBB2_4-.Ltmp1, $4  }
0x4f: {  	[tilespmem:s2+$0x6030] =	vst v0  }
0x50: {  	[tilespmem:s2+$0x6040] =	vst v0  }
0x51: {  	[tilespmem:s2+$0x6050] =	vst v0  }
0x52: {  	[tilespmem:s2+$0x6060] =	vst v0;
	s2 =	sshra.s32 s17, $0x2;
	s17 =	sadd.s32 $0x200, s17  }
0x53: {  	[tilespmem:s2+$0x6070] =	vst v0  }
0x54: {  	[tilespmem:s2+$0x6000] =	vst v0  }
0x55: {  	[tilespmem:s2+$0x6010] =	vst v0  }
0x56: {  	[tilespmem:s2+$0x6020] =	vst v0  }
0x57: {  	[tilespmem:s2+$0x6030] =	vst v0  }
0x58: {  	[tilespmem:s2+$0x6040] =	vst v0  }
0x59: {  	[tilespmem:s2+$0x6050] =	vst v0  }
0x5a: {  	[tilespmem:s2+$0x6060] =	vst v0  }
0x5b: {  	_ =	swait.ge [sflag:s13], $0x1800  }
0x5c: {  	[sflag:s13] =	ssyncset.done $0x0  }
0x5d: {  	[sflag:s13] =	ssyncadd.s32 $0xFFFFE800  }
0x5e: {  	[tilespmem:s0], [sflag:$0x2] =	stream.indirect.gather.add.f32 [hbm:s1], $0x80, s30, s14, $0xb8;
	[tilespmem:$0x12000] =	vst v63  }
0x5f: {  	s17 =	simm.s32 $0x480  }
0x60: {  	[tilespmem:s0], [sflag:$0x2] =	stream.indirect.gather.add.f32 [hbm:s1], $0x80, s17, s14, $0xb8;
	[tilespmem:$0x12000] =	vst v63  }
0x61: {  	s18 =	simm.s32 $0x500  }
0x62: {  	[tilespmem:s0], [sflag:$0x2] =	stream.indirect.gather.add.f32 [hbm:s1], $0x80, s18, s14, $0xb8;
	[tilespmem:$0x12000] =	vst v63  }
0x63: {  	s17 =	simm.s32 $0x580  }
0x64: {  	[tilespmem:s0], [sflag:$0x2] =	stream.indirect.gather.add.f32 [hbm:s1], $0x80, s17, s14, $0xb8;
	[tilespmem:$0x12000] =	vst v63  }
0x65: {  	s18 =	simm.s32 $0x600  }
0x66: {  	[tilespmem:s0], [sflag:$0x2] =	stream.indirect.gather.add.f32 [hbm:s1], $0x80, s18, s14, $0xb8;
	[tilespmem:$0x12000] =	vst v63  }
0x67: {  	s17 =	simm.s32 $0x680  }
0x68: {  	[tilespmem:s0], [sflag:$0x2] =	stream.indirect.gather.add.f32 [hbm:s1], $0x80, s17, s14, $0xb8;
	[tilespmem:$0x12000] =	vst v63  }
0x69: {  	s18 =	simm.s32 $0x700  }
0x6a: {  	[tilespmem:s0], [sflag:$0x2] =	stream.indirect.gather.add.f32 [hbm:s1], $0x80, s18, s14, $0xb8;
	[tilespmem:$0x12000] =	vst v63  }
0x6b: {  	s17 =	simm.s32 $0x780  }
0x6c: {  	[tilespmem:s0], [sflag:$0x2] =	stream.indirect.gather.add.f32 [hbm:s1], $0x80, s17, s14, $0xb8;
	[tilespmem:$0x12000] =	vst v63  }
0x6d: {  	_ = 	snop  }
0x6e: {  	[tilespmem:s0], [sflag:$0x2] =	stream.indirect.gather.add.f32 [hbm:s1], $0x80, s31, s14, $0xb8;
	[tilespmem:$0x12000] =	vst v63  }
0x6f: {  	s18 =	simm.s32 $0x1480  }
0x70: {  	[tilespmem:s0], [sflag:$0x2] =	stream.indirect.gather.add.f32 [hbm:s1], $0x80, s18, s14, $0xb8;
	[tilespmem:$0x12000] =	vst v63  }
0x71: {  	s17 =	simm.s32 $0x1500  }
0x72: {  	[tilespmem:s0], [sflag:$0x2] =	stream.indirect.gather.add.f32 [hbm:s1], $0x80, s17, s14, $0xb8;
	[tilespmem:$0x12000] =	vst v63  }
0x73: {  	s18 =	simm.s32 $0x1580  }
0x74: {  	[tilespmem:s0], [sflag:$0x2] =	stream.indirect.gather.add.f32 [hbm:s1], $0x80, s18, s14, $0xb8;
	[tilespmem:$0x12000] =	vst v63  }
0x75: {  	s17 =	simm.s32 $0x1600  }
0x76: {  	[tilespmem:s0], [sflag:$0x2] =	stream.indirect.gather.add.f32 [hbm:s1], $0x80, s17, s14, $0xb8;
	[tilespmem:$0x12000] =	vst v63  }
0x77: {  	s18 =	simm.s32 $0x1680  }
0x78: {  	[tilespmem:s0], [sflag:$0x2] =	stream.indirect.gather.add.f32 [hbm:s1], $0x80, s18, s14, $0xb8;
	[tilespmem:$0x12000] =	vst v63  }
0x79: {  	s17 =	simm.s32 $0x1700  }
0x7a: {  	[tilespmem:s0], [sflag:$0x2] =	stream.indirect.gather.add.f32 [hbm:s1], $0x80, s17, s14, $0xb8;
	[tilespmem:$0x12000] =	vst v63  }
0x7b: {  	s2 =	simm.s32 $0x0;
	s18 =	simm.s32 $0x1780;
	s17 =	simm.s32 $0x200  }
0x7c: {  	[tilespmem:s0], [sflag:$0x2] =	stream.indirect.gather.add.f32 [hbm:s1], $0x80, s18, s14, $0xb8;
	[tilespmem:$0x12000] =	vst v63  }
.LBB2_6:
0x7d: {  	p0 =	sne.s32 s17, $0xFE00;
	[tilespmem:s2+$0xA070] =	vst v0  }
0x7e: {  	[tilespmem:s2+$0xA000] =	vst v0  }
0x7f: {  	[tilespmem:s2+$0xA010] =	vst v0  }
.Ltmp2:
0x80: {  	[tilespmem:s2+$0xA020] =	vst v0;
	(pc) =	sbr.rel @p0 .LBB2_6-.Ltmp2, $4  }
0x81: {  	[tilespmem:s2+$0xA030] =	vst v0  }
0x82: {  	[tilespmem:s2+$0xA040] =	vst v0  }
0x83: {  	[tilespmem:s2+$0xA050] =	vst v0  }
0x84: {  	[tilespmem:s2+$0xA060] =	vst v0;
	s2 =	sshra.s32 s17, $0x2;
	s17 =	sadd.s32 $0x200, s17  }
0x85: {  	[tilespmem:s2+$0xA070] =	vst v0  }
0x86: {  	[tilespmem:s2+$0xA000] =	vst v0  }
0x87: {  	[tilespmem:s2+$0xA010] =	vst v0  }
0x88: {  	[tilespmem:s2+$0xA020] =	vst v0  }
0x89: {  	[tilespmem:s2+$0xA030] =	vst v0  }
0x8a: {  	[tilespmem:s2+$0xA040] =	vst v0  }
0x8b: {  	[tilespmem:s2+$0xA050] =	vst v0  }
0x8c: {  	[tilespmem:s2+$0xA060] =	vst v0;
	s17 =	simm.s32 $0x800  }
0x8d: {  	[tilespmem:s16], [sflag:$0x3] =	stream.indirect.gather.add.f32 [hbm:s1], $0x80, s17, s14, $0xb8;
	[tilespmem:$0x12000] =	vst v63  }
0x8e: {  	s18 =	simm.s32 $0x880  }
0x8f: {  	[tilespmem:s16], [sflag:$0x3] =	stream.indirect.gather.add.f32 [hbm:s1], $0x80, s18, s14, $0xb8;
	[tilespmem:$0x12000] =	vst v63  }
0x90: {  	s17 =	simm.s32 $0x900  }
0x91: {  	[tilespmem:s16], [sflag:$0x3] =	stream.indirect.gather.add.f32 [hbm:s1], $0x80, s17, s14, $0xb8;
	[tilespmem:$0x12000] =	vst v63  }
0x92: {  	s18 =	simm.s32 $0x980  }
0x93: {  	[tilespmem:s16], [sflag:$0x3] =	stream.indirect.gather.add.f32 [hbm:s1], $0x80, s18, s14, $0xb8;
	[tilespmem:$0x12000] =	vst v63  }
0x94: {  	s17 =	simm.s32 $0xA00  }
0x95: {  	[tilespmem:s16], [sflag:$0x3] =	stream.indirect.gather.add.f32 [hbm:s1], $0x80, s17, s14, $0xb8;
	[tilespmem:$0x12000] =	vst v63  }
0x96: {  	s18 =	simm.s32 $0xA80  }
0x97: {  	[tilespmem:s16], [sflag:$0x3] =	stream.indirect.gather.add.f32 [hbm:s1], $0x80, s18, s14, $0xb8;
	[tilespmem:$0x12000] =	vst v63  }
0x98: {  	s17 =	simm.s32 $0xB00  }
0x99: {  	[tilespmem:s16], [sflag:$0x3] =	stream.indirect.gather.add.f32 [hbm:s1], $0x80, s17, s14, $0xb8;
	[tilespmem:$0x12000] =	vst v63  }
0x9a: {  	s18 =	simm.s32 $0xB80  }
0x9b: {  	[tilespmem:s16], [sflag:$0x3] =	stream.indirect.gather.add.f32 [hbm:s1], $0x80, s18, s14, $0xb8;
	[tilespmem:$0x12000] =	vst v63  }
0x9c: {  	s17 =	simm.s32 $0x1800  }
0x9d: {  	[tilespmem:s16], [sflag:$0x3] =	stream.indirect.gather.add.f32 [hbm:s1], $0x80, s17, s14, $0xb8;
	[tilespmem:$0x12000] =	vst v63  }
0x9e: {  	s18 =	simm.s32 $0x1880  }
0x9f: {  	[tilespmem:s16], [sflag:$0x3] =	stream.indirect.gather.add.f32 [hbm:s1], $0x80, s18, s14, $0xb8;
	[tilespmem:$0x12000] =	vst v63  }
0xa0: {  	s17 =	simm.s32 $0x1900  }
0xa1: {  	[tilespmem:s16], [sflag:$0x3] =	stream.indirect.gather.add.f32 [hbm:s1], $0x80, s17, s14, $0xb8;
	[tilespmem:$0x12000] =	vst v63  }
0xa2: {  	s18 =	simm.s32 $0x1980  }
0xa3: {  	[tilespmem:s16], [sflag:$0x3] =	stream.indirect.gather.add.f32 [hbm:s1], $0x80, s18, s14, $0xb8;
	[tilespmem:$0x12000] =	vst v63  }
0xa4: {  	s17 =	simm.s32 $0x1A00  }
0xa5: {  	[tilespmem:s16], [sflag:$0x3] =	stream.indirect.gather.add.f32 [hbm:s1], $0x80, s17, s14, $0xb8;
	[tilespmem:$0x12000] =	vst v63  }
0xa6: {  	s18 =	simm.s32 $0x1A80  }
0xa7: {  	[tilespmem:s16], [sflag:$0x3] =	stream.indirect.gather.add.f32 [hbm:s1], $0x80, s18, s14, $0xb8;
	[tilespmem:$0x12000] =	vst v63  }
0xa8: {  	s17 =	simm.s32 $0x1B00  }
0xa9: {  	[tilespmem:s16], [sflag:$0x3] =	stream.indirect.gather.add.f32 [hbm:s1], $0x80, s17, s14, $0xb8;
	[tilespmem:$0x12000] =	vst v63  }
0xaa: {  	s2 =	simm.s32 $0x0;
	s18 =	simm.s32 $0x1B80;
	s17 =	simm.s32 $0x200  }
0xab: {  	[tilespmem:s16], [sflag:$0x3] =	stream.indirect.gather.add.f32 [hbm:s1], $0x80, s18, s14, $0xb8;
	[tilespmem:$0x12000] =	vst v63  }
.LBB2_8:
0xac: {  	p0 =	sne.s32 s17, $0xFE00;
	[tilespmem:s2+$0xE070] =	vst v0  }
0xad: {  	[tilespmem:s2+$0xE000] =	vst v0  }
0xae: {  	[tilespmem:s2+$0xE010] =	vst v0  }
.Ltmp3:
0xaf: {  	[tilespmem:s2+$0xE020] =	vst v0;
	(pc) =	sbr.rel @p0 .LBB2_8-.Ltmp3, $4  }
0xb0: {  	[tilespmem:s2+$0xE030] =	vst v0  }
0xb1: {  	[tilespmem:s2+$0xE040] =	vst v0  }
0xb2: {  	[tilespmem:s2+$0xE050] =	vst v0  }
0xb3: {  	[tilespmem:s2+$0xE060] =	vst v0;
	s2 =	sshra.s32 s17, $0x2;
	s17 =	sadd.s32 $0x200, s17  }
0xb4: {  	[tilespmem:s2+$0xE070] =	vst v0  }
0xb5: {  	[tilespmem:s2+$0xE000] =	vst v0  }
0xb6: {  	[tilespmem:s2+$0xE010] =	vst v0  }
0xb7: {  	[tilespmem:s2+$0xE020] =	vst v0  }
0xb8: {  	[tilespmem:s2+$0xE030] =	vst v0  }
0xb9: {  	[tilespmem:s2+$0xE040] =	vst v0  }
0xba: {  	[tilespmem:s2+$0xE050] =	vst v0  }
0xbb: {  	[tilespmem:s2+$0xE060] =	vst v0;
	s17 =	simm.s32 $0xC00  }
0xbc: {  	[tilespmem:s20], [sflag:$0x4] =	stream.indirect.gather.add.f32 [hbm:s1], $0x80, s17, s14, $0xb8;
	[tilespmem:$0x12000] =	vst v63  }
0xbd: {  	s18 =	simm.s32 $0xC80  }
0xbe: {  	[tilespmem:s20], [sflag:$0x4] =	stream.indirect.gather.add.f32 [hbm:s1], $0x80, s18, s14, $0xb8;
	[tilespmem:$0x12000] =	vst v63  }
0xbf: {  	s17 =	simm.s32 $0xD00  }
0xc0: {  	[tilespmem:s20], [sflag:$0x4] =	stream.indirect.gather.add.f32 [hbm:s1], $0x80, s17, s14, $0xb8;
	[tilespmem:$0x12000] =	vst v63  }
0xc1: {  	s18 =	simm.s32 $0xD80  }
0xc2: {  	[tilespmem:s20], [sflag:$0x4] =	stream.indirect.gather.add.f32 [hbm:s1], $0x80, s18, s14, $0xb8;
	[tilespmem:$0x12000] =	vst v63  }
0xc3: {  	s17 =	simm.s32 $0xE00  }
0xc4: {  	[tilespmem:s20], [sflag:$0x4] =	stream.indirect.gather.add.f32 [hbm:s1], $0x80, s17, s14, $0xb8;
	[tilespmem:$0x12000] =	vst v63  }
0xc5: {  	s18 =	simm.s32 $0xE80  }
0xc6: {  	[tilespmem:s20], [sflag:$0x4] =	stream.indirect.gather.add.f32 [hbm:s1], $0x80, s18, s14, $0xb8;
	[tilespmem:$0x12000] =	vst v63  }
0xc7: {  	s17 =	simm.s32 $0xF00  }
0xc8: {  	[tilespmem:s20], [sflag:$0x4] =	stream.indirect.gather.add.f32 [hbm:s1], $0x80, s17, s14, $0xb8;
	[tilespmem:$0x12000] =	vst v63  }
0xc9: {  	s18 =	simm.s32 $0xF80  }
0xca: {  	[tilespmem:s20], [sflag:$0x4] =	stream.indirect.gather.add.f32 [hbm:s1], $0x80, s18, s14, $0xb8;
	[tilespmem:$0x12000] =	vst v63  }
0xcb: {  	s17 =	simm.s32 $0x1C00  }
0xcc: {  	[tilespmem:s20], [sflag:$0x4] =	stream.indirect.gather.add.f32 [hbm:s1], $0x80, s17, s14, $0xb8;
	[tilespmem:$0x12000] =	vst v63  }
0xcd: {  	s18 =	simm.s32 $0x1C80  }
0xce: {  	[tilespmem:s20], [sflag:$0x4] =	stream.indirect.gather.add.f32 [hbm:s1], $0x80, s18, s14, $0xb8;
	[tilespmem:$0x12000] =	vst v63  }
0xcf: {  	s17 =	simm.s32 $0x1D00  }
0xd0: {  	[tilespmem:s20], [sflag:$0x4] =	stream.indirect.gather.add.f32 [hbm:s1], $0x80, s17, s14, $0xb8;
	[tilespmem:$0x12000] =	vst v63  }
0xd1: {  	s18 =	simm.s32 $0x1D80  }
0xd2: {  	[tilespmem:s20], [sflag:$0x4] =	stream.indirect.gather.add.f32 [hbm:s1], $0x80, s18, s14, $0xb8;
	[tilespmem:$0x12000] =	vst v63  }
0xd3: {  	_ = 	snop  }
0xd4: {  	[tilespmem:s20], [sflag:$0x4] =	stream.indirect.gather.add.f32 [hbm:s1], $0x80, s19, s14, $0xb8;
	[tilespmem:$0x12000] =	vst v63  }
0xd5: {  	_ = 	snop  }
0xd6: {  	[tilespmem:s20], [sflag:$0x4] =	stream.indirect.gather.add.f32 [hbm:s1], $0x80, s21, s14, $0xb8;
	[tilespmem:$0x12000] =	vst v63  }
0xd7: {  	_ = 	snop  }
0xd8: {  	[tilespmem:s20], [sflag:$0x4] =	stream.indirect.gather.add.f32 [hbm:s1], $0x80, s22, s14, $0xb8;
	[tilespmem:$0x12000] =	vst v63  }
0xd9: {  	_ = 	snop  }
0xda: {  	[tilespmem:s20], [sflag:$0x4] =	stream.indirect.gather.add.f32 [hbm:s1], $0x80, s23, s14, $0xb8;
	[tilespmem:$0x12000] =	vst v63  }
0xdb: {  	_ =	swait.ge [sflag:s24], $0x4000  }
0xdc: {  	[sflag:s24] =	ssyncset.done $0x0  }
0xdd: {  	[sflag:s24] =	ssyncadd.s32 $0xFFFFC000  }
0xde: {  	_ =	swait.ge [sflag:s24], $0x4000  }
0xdf: {  	[sflag:s24] =	ssyncset.done $0x0  }
0xe0: {  	[sflag:s24] =	ssyncadd.s32 $0xFFFFC000  }
0xe1: {  	_ =	swait.ge [sflag:s24], $0x4000  }
0xe2: {  	[sflag:s24] =	ssyncset.done $0x0  }
0xe3: {  	[sflag:s24] =	ssyncadd.s32 $0xFFFFC000  }
0xe4: {  	_ =	swait.ge [sflag:s24], $0x4000  }
0xe5: {  	[sflag:s24] =	ssyncset.done $0x0  }
0xe6: {  	[sflag:s24] =	ssyncadd.s32 $0xFFFFC000  }
0xe7: {  	_ =	swait.ge [sflag:s24], $0x4000  }
0xe8: {  	[sflag:s24] =	ssyncset.done $0x0  }
0xe9: {  	[sflag:s24] =	ssyncadd.s32 $0xFFFFC000  }
0xea: {  	_ =	swait.ge [sflag:s24], $0x4000  }
0xeb: {  	[sflag:s24] =	ssyncset.done $0x0  }
0xec: {  	[sflag:s24] =	ssyncadd.s32 $0xFFFFC000  }
0xed: {  	_ =	swait.ge [sflag:s24], $0x4000  }
0xee: {  	[sflag:s24] =	ssyncset.done $0x0  }
0xef: {  	[sflag:s24] =	ssyncadd.s32 $0xFFFFC000  }
0xf0: {  	_ =	swait.ge [sflag:s24], $0x4000  }
0xf1: {  	[sflag:s24] =	ssyncset.done $0x0  }
0xf2: {  	[sflag:s24] =	ssyncadd.s32 $0xFFFFC000  }
0xf3: {  	_ =	swait.ge [sflag:s24], $0x4000  }
0xf4: {  	[sflag:s24] =	ssyncset.done $0x0  }
0xf5: {  	[sflag:s24] =	ssyncadd.s32 $0xFFFFC000  }
0xf6: {  	_ =	swait.ge [sflag:s24], $0x4000  }
0xf7: {  	[sflag:s24] =	ssyncset.done $0x0  }
0xf8: {  	[sflag:s24] =	ssyncadd.s32 $0xFFFFC000  }
0xf9: {  	_ =	swait.ge [sflag:s24], $0x4000  }
0xfa: {  	[sflag:s24] =	ssyncset.done $0x0  }
0xfb: {  	[sflag:s24] =	ssyncadd.s32 $0xFFFFC000  }
0xfc: {  	_ =	swait.ge [sflag:s24], $0x4000  }
0xfd: {  	[sflag:s24] =	ssyncset.done $0x0  }
0xfe: {  	[sflag:s24] =	ssyncadd.s32 $0xFFFFC000  }
0xff: {  	_ =	swait.ge [sflag:s24], $0x4000  }
0x100: {  	[sflag:s24] =	ssyncset.done $0x0  }
0x101: {  	[sflag:s24] =	ssyncadd.s32 $0xFFFFC000  }
0x102: {  	_ =	swait.ge [sflag:s24], $0x4000  }
0x103: {  	[sflag:s24] =	ssyncset.done $0x0  }
0x104: {  	[sflag:s24] =	ssyncadd.s32 $0xFFFFC000  }
0x105: {  	_ =	swait.ge [sflag:s24], $0x4000  }
0x106: {  	[sflag:s24] =	ssyncset.done $0x0  }
0x107: {  	[sflag:s24] =	ssyncadd.s32 $0xFFFFC000  }
0x108: {  	_ =	swait.ge [sflag:s24], $0x4000  }
0x109: {  	[sflag:s24] =	ssyncset.done $0x0  }
0x10a: {  	s2 =	simm.s32 $0x0;
	[sflag:s24] =	ssyncadd.s32 $0xFFFFC000  }
0x10b: {  	v1 =	vld [tilespmem:s2+$0x2000]  }
0x10c: {  	v2 =	vld [tilespmem:s2+$0x2010]  }
0x10d: {  	v3 =	vld [tilespmem:s2+$0x2020]  }
0x10e: {  	v4 =	vld [tilespmem:s2+$0x2030]  }
0x10f: {  	v5 =	vld [tilespmem:s2+$0x2040]  }
0x110: {  	v6 =	vld [tilespmem:s2+$0x2050];
	v1 =	vmul.f32 $6.250000000e-02, v1  }
0x111: {  	v7 =	vld [tilespmem:s2+$0x2060];
	v2 =	vmul.f32 $6.250000000e-02, v2  }
0x112: {  	v8 =	vld [tilespmem:s2+$0x2070];
	[tilespmem:s2+$0x2000] =	vst v1;
	v1 =	vmul.f32 $6.250000000e-02, v3  }
0x113: {  	v9 =	vld [tilespmem:s2+$0x2080];
	[tilespmem:s2+$0x2010] =	vst v2;
	v2 =	vmul.f32 $6.250000000e-02, v4  }
0x114: {  	v10 =	vld [tilespmem:s2+$0x2090];
	[tilespmem:s2+$0x2020] =	vst v1;
	v1 =	vmul.f32 $6.250000000e-02, v5  }
0x115: {  	v3 =	vmul.f32 $6.250000000e-02, v6;
	[tilespmem:s2+$0x2030] =	vst v2;
	v2 =	vld [tilespmem:s2+$0x20A0]  }
0x116: {  	v4 =	vmul.f32 $6.250000000e-02, v7;
	[tilespmem:s2+$0x2040] =	vst v1;
	v1 =	vld [tilespmem:s2+$0x20B0]  }
0x117: {  	[tilespmem:s2+$0x2050] =	vst v3;
	v3 =	vld [tilespmem:s2+$0x20C0];
	v5 =	vmul.f32 $6.250000000e-02, v8  }
0x118: {  	v7 =	vmul.f32 $6.250000000e-02, v9;
	[tilespmem:s2+$0x2060] =	vst v4;
	v4 =	vld [tilespmem:s2+$0x20D0]  }
0x119: {  	s17 =	simm.s32 $0x400;
	v6 =	vmul.f32 $6.250000000e-02, v10;
	[tilespmem:s2+$0x2070] =	vst v5;
	v5 =	vld [tilespmem:s2+$0x20E0]  }
.LBB2_10:
0x11a: {  	s18 =	sshra.s32 s17, $0x2;
	p0 =	sne.s32 s17, $0xFC00;
	[tilespmem:s2+$0x2080] =	vst v7;
	v2 =	vmul.f32 $6.250000000e-02, v2;
	v7 =	vld [tilespmem:s2+$0x20F0]  }
0x11b: {  	v8 =	vld [tilespmem:s18+$0x2000];
	[tilespmem:s2+$0x2090] =	vst v6;
	v1 =	vmul.f32 $6.250000000e-02, v1  }
0x11c: {  	v6 =	vld [tilespmem:s18+$0x2010];
	[tilespmem:s2+$0x20A0] =	vst v2;
	v2 =	vmul.f32 $6.250000000e-02, v3  }
0x11d: {  	v3 =	vld [tilespmem:s18+$0x2020];
	[tilespmem:s2+$0x20B0] =	vst v1;
	v1 =	vmul.f32 $6.250000000e-02, v4  }
0x11e: {  	v4 =	vld [tilespmem:s18+$0x2030];
	[tilespmem:s2+$0x20C0] =	vst v2;
	v2 =	vmul.f32 $6.250000000e-02, v5  }
0x11f: {  	v5 =	vld [tilespmem:s18+$0x2040];
	[tilespmem:s2+$0x20D0] =	vst v1;
	v1 =	vmul.f32 $6.250000000e-02, v7  }
0x120: {  	v7 =	vmul.f32 $6.250000000e-02, v8;
	v8 =	vld [tilespmem:s18+$0x2050];
	[tilespmem:s2+$0x20E0] =	vst v2  }
0x121: {  	v2 =	vmul.f32 $6.250000000e-02, v6;
	v6 =	vld [tilespmem:s18+$0x2060];
	[tilespmem:s2+$0x20F0] =	vst v1;
	s2 =	smov.u32 s18  }
0x122: {  	[tilespmem:s2+$0x2000] =	vst v7;
	v1 =	vmul.f32 $6.250000000e-02, v3;
	v3 =	vld [tilespmem:s2+$0x2070]  }
0x123: {  	[tilespmem:s2+$0x2010] =	vst v2;
	v2 =	vmul.f32 $6.250000000e-02, v4;
	v4 =	vld [tilespmem:s2+$0x2080]  }
0x124: {  	[tilespmem:s2+$0x2020] =	vst v1;
	v1 =	vmul.f32 $6.250000000e-02, v5;
	v5 =	vld [tilespmem:s2+$0x2090]  }
.Ltmp4:
0x125: {  	[tilespmem:s2+$0x2030] =	vst v2;
	v7 =	vmul.f32 $6.250000000e-02, v8;
	v2 =	vld [tilespmem:s2+$0x20A0];
	(pc) =	sbr.rel @p0 .LBB2_10-.Ltmp4, $4  }
0x126: {  	[tilespmem:s2+$0x2040] =	vst v1;
	v6 =	vmul.f32 $6.250000000e-02, v6;
	v1 =	vld [tilespmem:s2+$0x20B0]  }
0x127: {  	[tilespmem:s2+$0x2050] =	vst v7;
	v8 =	vmul.f32 $6.250000000e-02, v3;
	v3 =	vld [tilespmem:s2+$0x20C0]  }
0x128: {  	[tilespmem:s2+$0x2060] =	vst v6;
	v7 =	vmul.f32 $6.250000000e-02, v4;
	v4 =	vld [tilespmem:s2+$0x20D0]  }
0x129: {  	s17 =	sadd.s32 $0x400, s17;
	[tilespmem:s2+$0x2070] =	vst v8;
	v6 =	vmul.f32 $6.250000000e-02, v5;
	v5 =	vld [tilespmem:s2+$0x20E0]  }
0x12a: {  	[tilespmem:s2+$0x2080] =	vst v7;
	v2 =	vmul.f32 $6.250000000e-02, v2;
	v7 =	vld [tilespmem:s2+$0x20F0]  }
0x12b: {  	[tilespmem:s2+$0x2090] =	vst v6;
	v1 =	vmul.f32 $6.250000000e-02, v1  }
0x12c: {  	[tilespmem:s2+$0x20A0] =	vst v2;
	v2 =	vmul.f32 $6.250000000e-02, v3  }
0x12d: {  	[tilespmem:s2+$0x20B0] =	vst v1;
	v1 =	vmul.f32 $6.250000000e-02, v4  }
0x12e: {  	[tilespmem:s2+$0x20C0] =	vst v2;
	v2 =	vmul.f32 $6.250000000e-02, v5  }
0x12f: {  	[tilespmem:s2+$0x20D0] =	vst v1;
	v1 =	vmul.f32 $6.250000000e-02, v7  }
0x130: {  	[tilespmem:s2+$0x20E0] =	vst v2  }
0x131: {  	s18 =	simm.s32 $0x0;
	[tilespmem:s2+$0x20F0] =	vst v1  }
0x132: {  	[hbm4b:s6+s18] =	stream.linear.scatter [tilespmem:s15], [sflag:$0x5], $0x4000, $0x38;
	[tilespmem:$0x12000] =	vst v63  }
0x133: {  	_ =	swait.ge [sflag:s25], $0x4000  }
0x134: {  	[sflag:s25] =	ssyncset.done $0x0  }
0x135: {  	[sflag:s25] =	ssyncadd.s32 $0xFFFFC000  }
0x136: {  	_ =	swait.ge [sflag:s25], $0x4000  }
0x137: {  	[sflag:s25] =	ssyncset.done $0x0  }
0x138: {  	[sflag:s25] =	ssyncadd.s32 $0xFFFFC000  }
0x139: {  	_ =	swait.ge [sflag:s25], $0x4000  }
0x13a: {  	[sflag:s25] =	ssyncset.done $0x0  }
0x13b: {  	[sflag:s25] =	ssyncadd.s32 $0xFFFFC000  }
0x13c: {  	_ =	swait.ge [sflag:s25], $0x4000  }
0x13d: {  	[sflag:s25] =	ssyncset.done $0x0  }
0x13e: {  	[sflag:s25] =	ssyncadd.s32 $0xFFFFC000  }
0x13f: {  	_ =	swait.ge [sflag:s25], $0x4000  }
0x140: {  	[sflag:s25] =	ssyncset.done $0x0  }
0x141: {  	[sflag:s25] =	ssyncadd.s32 $0xFFFFC000  }
0x142: {  	_ =	swait.ge [sflag:s25], $0x4000  }
0x143: {  	[sflag:s25] =	ssyncset.done $0x0  }
0x144: {  	[sflag:s25] =	ssyncadd.s32 $0xFFFFC000  }
0x145: {  	_ =	swait.ge [sflag:s25], $0x4000  }
0x146: {  	[sflag:s25] =	ssyncset.done $0x0  }
0x147: {  	[sflag:s25] =	ssyncadd.s32 $0xFFFFC000  }
0x148: {  	_ =	swait.ge [sflag:s25], $0x4000  }
0x149: {  	[sflag:s25] =	ssyncset.done $0x0  }
0x14a: {  	[sflag:s25] =	ssyncadd.s32 $0xFFFFC000  }
0x14b: {  	_ =	swait.ge [sflag:s25], $0x4000  }
0x14c: {  	[sflag:s25] =	ssyncset.done $0x0  }
0x14d: {  	[sflag:s25] =	ssyncadd.s32 $0xFFFFC000  }
0x14e: {  	_ =	swait.ge [sflag:s25], $0x4000  }
0x14f: {  	[sflag:s25] =	ssyncset.done $0x0  }
0x150: {  	[sflag:s25] =	ssyncadd.s32 $0xFFFFC000  }
0x151: {  	_ =	swait.ge [sflag:s25], $0x4000  }
0x152: {  	[sflag:s25] =	ssyncset.done $0x0  }
0x153: {  	[sflag:s25] =	ssyncadd.s32 $0xFFFFC000  }
0x154: {  	_ =	swait.ge [sflag:s25], $0x4000  }
0x155: {  	[sflag:s25] =	ssyncset.done $0x0  }
0x156: {  	[sflag:s25] =	ssyncadd.s32 $0xFFFFC000  }
0x157: {  	_ =	swait.ge [sflag:s25], $0x4000  }
0x158: {  	[sflag:s25] =	ssyncset.done $0x0  }
0x159: {  	[sflag:s25] =	ssyncadd.s32 $0xFFFFC000  }
0x15a: {  	_ =	swait.ge [sflag:s25], $0x4000  }
0x15b: {  	[sflag:s25] =	ssyncset.done $0x0  }
0x15c: {  	[sflag:s25] =	ssyncadd.s32 $0xFFFFC000  }
0x15d: {  	_ =	swait.ge [sflag:s25], $0x4000  }
0x15e: {  	[sflag:s25] =	ssyncset.done $0x0  }
0x15f: {  	[sflag:s25] =	ssyncadd.s32 $0xFFFFC000  }
0x160: {  	_ =	swait.ge [sflag:s25], $0x4000  }
0x161: {  	[sflag:s25] =	ssyncset.done $0x0  }
0x162: {  	s2 =	simm.s32 $0x0;
	[sflag:s25] =	ssyncadd.s32 $0xFFFFC000  }
0x163: {  	v1 =	vld [tilespmem:s2+$0x6000]  }
0x164: {  	v2 =	vld [tilespmem:s2+$0x6010]  }
0x165: {  	v3 =	vld [tilespmem:s2+$0x6020]  }
0x166: {  	v4 =	vld [tilespmem:s2+$0x6030]  }
0x167: {  	v5 =	vld [tilespmem:s2+$0x6040]  }
0x168: {  	v6 =	vld [tilespmem:s2+$0x6050];
	v1 =	vmul.f32 $6.250000000e-02, v1  }
0x169: {  	v7 =	vld [tilespmem:s2+$0x6060];
	v2 =	vmul.f32 $6.250000000e-02, v2  }
0x16a: {  	v8 =	vld [tilespmem:s2+$0x6070];
	[tilespmem:s2+$0x6000] =	vst v1;
	v1 =	vmul.f32 $6.250000000e-02, v3  }
0x16b: {  	v9 =	vld [tilespmem:s2+$0x6080];
	[tilespmem:s2+$0x6010] =	vst v2;
	v2 =	vmul.f32 $6.250000000e-02, v4  }
0x16c: {  	v10 =	vld [tilespmem:s2+$0x6090];
	[tilespmem:s2+$0x6020] =	vst v1;
	v1 =	vmul.f32 $6.250000000e-02, v5  }
0x16d: {  	v3 =	vmul.f32 $6.250000000e-02, v6;
	[tilespmem:s2+$0x6030] =	vst v2;
	v2 =	vld [tilespmem:s2+$0x60A0]  }
0x16e: {  	v4 =	vmul.f32 $6.250000000e-02, v7;
	[tilespmem:s2+$0x6040] =	vst v1;
	v1 =	vld [tilespmem:s2+$0x60B0]  }
0x16f: {  	[tilespmem:s2+$0x6050] =	vst v3;
	v3 =	vld [tilespmem:s2+$0x60C0];
	v5 =	vmul.f32 $6.250000000e-02, v8  }
0x170: {  	v7 =	vmul.f32 $6.250000000e-02, v9;
	[tilespmem:s2+$0x6060] =	vst v4;
	v4 =	vld [tilespmem:s2+$0x60D0]  }
0x171: {  	s17 =	simm.s32 $0x400;
	v6 =	vmul.f32 $6.250000000e-02, v10;
	[tilespmem:s2+$0x6070] =	vst v5;
	v5 =	vld [tilespmem:s2+$0x60E0]  }
.LBB2_12:
0x172: {  	s18 =	sshra.s32 s17, $0x2;
	p0 =	sne.s32 s17, $0xFC00;
	[tilespmem:s2+$0x6080] =	vst v7;
	v2 =	vmul.f32 $6.250000000e-02, v2;
	v7 =	vld [tilespmem:s2+$0x60F0]  }
0x173: {  	v8 =	vld [tilespmem:s18+$0x6000];
	[tilespmem:s2+$0x6090] =	vst v6;
	v1 =	vmul.f32 $6.250000000e-02, v1  }
0x174: {  	v6 =	vld [tilespmem:s18+$0x6010];
	[tilespmem:s2+$0x60A0] =	vst v2;
	v2 =	vmul.f32 $6.250000000e-02, v3  }
0x175: {  	v3 =	vld [tilespmem:s18+$0x6020];
	[tilespmem:s2+$0x60B0] =	vst v1;
	v1 =	vmul.f32 $6.250000000e-02, v4  }
0x176: {  	v4 =	vld [tilespmem:s18+$0x6030];
	[tilespmem:s2+$0x60C0] =	vst v2;
	v2 =	vmul.f32 $6.250000000e-02, v5  }
0x177: {  	v5 =	vld [tilespmem:s18+$0x6040];
	[tilespmem:s2+$0x60D0] =	vst v1;
	v1 =	vmul.f32 $6.250000000e-02, v7  }
0x178: {  	v7 =	vmul.f32 $6.250000000e-02, v8;
	v8 =	vld [tilespmem:s18+$0x6050];
	[tilespmem:s2+$0x60E0] =	vst v2  }
0x179: {  	v2 =	vmul.f32 $6.250000000e-02, v6;
	v6 =	vld [tilespmem:s18+$0x6060];
	[tilespmem:s2+$0x60F0] =	vst v1;
	s2 =	smov.u32 s18  }
0x17a: {  	[tilespmem:s2+$0x6000] =	vst v7;
	v1 =	vmul.f32 $6.250000000e-02, v3;
	v3 =	vld [tilespmem:s2+$0x6070]  }
0x17b: {  	[tilespmem:s2+$0x6010] =	vst v2;
	v2 =	vmul.f32 $6.250000000e-02, v4;
	v4 =	vld [tilespmem:s2+$0x6080]  }
0x17c: {  	[tilespmem:s2+$0x6020] =	vst v1;
	v1 =	vmul.f32 $6.250000000e-02, v5;
	v5 =	vld [tilespmem:s2+$0x6090]  }
.Ltmp5:
0x17d: {  	[tilespmem:s2+$0x6030] =	vst v2;
	v7 =	vmul.f32 $6.250000000e-02, v8;
	v2 =	vld [tilespmem:s2+$0x60A0];
	(pc) =	sbr.rel @p0 .LBB2_12-.Ltmp5, $4  }
0x17e: {  	[tilespmem:s2+$0x6040] =	vst v1;
	v6 =	vmul.f32 $6.250000000e-02, v6;
	v1 =	vld [tilespmem:s2+$0x60B0]  }
0x17f: {  	[tilespmem:s2+$0x6050] =	vst v7;
	v8 =	vmul.f32 $6.250000000e-02, v3;
	v3 =	vld [tilespmem:s2+$0x60C0]  }
0x180: {  	[tilespmem:s2+$0x6060] =	vst v6;
	v7 =	vmul.f32 $6.250000000e-02, v4;
	v4 =	vld [tilespmem:s2+$0x60D0]  }
0x181: {  	s17 =	sadd.s32 $0x400, s17;
	[tilespmem:s2+$0x6070] =	vst v8;
	v6 =	vmul.f32 $6.250000000e-02, v5;
	v5 =	vld [tilespmem:s2+$0x60E0]  }
0x182: {  	[tilespmem:s2+$0x6080] =	vst v7;
	v2 =	vmul.f32 $6.250000000e-02, v2;
	v7 =	vld [tilespmem:s2+$0x60F0]  }
0x183: {  	[tilespmem:s2+$0x6090] =	vst v6;
	v1 =	vmul.f32 $6.250000000e-02, v1  }
0x184: {  	[tilespmem:s2+$0x60A0] =	vst v2;
	v2 =	vmul.f32 $6.250000000e-02, v3  }
0x185: {  	[tilespmem:s2+$0x60B0] =	vst v1;
	v1 =	vmul.f32 $6.250000000e-02, v4  }
0x186: {  	[tilespmem:s2+$0x60C0] =	vst v2;
	v2 =	vmul.f32 $6.250000000e-02, v5  }
0x187: {  	[tilespmem:s2+$0x60D0] =	vst v1;
	v1 =	vmul.f32 $6.250000000e-02, v7  }
0x188: {  	[tilespmem:s2+$0x60E0] =	vst v2  }
0x189: {  	s18 =	simm.s32 $0x0;
	[tilespmem:s2+$0x60F0] =	vst v1  }
0x18a: {  	[hbm4b:s7+s18] =	stream.linear.scatter [tilespmem:s0], [sflag:$0x5], $0x4000, $0x38;
	[tilespmem:$0x12000] =	vst v63  }
0x18b: {  	_ =	swait.ge [sflag:s26], $0x4000  }
0x18c: {  	[sflag:s26] =	ssyncset.done $0x0  }
0x18d: {  	[sflag:s26] =	ssyncadd.s32 $0xFFFFC000  }
0x18e: {  	_ =	swait.ge [sflag:s26], $0x4000  }
0x18f: {  	[sflag:s26] =	ssyncset.done $0x0  }
0x190: {  	[sflag:s26] =	ssyncadd.s32 $0xFFFFC000  }
0x191: {  	_ =	swait.ge [sflag:s26], $0x4000  }
0x192: {  	[sflag:s26] =	ssyncset.done $0x0  }
0x193: {  	[sflag:s26] =	ssyncadd.s32 $0xFFFFC000  }
0x194: {  	_ =	swait.ge [sflag:s26], $0x4000  }
0x195: {  	[sflag:s26] =	ssyncset.done $0x0  }
0x196: {  	[sflag:s26] =	ssyncadd.s32 $0xFFFFC000  }
0x197: {  	_ =	swait.ge [sflag:s26], $0x4000  }
0x198: {  	[sflag:s26] =	ssyncset.done $0x0  }
0x199: {  	[sflag:s26] =	ssyncadd.s32 $0xFFFFC000  }
0x19a: {  	_ =	swait.ge [sflag:s26], $0x4000  }
0x19b: {  	[sflag:s26] =	ssyncset.done $0x0  }
0x19c: {  	[sflag:s26] =	ssyncadd.s32 $0xFFFFC000  }
0x19d: {  	_ =	swait.ge [sflag:s26], $0x4000  }
0x19e: {  	[sflag:s26] =	ssyncset.done $0x0  }
0x19f: {  	[sflag:s26] =	ssyncadd.s32 $0xFFFFC000  }
0x1a0: {  	_ =	swait.ge [sflag:s26], $0x4000  }
0x1a1: {  	[sflag:s26] =	ssyncset.done $0x0  }
0x1a2: {  	[sflag:s26] =	ssyncadd.s32 $0xFFFFC000  }
0x1a3: {  	_ =	swait.ge [sflag:s26], $0x4000  }
0x1a4: {  	[sflag:s26] =	ssyncset.done $0x0  }
0x1a5: {  	[sflag:s26] =	ssyncadd.s32 $0xFFFFC000  }
0x1a6: {  	_ =	swait.ge [sflag:s26], $0x4000  }
0x1a7: {  	[sflag:s26] =	ssyncset.done $0x0  }
0x1a8: {  	[sflag:s26] =	ssyncadd.s32 $0xFFFFC000  }
0x1a9: {  	_ =	swait.ge [sflag:s26], $0x4000  }
0x1aa: {  	[sflag:s26] =	ssyncset.done $0x0  }
0x1ab: {  	[sflag:s26] =	ssyncadd.s32 $0xFFFFC000  }
0x1ac: {  	_ =	swait.ge [sflag:s26], $0x4000  }
0x1ad: {  	[sflag:s26] =	ssyncset.done $0x0  }
0x1ae: {  	[sflag:s26] =	ssyncadd.s32 $0xFFFFC000  }
0x1af: {  	_ =	swait.ge [sflag:s26], $0x4000  }
0x1b0: {  	[sflag:s26] =	ssyncset.done $0x0  }
0x1b1: {  	[sflag:s26] =	ssyncadd.s32 $0xFFFFC000  }
0x1b2: {  	_ =	swait.ge [sflag:s26], $0x4000  }
0x1b3: {  	[sflag:s26] =	ssyncset.done $0x0  }
0x1b4: {  	[sflag:s26] =	ssyncadd.s32 $0xFFFFC000  }
0x1b5: {  	_ =	swait.ge [sflag:s26], $0x4000  }
0x1b6: {  	[sflag:s26] =	ssyncset.done $0x0  }
0x1b7: {  	[sflag:s26] =	ssyncadd.s32 $0xFFFFC000  }
0x1b8: {  	_ =	swait.ge [sflag:s26], $0x4000  }
0x1b9: {  	[sflag:s26] =	ssyncset.done $0x0  }
0x1ba: {  	s2 =	simm.s32 $0x0;
	[sflag:s26] =	ssyncadd.s32 $0xFFFFC000  }
0x1bb: {  	v1 =	vld [tilespmem:s2+$0xA000]  }
0x1bc: {  	v2 =	vld [tilespmem:s2+$0xA010]  }
0x1bd: {  	v3 =	vld [tilespmem:s2+$0xA020]  }
0x1be: {  	v4 =	vld [tilespmem:s2+$0xA030]  }
0x1bf: {  	v5 =	vld [tilespmem:s2+$0xA040]  }
0x1c0: {  	v6 =	vld [tilespmem:s2+$0xA050];
	v1 =	vmul.f32 $6.250000000e-02, v1  }
0x1c1: {  	v7 =	vld [tilespmem:s2+$0xA060];
	v2 =	vmul.f32 $6.250000000e-02, v2  }
0x1c2: {  	v8 =	vld [tilespmem:s2+$0xA070];
	[tilespmem:s2+$0xA000] =	vst v1;
	v1 =	vmul.f32 $6.250000000e-02, v3  }
0x1c3: {  	v9 =	vld [tilespmem:s2+$0xA080];
	[tilespmem:s2+$0xA010] =	vst v2;
	v2 =	vmul.f32 $6.250000000e-02, v4  }
0x1c4: {  	v10 =	vld [tilespmem:s2+$0xA090];
	[tilespmem:s2+$0xA020] =	vst v1;
	v1 =	vmul.f32 $6.250000000e-02, v5  }
0x1c5: {  	v3 =	vmul.f32 $6.250000000e-02, v6;
	[tilespmem:s2+$0xA030] =	vst v2;
	v2 =	vld [tilespmem:s2+$0xA0A0]  }
0x1c6: {  	v4 =	vmul.f32 $6.250000000e-02, v7;
	[tilespmem:s2+$0xA040] =	vst v1;
	v1 =	vld [tilespmem:s2+$0xA0B0]  }
0x1c7: {  	[tilespmem:s2+$0xA050] =	vst v3;
	v3 =	vld [tilespmem:s2+$0xA0C0];
	v5 =	vmul.f32 $6.250000000e-02, v8  }
0x1c8: {  	v7 =	vmul.f32 $6.250000000e-02, v9;
	[tilespmem:s2+$0xA060] =	vst v4;
	v4 =	vld [tilespmem:s2+$0xA0D0]  }
0x1c9: {  	s17 =	simm.s32 $0x400;
	v6 =	vmul.f32 $6.250000000e-02, v10;
	[tilespmem:s2+$0xA070] =	vst v5;
	v5 =	vld [tilespmem:s2+$0xA0E0]  }
.LBB2_14:
0x1ca: {  	s18 =	sshra.s32 s17, $0x2;
	p0 =	sne.s32 s17, $0xFC00;
	[tilespmem:s2+$0xA080] =	vst v7;
	v2 =	vmul.f32 $6.250000000e-02, v2;
	v7 =	vld [tilespmem:s2+$0xA0F0]  }
0x1cb: {  	v8 =	vld [tilespmem:s18+$0xA000];
	[tilespmem:s2+$0xA090] =	vst v6;
	v1 =	vmul.f32 $6.250000000e-02, v1  }
0x1cc: {  	v6 =	vld [tilespmem:s18+$0xA010];
	[tilespmem:s2+$0xA0A0] =	vst v2;
	v2 =	vmul.f32 $6.250000000e-02, v3  }
0x1cd: {  	v3 =	vld [tilespmem:s18+$0xA020];
	[tilespmem:s2+$0xA0B0] =	vst v1;
	v1 =	vmul.f32 $6.250000000e-02, v4  }
0x1ce: {  	v4 =	vld [tilespmem:s18+$0xA030];
	[tilespmem:s2+$0xA0C0] =	vst v2;
	v2 =	vmul.f32 $6.250000000e-02, v5  }
0x1cf: {  	v5 =	vld [tilespmem:s18+$0xA040];
	[tilespmem:s2+$0xA0D0] =	vst v1;
	v1 =	vmul.f32 $6.250000000e-02, v7  }
0x1d0: {  	v7 =	vmul.f32 $6.250000000e-02, v8;
	v8 =	vld [tilespmem:s18+$0xA050];
	[tilespmem:s2+$0xA0E0] =	vst v2  }
0x1d1: {  	v2 =	vmul.f32 $6.250000000e-02, v6;
	v6 =	vld [tilespmem:s18+$0xA060];
	[tilespmem:s2+$0xA0F0] =	vst v1;
	s2 =	smov.u32 s18  }
0x1d2: {  	[tilespmem:s2+$0xA000] =	vst v7;
	v1 =	vmul.f32 $6.250000000e-02, v3;
	v3 =	vld [tilespmem:s2+$0xA070]  }
0x1d3: {  	[tilespmem:s2+$0xA010] =	vst v2;
	v2 =	vmul.f32 $6.250000000e-02, v4;
	v4 =	vld [tilespmem:s2+$0xA080]  }
0x1d4: {  	[tilespmem:s2+$0xA020] =	vst v1;
	v1 =	vmul.f32 $6.250000000e-02, v5;
	v5 =	vld [tilespmem:s2+$0xA090]  }
.Ltmp6:
0x1d5: {  	[tilespmem:s2+$0xA030] =	vst v2;
	v7 =	vmul.f32 $6.250000000e-02, v8;
	v2 =	vld [tilespmem:s2+$0xA0A0];
	(pc) =	sbr.rel @p0 .LBB2_14-.Ltmp6, $4  }
0x1d6: {  	[tilespmem:s2+$0xA040] =	vst v1;
	v6 =	vmul.f32 $6.250000000e-02, v6;
	v1 =	vld [tilespmem:s2+$0xA0B0]  }
0x1d7: {  	[tilespmem:s2+$0xA050] =	vst v7;
	v8 =	vmul.f32 $6.250000000e-02, v3;
	v3 =	vld [tilespmem:s2+$0xA0C0]  }
0x1d8: {  	[tilespmem:s2+$0xA060] =	vst v6;
	v7 =	vmul.f32 $6.250000000e-02, v4;
	v4 =	vld [tilespmem:s2+$0xA0D0]  }
0x1d9: {  	s17 =	sadd.s32 $0x400, s17;
	[tilespmem:s2+$0xA070] =	vst v8;
	v6 =	vmul.f32 $6.250000000e-02, v5;
	v5 =	vld [tilespmem:s2+$0xA0E0]  }
0x1da: {  	[tilespmem:s2+$0xA080] =	vst v7;
	v2 =	vmul.f32 $6.250000000e-02, v2;
	v7 =	vld [tilespmem:s2+$0xA0F0]  }
0x1db: {  	[tilespmem:s2+$0xA090] =	vst v6;
	v1 =	vmul.f32 $6.250000000e-02, v1  }
0x1dc: {  	[tilespmem:s2+$0xA0A0] =	vst v2;
	v2 =	vmul.f32 $6.250000000e-02, v3  }
0x1dd: {  	[tilespmem:s2+$0xA0B0] =	vst v1;
	v1 =	vmul.f32 $6.250000000e-02, v4  }
0x1de: {  	[tilespmem:s2+$0xA0C0] =	vst v2;
	v2 =	vmul.f32 $6.250000000e-02, v5  }
0x1df: {  	[tilespmem:s2+$0xA0D0] =	vst v1;
	v1 =	vmul.f32 $6.250000000e-02, v7  }
0x1e0: {  	[tilespmem:s2+$0xA0E0] =	vst v2  }
0x1e1: {  	s18 =	simm.s32 $0x0;
	[tilespmem:s2+$0xA0F0] =	vst v1  }
0x1e2: {  	[hbm4b:s8+s18] =	stream.linear.scatter [tilespmem:s16], [sflag:$0x5], $0x4000, $0x38;
	[tilespmem:$0x12000] =	vst v63  }
0x1e3: {  	_ =	swait.ge [sflag:s28], $0x4000  }
0x1e4: {  	[sflag:s28] =	ssyncset.done $0x0  }
0x1e5: {  	[sflag:s28] =	ssyncadd.s32 $0xFFFFC000  }
0x1e6: {  	_ =	swait.ge [sflag:s28], $0x4000  }
0x1e7: {  	[sflag:s28] =	ssyncset.done $0x0  }
0x1e8: {  	[sflag:s28] =	ssyncadd.s32 $0xFFFFC000  }
0x1e9: {  	_ =	swait.ge [sflag:s28], $0x4000  }
0x1ea: {  	[sflag:s28] =	ssyncset.done $0x0  }
0x1eb: {  	[sflag:s28] =	ssyncadd.s32 $0xFFFFC000  }
0x1ec: {  	_ =	swait.ge [sflag:s28], $0x4000  }
0x1ed: {  	[sflag:s28] =	ssyncset.done $0x0  }
0x1ee: {  	[sflag:s28] =	ssyncadd.s32 $0xFFFFC000  }
0x1ef: {  	_ =	swait.ge [sflag:s28], $0x4000  }
0x1f0: {  	[sflag:s28] =	ssyncset.done $0x0  }
0x1f1: {  	[sflag:s28] =	ssyncadd.s32 $0xFFFFC000  }
0x1f2: {  	_ =	swait.ge [sflag:s28], $0x4000  }
0x1f3: {  	[sflag:s28] =	ssyncset.done $0x0  }
0x1f4: {  	[sflag:s28] =	ssyncadd.s32 $0xFFFFC000  }
0x1f5: {  	_ =	swait.ge [sflag:s28], $0x4000  }
0x1f6: {  	[sflag:s28] =	ssyncset.done $0x0  }
0x1f7: {  	[sflag:s28] =	ssyncadd.s32 $0xFFFFC000  }
0x1f8: {  	_ =	swait.ge [sflag:s28], $0x4000  }
0x1f9: {  	[sflag:s28] =	ssyncset.done $0x0  }
0x1fa: {  	[sflag:s28] =	ssyncadd.s32 $0xFFFFC000  }
0x1fb: {  	_ =	swait.ge [sflag:s28], $0x4000  }
0x1fc: {  	[sflag:s28] =	ssyncset.done $0x0  }
0x1fd: {  	[sflag:s28] =	ssyncadd.s32 $0xFFFFC000  }
0x1fe: {  	_ =	swait.ge [sflag:s28], $0x4000  }
0x1ff: {  	[sflag:s28] =	ssyncset.done $0x0  }
0x200: {  	[sflag:s28] =	ssyncadd.s32 $0xFFFFC000  }
0x201: {  	_ =	swait.ge [sflag:s28], $0x4000  }
0x202: {  	[sflag:s28] =	ssyncset.done $0x0  }
0x203: {  	[sflag:s28] =	ssyncadd.s32 $0xFFFFC000  }
0x204: {  	_ =	swait.ge [sflag:s28], $0x4000  }
0x205: {  	[sflag:s28] =	ssyncset.done $0x0  }
0x206: {  	[sflag:s28] =	ssyncadd.s32 $0xFFFFC000  }
0x207: {  	_ =	swait.ge [sflag:s28], $0x4000  }
0x208: {  	[sflag:s28] =	ssyncset.done $0x0  }
0x209: {  	[sflag:s28] =	ssyncadd.s32 $0xFFFFC000  }
0x20a: {  	_ =	swait.ge [sflag:s28], $0x4000  }
0x20b: {  	[sflag:s28] =	ssyncset.done $0x0  }
0x20c: {  	[sflag:s28] =	ssyncadd.s32 $0xFFFFC000  }
0x20d: {  	_ =	swait.ge [sflag:s28], $0x4000  }
0x20e: {  	[sflag:s28] =	ssyncset.done $0x0  }
0x20f: {  	[sflag:s28] =	ssyncadd.s32 $0xFFFFC000  }
0x210: {  	_ =	swait.ge [sflag:s28], $0x4000  }
0x211: {  	[sflag:s28] =	ssyncset.done $0x0  }
0x212: {  	s2 =	simm.s32 $0x0;
	[sflag:s28] =	ssyncadd.s32 $0xFFFFC000  }
0x213: {  	v1 =	vld [tilespmem:s2+$0xE000]  }
0x214: {  	v2 =	vld [tilespmem:s2+$0xE010]  }
0x215: {  	v3 =	vld [tilespmem:s2+$0xE020]  }
0x216: {  	v4 =	vld [tilespmem:s2+$0xE030]  }
0x217: {  	v5 =	vld [tilespmem:s2+$0xE040]  }
0x218: {  	v6 =	vld [tilespmem:s2+$0xE050];
	v1 =	vmul.f32 $6.250000000e-02, v1  }
0x219: {  	v7 =	vld [tilespmem:s2+$0xE060];
	v2 =	vmul.f32 $6.250000000e-02, v2  }
0x21a: {  	v8 =	vld [tilespmem:s2+$0xE070];
	[tilespmem:s2+$0xE000] =	vst v1;
	v1 =	vmul.f32 $6.250000000e-02, v3  }
0x21b: {  	v9 =	vld [tilespmem:s2+$0xE080];
	[tilespmem:s2+$0xE010] =	vst v2;
	v2 =	vmul.f32 $6.250000000e-02, v4  }
0x21c: {  	v10 =	vld [tilespmem:s2+$0xE090];
	[tilespmem:s2+$0xE020] =	vst v1;
	v1 =	vmul.f32 $6.250000000e-02, v5  }
0x21d: {  	v3 =	vmul.f32 $6.250000000e-02, v6;
	[tilespmem:s2+$0xE030] =	vst v2;
	v2 =	vld [tilespmem:s2+$0xE0A0]  }
0x21e: {  	v4 =	vmul.f32 $6.250000000e-02, v7;
	[tilespmem:s2+$0xE040] =	vst v1;
	v1 =	vld [tilespmem:s2+$0xE0B0]  }
0x21f: {  	[tilespmem:s2+$0xE050] =	vst v3;
	v3 =	vld [tilespmem:s2+$0xE0C0];
	v5 =	vmul.f32 $6.250000000e-02, v8  }
0x220: {  	v7 =	vmul.f32 $6.250000000e-02, v9;
	[tilespmem:s2+$0xE060] =	vst v4;
	v4 =	vld [tilespmem:s2+$0xE0D0]  }
0x221: {  	s17 =	simm.s32 $0x400;
	v6 =	vmul.f32 $6.250000000e-02, v10;
	[tilespmem:s2+$0xE070] =	vst v5;
	v5 =	vld [tilespmem:s2+$0xE0E0]  }
.LBB2_16:
0x222: {  	s18 =	sshra.s32 s17, $0x2;
	p0 =	sne.s32 s17, $0xFC00;
	[tilespmem:s2+$0xE080] =	vst v7;
	v2 =	vmul.f32 $6.250000000e-02, v2;
	v7 =	vld [tilespmem:s2+$0xE0F0]  }
0x223: {  	v8 =	vld [tilespmem:s18+$0xE000];
	[tilespmem:s2+$0xE090] =	vst v6;
	v1 =	vmul.f32 $6.250000000e-02, v1  }
0x224: {  	v6 =	vld [tilespmem:s18+$0xE010];
	[tilespmem:s2+$0xE0A0] =	vst v2;
	v2 =	vmul.f32 $6.250000000e-02, v3  }
0x225: {  	v3 =	vld [tilespmem:s18+$0xE020];
	[tilespmem:s2+$0xE0B0] =	vst v1;
	v1 =	vmul.f32 $6.250000000e-02, v4  }
0x226: {  	v4 =	vld [tilespmem:s18+$0xE030];
	[tilespmem:s2+$0xE0C0] =	vst v2;
	v2 =	vmul.f32 $6.250000000e-02, v5  }
0x227: {  	v5 =	vld [tilespmem:s18+$0xE040];
	[tilespmem:s2+$0xE0D0] =	vst v1;
	v1 =	vmul.f32 $6.250000000e-02, v7  }
0x228: {  	v7 =	vmul.f32 $6.250000000e-02, v8;
	v8 =	vld [tilespmem:s18+$0xE050];
	[tilespmem:s2+$0xE0E0] =	vst v2  }
0x229: {  	v2 =	vmul.f32 $6.250000000e-02, v6;
	v6 =	vld [tilespmem:s18+$0xE060];
	[tilespmem:s2+$0xE0F0] =	vst v1;
	s2 =	smov.u32 s18  }
0x22a: {  	[tilespmem:s2+$0xE000] =	vst v7;
	v1 =	vmul.f32 $6.250000000e-02, v3;
	v3 =	vld [tilespmem:s2+$0xE070]  }
0x22b: {  	[tilespmem:s2+$0xE010] =	vst v2;
	v2 =	vmul.f32 $6.250000000e-02, v4;
	v4 =	vld [tilespmem:s2+$0xE080]  }
0x22c: {  	[tilespmem:s2+$0xE020] =	vst v1;
	v1 =	vmul.f32 $6.250000000e-02, v5;
	v5 =	vld [tilespmem:s2+$0xE090]  }
.Ltmp7:
0x22d: {  	[tilespmem:s2+$0xE030] =	vst v2;
	v7 =	vmul.f32 $6.250000000e-02, v8;
	v2 =	vld [tilespmem:s2+$0xE0A0];
	(pc) =	sbr.rel @p0 .LBB2_16-.Ltmp7, $4  }
0x22e: {  	[tilespmem:s2+$0xE040] =	vst v1;
	v6 =	vmul.f32 $6.250000000e-02, v6;
	v1 =	vld [tilespmem:s2+$0xE0B0]  }
0x22f: {  	[tilespmem:s2+$0xE050] =	vst v7;
	v8 =	vmul.f32 $6.250000000e-02, v3;
	v3 =	vld [tilespmem:s2+$0xE0C0]  }
0x230: {  	[tilespmem:s2+$0xE060] =	vst v6;
	v7 =	vmul.f32 $6.250000000e-02, v4;
	v4 =	vld [tilespmem:s2+$0xE0D0]  }
0x231: {  	s17 =	sadd.s32 $0x400, s17;
	[tilespmem:s2+$0xE070] =	vst v8;
	v6 =	vmul.f32 $6.250000000e-02, v5;
	v5 =	vld [tilespmem:s2+$0xE0E0]  }
0x232: {  	[tilespmem:s2+$0xE080] =	vst v7;
	v2 =	vmul.f32 $6.250000000e-02, v2;
	v63 =	vld [tilespmem:s2+$0xE0F0]  }
0x233: {  	[tilespmem:s2+$0xE090] =	vst v6;
	v1 =	vmul.f32 $6.250000000e-02, v1  }
0x234: {  	[tilespmem:s2+$0xE0A0] =	vst v2;
	v2 =	vmul.f32 $6.250000000e-02, v3  }
0x235: {  	[tilespmem:s2+$0xE0B0] =	vst v1;
	v1 =	vmul.f32 $6.250000000e-02, v4  }
0x236: {  	[tilespmem:s2+$0xE0C0] =	vst v2;
	v2 =	vmul.f32 $6.250000000e-02, v5  }
0x237: {  	[tilespmem:s2+$0xE0D0] =	vst v1;
	v1 =	vmul.f32 $6.250000000e-02, v63  }
0x238: {  	[tilespmem:s2+$0xE0E0] =	vst v2  }
0x239: {  	[tilespmem:s2+$0xE0F0] =	vst v1  }
0x23a: {  	[hbm4b:s9+s3] =	stream.linear.scatter [tilespmem:s20], [sflag:$0x5], $0x4000, $0x38;
	[tilespmem:$0x12000] =	vst v63  }
0x23b: {  	_ =	swait.ge [sflag:s13], $0x4000  }
0x23c: {  	[sflag:s13] =	ssyncset.done $0x0  }
0x23d: {  	[sflag:s13] =	ssyncadd.s32 $0xFFFFC000  }
0x23e: {  	_ =	swait.ge [sflag:s13], $0x4000  }
0x23f: {  	[sflag:s13] =	ssyncset.done $0x0  }
0x240: {  	s29 =	sadd.s32 $0x1, s29;
	[sflag:s13] =	ssyncadd.s32 $0xFFFFC000  }
0x241: {  	p0 =	sne.s32 s29, s10;
	_ =	swait.ge [sflag:s13], $0x4000  }
.Ltmp8:
0x242: {  	[sflag:s13] =	ssyncset.done $0x0;
	(pc) =	sbr.rel @p0 .LBB2_1-.Ltmp8, $4  }
0x243: {  	[sflag:s13] =	ssyncadd.s32 $0xFFFFC000  }
0x244: {  	_ =	swait.ge [sflag:s13], $0x4000  }
0x245: {  	[sflag:s13] =	ssyncset.done $0x0  }
0x246: {  	[sflag:s13] =	ssyncadd.s32 $0xFFFFC000  }
0x247: {  	_ =	sfence.sel $0x180000  }
0x248: {  	[bflag:$0x0] =	sbarrier.arrive $0xFFFF  }
0x249: {  	_ =	strace $0x90000047  }
0x24a: {  	s0 =	stileid.u32;
	[bflag:$0x2] =	sbarrier.arrive $0xFFFF  }
0x24b: {  	p0 =	sne.s32 s0, $0x0;
	s0 =	rddreg [dreg:$0x3]  }
0x24c: {  	s0 =	sadd.s32 @!p0 $0x100000, s0  }
0x24d: {  	[sflag:s0] =	ssyncadd.tile.s32 @!p0 $0x1;
	_ =	shalt  }
.Lfunc_end2:
_tile_overlayer_lowered:
.L_overlay_start_2:
0x24e: {  	(tag) =	ssettag $0x2  }
0x24f: {  	s0 =	rddreg [dreg:$0x0];
	s2 =	stileid.u32  }
0x250: {  	s1 =	rddreg [dreg:$0x1];
	p0 =	sne.s32 s2, $0x0  }
0x251: {  	s3 =	rddreg [dreg:$0x2];
	[bflag:$0x3] =	sbarrier.arrive $0xFFFF;
	s2 =	simm.s32 @!p0 $0x1C06  }
0x252: {  	[timem:s3], [sflag:s2] =	dma.local @!p0 [hbm:s0], s1  }
0x253: {  	s0 =	simm.s32 @!p0 $0x6  }
0x254: {  	_ =	swait.ge @!p0 [sflag:s0], s1  }
0x255: {  	s1 =	ssub.s32 @!p0 $0x0, s1;
	[sflag:s0] =	ssyncset.done @!p0 $0x0  }
0x256: {  	[sflag:s0] =	ssyncadd.s32 @!p0 s1  }
0x257: {  	[bflag:$0x3] =	sbarrier.arrive $0xFFFF  }
0x258: {  	_ =	shalt  }

</sc_bundles>
